<compile_context>
chip_gen: v7x
topology: tpu7x:2x2x1
jax: 0.10.2.dev20260603
libtpu: 0.0.44.dev20260713+nightly
codegen_flags: <defaults>
</compile_context>

<pallas_src>
import functools

import jax
import jax.numpy as jnp
from jax import lax
from jax.experimental import pallas as pl
from jax.experimental.pallas import tpu as pltpu
from jax.experimental.pallas import tpu_sc as plsc

NUM_CLASS = 1000
N_CTX = 16
CTX_DIM = 512
SEQ_LEN = 77
SUFFIX_LEN = SEQ_LEN - 1 - N_CTX
SUF_PAD = 64
BATCH = 1024
TOK_PAD = 80
BUF_ROWS = N_CTX + SUF_PAD

NC = 2
NS = 16
NW = NC * NS
BW = BATCH // NW
NBUF = 2

_mesh = plsc.VectorSubcoreMesh(core_axis_name="c", subcore_axis_name="s",
                               num_cores=NC, num_subcores=NS)


_OUT_TYPE = [
    jax.ShapeDtypeStruct((BATCH, SEQ_LEN, CTX_DIM), jnp.float32),
    jax.ShapeDtypeStruct((BATCH, TOK_PAD), jnp.int32),
]
_SCRATCH_TYPES = [
    pltpu.VMEM((BW,), jnp.int32),
    pltpu.VMEM((BW, N_CTX), jnp.int32),
    pltpu.VMEM((BW, SUF_PAD), jnp.int32),
    pltpu.VMEM((BW, TOK_PAD), jnp.int32),
    pltpu.VMEM((BW, CTX_DIM), jnp.float32),
    pltpu.VMEM((BUF_ROWS, CTX_DIM), jnp.float32),
    pltpu.VMEM((BUF_ROWS, CTX_DIM), jnp.float32),
    pltpu.SemaphoreType.DMA,
    pltpu.SemaphoreType.DMA,
    pltpu.SemaphoreType.DMA,
    pltpu.SemaphoreType.DMA,
    pltpu.SemaphoreType.DMA,
    pltpu.SemaphoreType.DMA,
]


def _prompt_gather_body(ctx2, prefix2, suffix2, tokp, label,
                   prompts, tok_out,
                   labels_v, ctx_idx, suf_idx, tok_rows, pref_rows,
                   buf0, buf1, gsem0, gsem1, wsem0, wsem1, tsem, psem):
    wid = lax.axis_index("s") * NC + lax.axis_index("c")
    base = wid * BW
    bufs = (buf0, buf1)
    gsems = (gsem0, gsem1)
    wsems = (wsem0, wsem1)

    pltpu.sync_copy(label.at[pl.ds(base, BW)], labels_v)

    tok_cp = pltpu.make_async_copy(tokp.at[labels_v], tok_rows, tsem)
    tok_cp.start()
    pref_cp = pltpu.make_async_copy(prefix2.at[labels_v], pref_rows, psem)
    pref_cp.start()

    iota16 = lax.iota(jnp.int32, 16)
    z16 = jnp.minimum(labels_v[pl.ds(0, 16)], 0)
    for b in range(BW):
        lb = plsc.load_gather(labels_v, [z16 + b])
        ctx_idx[b, :] = lb * N_CTX + iota16
        for c in range(4):
            j = iota16 + c * 16
            if c == 3:
                j = jnp.minimum(j, SUFFIX_LEN - 1)
            suf_idx[b, pl.ds(c * 16, 16)] = lb * SUFFIX_LEN + j

    pref_cp.wait()

    def start_gather(b, k):
        buf, sem = bufs[k], gsems[k]
        pltpu.make_async_copy(
            ctx2.at[ctx_idx.at[b]],
            buf.at[pl.ds(0, N_CTX)], sem).start()
        pltpu.make_async_copy(
            suffix2.at[suf_idx.at[b]],
            buf.at[pl.ds(N_CTX, SUF_PAD)], sem).start()

    def wait_gather(k):
        pltpu.make_async_copy(ctx2.at[pl.ds(0, BUF_ROWS)], bufs[k], gsems[k]).wait()

    def start_write(b, k):
        pltpu.make_async_copy(
            pref_rows.at[pl.ds(b, 1)],
            prompts.at[base + b, pl.ds(0, 1)], wsems[k]).start()
        pltpu.make_async_copy(
            bufs[k].at[pl.ds(0, SEQ_LEN - 1)],
            prompts.at[base + b, pl.ds(1, SEQ_LEN - 1)], wsems[k]).start()

    def wait_write(b, k):
        pltpu.make_async_copy(bufs[k].at[pl.ds(0, SEQ_LEN)],
                              prompts.at[base + b], wsems[k]).wait()

    for k in range(NBUF):
        start_gather(k, k)

    def pipe_body(g, carry):
        for k in range(NBUF):
            b = g * NBUF + k
            wait_gather(k)
            start_write(b, k)
        for k in range(NBUF):
            b = g * NBUF + k
            bn = b + NBUF

            @pl.when(bn < BW)
            def _():
                wait_write(b, k)
                start_gather(bn, k)

        return carry

    lax.fori_loop(0, BW // NBUF, pipe_body, 0)

    for k in range(NBUF):
        wait_write(BW - NBUF + k, k)

    tok_cp.wait()
    tok_w = pltpu.make_async_copy(tok_rows, tok_out.at[pl.ds(base, BW)], tsem)
    tok_w.start()
    tok_w.wait()


_prompt_gather = pl.kernel(
    _prompt_gather_body,
    mesh=_mesh,
    compiler_params=pltpu.CompilerParams(use_tc_tiling_on_sc=False,
                                         needs_layout_passes=False),
    out_type=_OUT_TYPE,
    scratch_types=_SCRATCH_TYPES,
)


@jax.jit
def kernel(ctx, token_prefix, token_suffix, tokenized, label):
    ctx2 = ctx.reshape(NUM_CLASS * N_CTX, CTX_DIM)
    prefix2 = token_prefix.reshape(NUM_CLASS, CTX_DIM)
    suffix2 = token_suffix.reshape(NUM_CLASS * SUFFIX_LEN, CTX_DIM)
    tokp = jnp.pad(tokenized, ((0, 0), (0, TOK_PAD - SEQ_LEN)))
    prompts, tokg = _prompt_gather(ctx2, prefix2, suffix2, tokp,
                                   label.astype(jnp.int32))
    return prompts, tokg[:, :SEQ_LEN]

# --- scband reference (transcript-rebuilt; emitter-appended) ---
"""Pipeline reference for scband-global-prompt-learner-17875653886540 (READ-ONLY COPY).

The authoritative reference and input builder live on the scoring server;
editing this copy changes nothing except your own understanding.
"""

import jax, jax.numpy as jnp
import numpy as np

NUM_CLASS = 1000
N_CTX = 16
CTX_DIM = 512
SEQ_LEN = 77
SUFFIX_LEN = SEQ_LEN - 1 - N_CTX  # 60
BATCH = 1024


def setup_inputs(seed: int = 0) -> dict:
    key = jax.random.key(seed)
    k1, k2, k3, k4, k5 = jax.random.split(key, 5)
    # learned class-specific context vectors (nn.Parameter init with std=0.02)
    ctx = jax.random.normal(k1, (NUM_CLASS, N_CTX, CTX_DIM), dtype=jnp.float32) * 0.02
    # frozen token embeddings (registered buffers)
    token_prefix = jax.random.normal(k2, (NUM_CLASS, 1, CTX_DIM), dtype=jnp.float32)
    token_suffix = jax.random.normal(k3, (NUM_CLASS, SUFFIX_LEN, CTX_DIM), dtype=jnp.float32)
    tokenized = jax.random.randint(k4, (NUM_CLASS, SEQ_LEN), 0, 49408, dtype=jnp.int32)
    label = jax.random.randint(k5, (BATCH,), 0, NUM_CLASS, dtype=jnp.int64) if jax.config.jax_enable_x64 else jax.random.randint(k5, (BATCH,), 0, NUM_CLASS, dtype=jnp.int32)
    return {"ctx": ctx, "token_prefix": token_prefix, "token_suffix": token_suffix, "tokenized": tokenized, "label": label}


def reference(ctx, token_prefix, token_suffix, tokenized, label):
    # forward(label): gather class-specific rows (embedding lookup) then concat
    ctx_g = jnp.take(ctx, label, axis=0)            # [B, n_ctx, dim]
    prefix_g = jnp.take(token_prefix, label, axis=0)  # [B, 1, dim]
    suffix_g = jnp.take(token_suffix, label, axis=0)  # [B, suffix_len, dim]
    tok_g = jnp.take(tokenized, label, axis=0)       # [B, seq_len]
    # class_token_position == 'end'
    prompts = jnp.concatenate([prefix_g, ctx_g, suffix_g], axis=1)  # [B, 77, dim]
    return (prompts, tok_g)

if __name__ == "__main__":
    import jax
    _d = setup_inputs()
    print(jax.jit(kernel)(*tuple(_d.values())))

</pallas_src>

<mosaic_0001>
#map = affine_map<(d0, d1) -> (0, 0)>
#map1 = affine_map<(d0, d1) -> (0)>
#map2 = affine_map<(d0, d1) -> (0, 0, 0)>
module attributes {stable_mosaic.version = 14 : i64} {
  func.func @_prompt_gather_body(%arg0: i32, %arg1: i32, %arg2: memref<16000x512xf32, #tpu.memory_space<hbm>>, %arg3: memref<1000x512xf32, #tpu.memory_space<hbm>>, %arg4: memref<60000x512xf32, #tpu.memory_space<hbm>>, %arg5: memref<1000x80xi32, #tpu.memory_space<hbm>>, %arg6: memref<1024xi32, #tpu.memory_space<hbm>>, %arg7: memref<1024x77x512xf32, #tpu.memory_space<hbm>>, %arg8: memref<1024x80xi32, #tpu.memory_space<hbm>>, %arg9: memref<32xi32, #tpu.memory_space<vmem>>, %arg10: memref<32x16xi32, #tpu.memory_space<vmem>>, %arg11: memref<32x64xi32, #tpu.memory_space<vmem>>, %arg12: memref<32x80xi32, #tpu.memory_space<vmem>>, %arg13: memref<32x512xf32, #tpu.memory_space<vmem>>, %arg14: memref<80x512xf32, #tpu.memory_space<vmem>>, %arg15: memref<80x512xf32, #tpu.memory_space<vmem>>, %arg16: memref<!tpu.dma_semaphore, #tpu.memory_space<semaphore_mem>>, %arg17: memref<!tpu.dma_semaphore, #tpu.memory_space<semaphore_mem>>, %arg18: memref<!tpu.dma_semaphore, #tpu.memory_space<semaphore_mem>>, %arg19: memref<!tpu.dma_semaphore, #tpu.memory_space<semaphore_mem>>, %arg20: memref<!tpu.dma_semaphore, #tpu.memory_space<semaphore_mem>>, %arg21: memref<!tpu.dma_semaphore, #tpu.memory_space<semaphore_mem>>) attributes {dimension_semantics = [#tpu.dimension_semantics<core_parallel>, #tpu.dimension_semantics<subcore_parallel>], iteration_bounds = array<i64: 2, 16>, scalar_prefetch = 0 : i64, scratch_operands = 13 : i64, tpu.core_type = #tpu.core_type<sc_vector_subcore>, window_params = [{transform_indices = #map}, {transform_indices = #map}, {transform_indices = #map}, {transform_indices = #map}, {transform_indices = #map1}, {transform_indices = #map2}, {transform_indices = #map}]} {
    %mul3A = arith.constant 2 : i32
    %mul3A_0 = arith.muli %arg1, %mul3A : i32
    %add3A = arith.addi %mul3A_0, %arg0 : i32
    %mul3A_1 = arith.constant 32 : i32
    %mul3A_2 = arith.muli %add3A, %mul3A_1 : i32
    "tpu.region"() ({
      %run_scoped3A = tpu.sem_alloc : memref<!tpu.dma_semaphore, #tpu.memory_space<semaphore_mem>>
      %dma_start3A_1987 = tpu.memref_slice %arg6[%mul3A_2] : memref<1024xi32, #tpu.memory_space<hbm>> -> memref<32xi32, #tpu.memory_space<hbm>>
      %dma_start3A_1988 = tpu.memref_slice %arg6[%mul3A_2] : memref<1024xi32, #tpu.memory_space<hbm>> -> memref<32xi32, #tpu.memory_space<hbm>>
      tpu.enqueue_dma source(%dma_start3A_1988 : memref<32xi32, #tpu.memory_space<hbm>>) target(%arg9 : memref<32xi32, #tpu.memory_space<vmem>>) target_semaphore(%run_scoped3A : memref<!tpu.dma_semaphore, #tpu.memory_space<semaphore_mem>>)
      %dma_wait3A_1989 = tpu.memref_slice %arg6[%mul3A_2] : memref<1024xi32, #tpu.memory_space<hbm>> -> memref<32xi32, #tpu.memory_space<hbm>>
      %dma_wait3A_1990 = tpu.memref_slice %arg6[%mul3A_2] : memref<1024xi32, #tpu.memory_space<hbm>> -> memref<32xi32, #tpu.memory_space<hbm>>
      tpu.wait_dma2 semaphore(%run_scoped3A : memref<!tpu.dma_semaphore, #tpu.memory_space<semaphore_mem>>) src(%dma_wait3A_1990 : memref<32xi32, #tpu.memory_space<hbm>>) dst(%arg9 : memref<32xi32, #tpu.memory_space<vmem>>)
      tpu.yield
    }) : () -> ()
    %dma_start3A = arith.constant 0 : i32
    %dma_start3A_3 = arith.constant 0 : i32
    %dma_start3A_4 = tpu.memref_slice %arg5[%dma_start3A, %dma_start3A_3] : memref<1000x80xi32, #tpu.memory_space<hbm>> -> memref<1000x80xi32, #tpu.memory_space<hbm>>
    tpu.enqueue_indirect_dma source(%dma_start3A_4 : memref<1000x80xi32, #tpu.memory_space<hbm>>) target(%arg12 : memref<32x80xi32, #tpu.memory_space<vmem>>) offsets(%arg9 : memref<32xi32, #tpu.memory_space<vmem>>) semaphore(%arg20 : memref<!tpu.dma_semaphore, #tpu.memory_space<semaphore_mem>>)
    %dma_start3A_5 = arith.constant 0 : i32
    %dma_start3A_6 = arith.constant 0 : i32
    %dma_start3A_7 = tpu.memref_slice %arg3[%dma_start3A_5, %dma_start3A_6] : memref<1000x512xf32, #tpu.memory_space<hbm>> -> memref<1000x512xf32, #tpu.memory_space<hbm>>
    tpu.enqueue_indirect_dma source(%dma_start3A_7 : memref<1000x512xf32, #tpu.memory_space<hbm>>) target(%arg13 : memref<32x512xf32, #tpu.memory_space<vmem>>) offsets(%arg9 : memref<32xi32, #tpu.memory_space<vmem>>) semaphore(%arg21 : memref<!tpu.dma_semaphore, #tpu.memory_space<semaphore_mem>>)
    %iota3A = tpu.iota {dimensions = array<i32: 0>} : vector<16xi32>
    %get3A = arith.constant 0 : index
    %get3A_8 = tpu.vector_load %arg9[%get3A] {strides = array<i32>} : memref<32xi32, #tpu.memory_space<vmem>>, vector<16xi32>,
    %min3A = arith.constant 0 : i32
    %min3A_9 = vector.broadcast %min3A : i32 to vector<16xi32>
    %min3A_10 = arith.minsi %get3A_8, %min3A_9 : vector<16xi32>
    %add3A_11 = arith.constant 0 : i32
    %add3A_12 = vector.broadcast %add3A_11 : i32 to vector<16xi32>
    %add3A_13 = arith.addi %min3A_10, %add3A_12 : vector<16xi32>
    %gather3A = tpu.vector_load_idx %arg9[%add3A_13] : memref<32xi32, #tpu.memory_space<vmem>>[vector<16xi32>], vector<16xi32>,
    %mul3A_14 = arith.constant 16 : i32
    %mul3A_15 = vector.broadcast %mul3A_14 : i32 to vector<16xi32>
    %mul3A_16 = arith.muli %gather3A, %mul3A_15 : vector<16xi32>
    %add3A_17 = arith.addi %mul3A_16, %iota3A : vector<16xi32>
    %swap3A = arith.constant 0 : i32
    %swap3A_18 = arith.index_cast %swap3A : i32 to index
    %swap3A_19 = arith.constant 0 : index
    %swap3A_20 = tpu.vector_load %arg10[%swap3A_18, %swap3A_19] {strides = array<i32>} : memref<32x16xi32, #tpu.memory_space<vmem>>, vector<16xi32>,
    tpu.vector_store %arg10[%swap3A_18, %swap3A_19], %add3A_17 {strides = array<i32>} : memref<32x16xi32, #tpu.memory_space<vmem>>, vector<16xi32>,
    %add3A_21 = arith.constant 0 : i32
    %add3A_22 = vector.broadcast %add3A_21 : i32 to vector<16xi32>
    %add3A_23 = arith.addi %iota3A, %add3A_22 : vector<16xi32>
    %mul3A_24 = arith.constant 60 : i32
    %mul3A_25 = vector.broadcast %mul3A_24 : i32 to vector<16xi32>
    %mul3A_26 = arith.muli %gather3A, %mul3A_25 : vector<16xi32>
    %add3A_27 = arith.addi %mul3A_26, %add3A_23 : vector<16xi32>
    %swap3A_28 = arith.constant 0 : i32
    %swap3A_29 = arith.index_cast %swap3A_28 : i32 to index
    %swap3A_30 = arith.constant 0 : index
    %swap3A_31 = tpu.vector_load %arg11[%swap3A_29, %swap3A_30] {strides = array<i32>} : memref<32x64xi32, #tpu.memory_space<vmem>>, vector<16xi32>,
    tpu.vector_store %arg11[%swap3A_29, %swap3A_30], %add3A_27 {strides = array<i32>} : memref<32x64xi32, #tpu.memory_space<vmem>>, vector<16xi32>,
    %add3A_32 = arith.constant 16 : i32
    %add3A_33 = vector.broadcast %add3A_32 : i32 to vector<16xi32>
    %add3A_34 = arith.addi %iota3A, %add3A_33 : vector<16xi32>
    %mul3A_35 = arith.constant 60 : i32
    %mul3A_36 = vector.broadcast %mul3A_35 : i32 to vector<16xi32>
    %mul3A_37 = arith.muli %gather3A, %mul3A_36 : vector<16xi32>
    %add3A_38 = arith.addi %mul3A_37, %add3A_34 : vector<16xi32>
    %swap3A_39 = arith.constant 0 : i32
    %swap3A_40 = arith.index_cast %swap3A_39 : i32 to index
    %swap3A_41 = arith.constant 16 : index
    %swap3A_42 = tpu.vector_load %arg11[%swap3A_40, %swap3A_41] {strides = array<i32>} : memref<32x64xi32, #tpu.memory_space<vmem>>, vector<16xi32>,
    tpu.vector_store %arg11[%swap3A_40, %swap3A_41], %add3A_38 {strides = array<i32>} : memref<32x64xi32, #tpu.memory_space<vmem>>, vector<16xi32>,
    %add3A_43 = arith.constant 32 : i32
    %add3A_44 = vector.broadcast %add3A_43 : i32 to vector<16xi32>
    %add3A_45 = arith.addi %iota3A, %add3A_44 : vector<16xi32>
    %mul3A_46 = arith.constant 60 : i32
    %mul3A_47 = vector.broadcast %mul3A_46 : i32 to vector<16xi32>
    %mul3A_48 = arith.muli %gather3A, %mul3A_47 : vector<16xi32>
    %add3A_49 = arith.addi %mul3A_48, %add3A_45 : vector<16xi32>
    %swap3A_50 = arith.constant 0 : i32
    %swap3A_51 = arith.index_cast %swap3A_50 : i32 to index
    %swap3A_52 = arith.constant 32 : index
    %swap3A_53 = tpu.vector_load %arg11[%swap3A_51, %swap3A_52] {strides = array<i32>} : memref<32x64xi32, #tpu.memory_space<vmem>>, vector<16xi32>,
    tpu.vector_store %arg11[%swap3A_51, %swap3A_52], %add3A_49 {strides = array<i32>} : memref<32x64xi32, #tpu.memory_space<vmem>>, vector<16xi32>,
    %add3A_54 = arith.constant 48 : i32
    %add3A_55 = vector.broadcast %add3A_54 : i32 to vector<16xi32>
    %add3A_56 = arith.addi %iota3A, %add3A_55 : vector<16xi32>
    %min3A_57 = arith.constant 59 : i32
    %min3A_58 = vector.broadcast %min3A_57 : i32 to vector<16xi32>
    %min3A_59 = arith.minsi %add3A_56, %min3A_58 : vector<16xi32>
    %mul3A_60 = arith.constant 60 : i32
    %mul3A_61 = vector.broadcast %mul3A_60 : i32 to vector<16xi32>
    %mul3A_62 = arith.muli %gather3A, %mul3A_61 : vector<16xi32>
    %add3A_63 = arith.addi %mul3A_62, %min3A_59 : vector<16xi32>
    %swap3A_64 = arith.constant 0 : i32
    %swap3A_65 = arith.index_cast %swap3A_64 : i32 to index
    %swap3A_66 = arith.constant 48 : index
    %swap3A_67 = tpu.vector_load %arg11[%swap3A_65, %swap3A_66] {strides = array<i32>} : memref<32x64xi32, #tpu.memory_space<vmem>>, vector<16xi32>,
    tpu.vector_store %arg11[%swap3A_65, %swap3A_66], %add3A_63 {strides = array<i32>} : memref<32x64xi32, #tpu.memory_space<vmem>>, vector<16xi32>,
    %add3A_68 = arith.constant 1 : i32
    %add3A_69 = vector.broadcast %add3A_68 : i32 to vector<16xi32>
    %add3A_70 = arith.addi %min3A_10, %add3A_69 : vector<16xi32>
    %gather3A_71 = tpu.vector_load_idx %arg9[%add3A_70] : memref<32xi32, #tpu.memory_space<vmem>>[vector<16xi32>], vector<16xi32>,
    %mul3A_72 = arith.constant 16 : i32
    %mul3A_73 = vector.broadcast %mul3A_72 : i32 to vector<16xi32>
    %mul3A_74 = arith.muli %gather3A_71, %mul3A_73 : vector<16xi32>
    %add3A_75 = arith.addi %mul3A_74, %iota3A : vector<16xi32>
    %swap3A_76 = arith.constant 1 : i32
    %swap3A_77 = arith.index_cast %swap3A_76 : i32 to index
    %swap3A_78 = arith.constant 0 : index
    %swap3A_79 = tpu.vector_load %arg10[%swap3A_77, %swap3A_78] {strides = array<i32>} : memref<32x16xi32, #tpu.memory_space<vmem>>, vector<16xi32>,
    tpu.vector_store %arg10[%swap3A_77, %swap3A_78], %add3A_75 {strides = array<i32>} : memref<32x16xi32, #tpu.memory_space<vmem>>, vector<16xi32>,
    %add3A_80 = arith.constant 0 : i32
    %add3A_81 = vector.broadcast %add3A_80 : i32 to vector<16xi32>
    %add3A_82 = arith.addi %iota3A, %add3A_81 : vector<16xi32>
    %mul3A_83 = arith.constant 60 : i32
    %mul3A_84 = vector.broadcast %mul3A_83 : i32 to vector<16xi32>
    %mul3A_85 = arith.muli %gather3A_71, %mul3A_84 : vector<16xi32>
    %add3A_86 = arith.addi %mul3A_85, %add3A_82 : vector<16xi32>
    %swap3A_87 = arith.constant 1 : i32
    %swap3A_88 = arith.index_cast %swap3A_87 : i32 to index
    %swap3A_89 = arith.constant 0 : index
    %swap3A_90 = tpu.vector_load %arg11[%swap3A_88, %swap3A_89] {strides = array<i32>} : memref<32x64xi32, #tpu.memory_space<vmem>>, vector<16xi32>,
    tpu.vector_store %arg11[%swap3A_88, %swap3A_89], %add3A_86 {strides = array<i32>} : memref<32x64xi32, #tpu.memory_space<vmem>>, vector<16xi32>,
    %add3A_91 = arith.constant 16 : i32
    %add3A_92 = vector.broadcast %add3A_91 : i32 to vector<16xi32>
    %add3A_93 = arith.addi %iota3A, %add3A_92 : vector<16xi32>
    %mul3A_94 = arith.constant 60 : i32
    %mul3A_95 = vector.broadcast %mul3A_94 : i32 to vector<16xi32>
    %mul3A_96 = arith.muli %gather3A_71, %mul3A_95 : vector<16xi32>
    %add3A_97 = arith.addi %mul3A_96, %add3A_93 : vector<16xi32>
    %swap3A_98 = arith.constant 1 : i32
    %swap3A_99 = arith.index_cast %swap3A_98 : i32 to index
    %swap3A_100 = arith.constant 16 : index
    %swap3A_101 = tpu.vector_load %arg11[%swap3A_99, %swap3A_100] {strides = array<i32>} : memref<32x64xi32, #tpu.memory_space<vmem>>, vector<16xi32>,
    tpu.vector_store %arg11[%swap3A_99, %swap3A_100], %add3A_97 {strides = array<i32>} : memref<32x64xi32, #tpu.memory_space<vmem>>, vector<16xi32>,
    %add3A_102 = arith.constant 32 : i32
    %add3A_103 = vector.broadcast %add3A_102 : i32 to vector<16xi32>
    %add3A_104 = arith.addi %iota3A, %add3A_103 : vector<16xi32>
    %mul3A_105 = arith.constant 60 : i32
    %mul3A_106 = vector.broadcast %mul3A_105 : i32 to vector<16xi32>
    %mul3A_107 = arith.muli %gather3A_71, %mul3A_106 : vector<16xi32>
    %add3A_108 = arith.addi %mul3A_107, %add3A_104 : vector<16xi32>
    %swap3A_109 = arith.constant 1 : i32
    %swap3A_110 = arith.index_cast %swap3A_109 : i32 to index
    %swap3A_111 = arith.constant 32 : index
    %swap3A_112 = tpu.vector_load %arg11[%swap3A_110, %swap3A_111] {strides = array<i32>} : memref<32x64xi32, #tpu.memory_space<vmem>>, vector<16xi32>,
    tpu.vector_store %arg11[%swap3A_110, %swap3A_111], %add3A_108 {strides = array<i32>} : memref<32x64xi32, #tpu.memory_space<vmem>>, vector<16xi32>,
    %add3A_113 = arith.constant 48 : i32
    %add3A_114 = vector.broadcast %add3A_113 : i32 to vector<16xi32>
    %add3A_115 = arith.addi %iota3A, %add3A_114 : vector<16xi32>
    %min3A_116 = arith.constant 59 : i32
    %min3A_117 = vector.broadcast %min3A_116 : i32 to vector<16xi32>
    %min3A_118 = arith.minsi %add3A_115, %min3A_117 : vector<16xi32>
    %mul3A_119 = arith.constant 60 : i32
    %mul3A_120 = vector.broadcast %mul3A_119 : i32 to vector<16xi32>
    %mul3A_121 = arith.muli %gather3A_71, %mul3A_120 : vector<16xi32>
    %add3A_122 = arith.addi %mul3A_121, %min3A_118 : vector<16xi32>
    %swap3A_123 = arith.constant 1 : i32
    %swap3A_124 = arith.index_cast %swap3A_123 : i32 to index
    %swap3A_125 = arith.constant 48 : index
    %swap3A_126 = tpu.vector_load %arg11[%swap3A_124, %swap3A_125] {strides = array<i32>} : memref<32x64xi32, #tpu.memory_space<vmem>>, vector<16xi32>,
    tpu.vector_store %arg11[%swap3A_124, %swap3A_125], %add3A_122 {strides = array<i32>} : memref<32x64xi32, #tpu.memory_space<vmem>>, vector<16xi32>,
    %add3A_127 = arith.constant 2 : i32
    %add3A_128 = vector.broadcast %add3A_127 : i32 to vector<16xi32>
    %add3A_129 = arith.addi %min3A_10, %add3A_128 : vector<16xi32>
    %gather3A_130 = tpu.vector_load_idx %arg9[%add3A_129] : memref<32xi32, #tpu.memory_space<vmem>>[vector<16xi32>], vector<16xi32>,
    %mul3A_131 = arith.constant 16 : i32
    %mul3A_132 = vector.broadcast %mul3A_131 : i32 to vector<16xi32>
    %mul3A_133 = arith.muli %gather3A_130, %mul3A_132 : vector<16xi32>
    %add3A_134 = arith.addi %mul3A_133, %iota3A : vector<16xi32>
    %swap3A_135 = arith.constant 2 : i32
    %swap3A_136 = arith.index_cast %swap3A_135 : i32 to index
    %swap3A_137 = arith.constant 0 : index
    %swap3A_138 = tpu.vector_load %arg10[%swap3A_136, %swap3A_137] {strides = array<i32>} : memref<32x16xi32, #tpu.memory_space<vmem>>, vector<16xi32>,
    tpu.vector_store %arg10[%swap3A_136, %swap3A_137], %add3A_134 {strides = array<i32>} : memref<32x16xi32, #tpu.memory_space<vmem>>, vector<16xi32>,
    %add3A_139 = arith.constant 0 : i32
    %add3A_140 = vector.broadcast %add3A_139 : i32 to vector<16xi32>
    %add3A_141 = arith.addi %iota3A, %add3A_140 : vector<16xi32>
    %mul3A_142 = arith.constant 60 : i32
    %mul3A_143 = vector.broadcast %mul3A_142 : i32 to vector<16xi32>
    %mul3A_144 = arith.muli %gather3A_130, %mul3A_143 : vector<16xi32>
    %add3A_145 = arith.addi %mul3A_144, %add3A_141 : vector<16xi32>
    %swap3A_146 = arith.constant 2 : i32
    %swap3A_147 = arith.index_cast %swap3A_146 : i32 to index
    %swap3A_148 = arith.constant 0 : index
    %swap3A_149 = tpu.vector_load %arg11[%swap3A_147, %swap3A_148] {strides = array<i32>} : memref<32x64xi32, #tpu.memory_space<vmem>>, vector<16xi32>,
    tpu.vector_store %arg11[%swap3A_147, %swap3A_148], %add3A_145 {strides = array<i32>} : memref<32x64xi32, #tpu.memory_space<vmem>>, vector<16xi32>,
    %add3A_150 = arith.constant 16 : i32
    %add3A_151 = vector.broadcast %add3A_150 : i32 to vector<16xi32>
    %add3A_152 = arith.addi %iota3A, %add3A_151 : vector<16xi32>
    %mul3A_153 = arith.constant 60 : i32
    %mul3A_154 = vector.broadcast %mul3A_153 : i32 to vector<16xi32>
    %mul3A_155 = arith.muli %gather3A_130, %mul3A_154 : vector<16xi32>
    %add3A_156 = arith.addi %mul3A_155, %add3A_152 : vector<16xi32>
    %swap3A_157 = arith.constant 2 : i32
    %swap3A_158 = arith.index_cast %swap3A_157 : i32 to index
    %swap3A_159 = arith.constant 16 : index
    %swap3A_160 = tpu.vector_load %arg11[%swap3A_158, %swap3A_159] {strides = array<i32>} : memref<32x64xi32, #tpu.memory_space<vmem>>, vector<16xi32>,
    tpu.vector_store %arg11[%swap3A_158, %swap3A_159], %add3A_156 {strides = array<i32>} : memref<32x64xi32, #tpu.memory_space<vmem>>, vector<16xi32>,
    %add3A_161 = arith.constant 32 : i32
    %add3A_162 = vector.broadcast %add3A_161 : i32 to vector<16xi32>
    %add3A_163 = arith.addi %iota3A, %add3A_162 : vector<16xi32>
    %mul3A_164 = arith.constant 60 : i32
    %mul3A_165 = vector.broadcast %mul3A_164 : i32 to vector<16xi32>
    %mul3A_166 = arith.muli %gather3A_130, %mul3A_165 : vector<16xi32>
    %add3A_167 = arith.addi %mul3A_166, %add3A_163 : vector<16xi32>
    %swap3A_168 = arith.constant 2 : i32
    %swap3A_169 = arith.index_cast %swap3A_168 : i32 to index
    %swap3A_170 = arith.constant 32 : index
    %swap3A_171 = tpu.vector_load %arg11[%swap3A_169, %swap3A_170] {strides = array<i32>} : memref<32x64xi32, #tpu.memory_space<vmem>>, vector<16xi32>,
    tpu.vector_store %arg11[%swap3A_169, %swap3A_170], %add3A_167 {strides = array<i32>} : memref<32x64xi32, #tpu.memory_space<vmem>>, vector<16xi32>,
    %add3A_172 = arith.constant 48 : i32
    %add3A_173 = vector.broadcast %add3A_172 : i32 to vector<16xi32>
    %add3A_174 = arith.addi %iota3A, %add3A_173 : vector<16xi32>
    %min3A_175 = arith.constant 59 : i32
    %min3A_176 = vector.broadcast %min3A_175 : i32 to vector<16xi32>
    %min3A_177 = arith.minsi %add3A_174, %min3A_176 : vector<16xi32>
    %mul3A_178 = arith.constant 60 : i32
    %mul3A_179 = vector.broadcast %mul3A_178 : i32 to vector<16xi32>
    %mul3A_180 = arith.muli %gather3A_130, %mul3A_179 : vector<16xi32>
    %add3A_181 = arith.addi %mul3A_180, %min3A_177 : vector<16xi32>
    %swap3A_182 = arith.constant 2 : i32
    %swap3A_183 = arith.index_cast %swap3A_182 : i32 to index
    %swap3A_184 = arith.constant 48 : index
    %swap3A_185 = tpu.vector_load %arg11[%swap3A_183, %swap3A_184] {strides = array<i32>} : memref<32x64xi32, #tpu.memory_space<vmem>>, vector<16xi32>,
    tpu.vector_store %arg11[%swap3A_183, %swap3A_184], %add3A_181 {strides = array<i32>} : memref<32x64xi32, #tpu.memory_space<vmem>>, vector<16xi32>,
    %add3A_186 = arith.constant 3 : i32
    %add3A_187 = vector.broadcast %add3A_186 : i32 to vector<16xi32>
    %add3A_188 = arith.addi %min3A_10, %add3A_187 : vector<16xi32>
    %gather3A_189 = tpu.vector_load_idx %arg9[%add3A_188] : memref<32xi32, #tpu.memory_space<vmem>>[vector<16xi32>], vector<16xi32>,
    %mul3A_190 = arith.constant 16 : i32
    %mul3A_191 = vector.broadcast %mul3A_190 : i32 to vector<16xi32>
    %mul3A_192 = arith.muli %gather3A_189, %mul3A_191 : vector<16xi32>
    %add3A_193 = arith.addi %mul3A_192, %iota3A : vector<16xi32>
    %swap3A_194 = arith.constant 3 : i32
    %swap3A_195 = arith.index_cast %swap3A_194 : i32 to index
    %swap3A_196 = arith.constant 0 : index
    %swap3A_197 = tpu.vector_load %arg10[%swap3A_195, %swap3A_196] {strides = array<i32>} : memref<32x16xi32, #tpu.memory_space<vmem>>, vector<16xi32>,
    tpu.vector_store %arg10[%swap3A_195, %swap3A_196], %add3A_193 {strides = array<i32>} : memref<32x16xi32, #tpu.memory_space<vmem>>, vector<16xi32>,
    %add3A_198 = arith.constant 0 : i32
    %add3A_199 = vector.broadcast %add3A_198 : i32 to vector<16xi32>
    %add3A_200 = arith.addi %iota3A, %add3A_199 : vector<16xi32>
    %mul3A_201 = arith.constant 60 : i32
    %mul3A_202 = vector.broadcast %mul3A_201 : i32 to vector<16xi32>
    %mul3A_203 = arith.muli %gather3A_189, %mul3A_202 : vector<16xi32>
    %add3A_204 = arith.addi %mul3A_203, %add3A_200 : vector<16xi32>
    %swap3A_205 = arith.constant 3 : i32
    %swap3A_206 = arith.index_cast %swap3A_205 : i32 to index
    %swap3A_207 = arith.constant 0 : index
    %swap3A_208 = tpu.vector_load %arg11[%swap3A_206, %swap3A_207] {strides = array<i32>} : memref<32x64xi32, #tpu.memory_space<vmem>>, vector<16xi32>,
    tpu.vector_store %arg11[%swap3A_206, %swap3A_207], %add3A_204 {strides = array<i32>} : memref<32x64xi32, #tpu.memory_space<vmem>>, vector<16xi32>,
    %add3A_209 = arith.constant 16 : i32
    %add3A_210 = vector.broadcast %add3A_209 : i32 to vector<16xi32>
    %add3A_211 = arith.addi %iota3A, %add3A_210 : vector<16xi32>
    %mul3A_212 = arith.constant 60 : i32
    %mul3A_213 = vector.broadcast %mul3A_212 : i32 to vector<16xi32>
    %mul3A_214 = arith.muli %gather3A_189, %mul3A_213 : vector<16xi32>
    %add3A_215 = arith.addi %mul3A_214, %add3A_211 : vector<16xi32>
    %swap3A_216 = arith.constant 3 : i32
    %swap3A_217 = arith.index_cast %swap3A_216 : i32 to index
    %swap3A_218 = arith.constant 16 : index
    %swap3A_219 = tpu.vector_load %arg11[%swap3A_217, %swap3A_218] {strides = array<i32>} : memref<32x64xi32, #tpu.memory_space<vmem>>, vector<16xi32>,
    tpu.vector_store %arg11[%swap3A_217, %swap3A_218], %add3A_215 {strides = array<i32>} : memref<32x64xi32, #tpu.memory_space<vmem>>, vector<16xi32>,
    %add3A_220 = arith.constant 32 : i32
    %add3A_221 = vector.broadcast %add3A_220 : i32 to vector<16xi32>
    %add3A_222 = arith.addi %iota3A, %add3A_221 : vector<16xi32>
    %mul3A_223 = arith.constant 60 : i32
    %mul3A_224 = vector.broadcast %mul3A_223 : i32 to vector<16xi32>
    %mul3A_225 = arith.muli %gather3A_189, %mul3A_224 : vector<16xi32>
    %add3A_226 = arith.addi %mul3A_225, %add3A_222 : vector<16xi32>
    %swap3A_227 = arith.constant 3 : i32
    %swap3A_228 = arith.index_cast %swap3A_227 : i32 to index
    %swap3A_229 = arith.constant 32 : index
    %swap3A_230 = tpu.vector_load %arg11[%swap3A_228, %swap3A_229] {strides = array<i32>} : memref<32x64xi32, #tpu.memory_space<vmem>>, vector<16xi32>,
    tpu.vector_store %arg11[%swap3A_228, %swap3A_229], %add3A_226 {strides = array<i32>} : memref<32x64xi32, #tpu.memory_space<vmem>>, vector<16xi32>,
    %add3A_231 = arith.constant 48 : i32
    %add3A_232 = vector.broadcast %add3A_231 : i32 to vector<16xi32>
    %add3A_233 = arith.addi %iota3A, %add3A_232 : vector<16xi32>
    %min3A_234 = arith.constant 59 : i32
    %min3A_235 = vector.broadcast %min3A_234 : i32 to vector<16xi32>
    %min3A_236 = arith.minsi %add3A_233, %min3A_235 : vector<16xi32>
    %mul3A_237 = arith.constant 60 : i32
    %mul3A_238 = vector.broadcast %mul3A_237 : i32 to vector<16xi32>
    %mul3A_239 = arith.muli %gather3A_189, %mul3A_238 : vector<16xi32>
    %add3A_240 = arith.addi %mul3A_239, %min3A_236 : vector<16xi32>
    %swap3A_241 = arith.constant 3 : i32
    %swap3A_242 = arith.index_cast %swap3A_241 : i32 to index
    %swap3A_243 = arith.constant 48 : index
    %swap3A_244 = tpu.vector_load %arg11[%swap3A_242, %swap3A_243] {strides = array<i32>} : memref<32x64xi32, #tpu.memory_space<vmem>>, vector<16xi32>,
    tpu.vector_store %arg11[%swap3A_242, %swap3A_243], %add3A_240 {strides = array<i32>} : memref<32x64xi32, #tpu.memory_space<vmem>>, vector<16xi32>,
    %add3A_245 = arith.constant 4 : i32
    %add3A_246 = vector.broadcast %add3A_245 : i32 to vector<16xi32>
    %add3A_247 = arith.addi %min3A_10, %add3A_246 : vector<16xi32>
    %gather3A_248 = tpu.vector_load_idx %arg9[%add3A_247] : memref<32xi32, #tpu.memory_space<vmem>>[vector<16xi32>], vector<16xi32>,
    %mul3A_249 = arith.constant 16 : i32
    %mul3A_250 = vector.broadcast %mul3A_249 : i32 to vector<16xi32>
    %mul3A_251 = arith.muli %gather3A_248, %mul3A_250 : vector<16xi32>
    %add3A_252 = arith.addi %mul3A_251, %iota3A : vector<16xi32>
    %swap3A_253 = arith.constant 4 : i32
    %swap3A_254 = arith.index_cast %swap3A_253 : i32 to index
    %swap3A_255 = arith.constant 0 : index
    %swap3A_256 = tpu.vector_load %arg10[%swap3A_254, %swap3A_255] {strides = array<i32>} : memref<32x16xi32, #tpu.memory_space<vmem>>, vector<16xi32>,
    tpu.vector_store %arg10[%swap3A_254, %swap3A_255], %add3A_252 {strides = array<i32>} : memref<32x16xi32, #tpu.memory_space<vmem>>, vector<16xi32>,
    %add3A_257 = arith.constant 0 : i32
    %add3A_258 = vector.broadcast %add3A_257 : i32 to vector<16xi32>
    %add3A_259 = arith.addi %iota3A, %add3A_258 : vector<16xi32>
    %mul3A_260 = arith.constant 60 : i32
    %mul3A_261 = vector.broadcast %mul3A_260 : i32 to vector<16xi32>
    %mul3A_262 = arith.muli %gather3A_248, %mul3A_261 : vector<16xi32>
    %add3A_263 = arith.addi %mul3A_262, %add3A_259 : vector<16xi32>
    %swap3A_264 = arith.constant 4 : i32
    %swap3A_265 = arith.index_cast %swap3A_264 : i32 to index
    %swap3A_266 = arith.constant 0 : index
    %swap3A_267 = tpu.vector_load %arg11[%swap3A_265, %swap3A_266] {strides = array<i32>} : memref<32x64xi32, #tpu.memory_space<vmem>>, vector<16xi32>,
    tpu.vector_store %arg11[%swap3A_265, %swap3A_266], %add3A_263 {strides = array<i32>} : memref<32x64xi32, #tpu.memory_space<vmem>>, vector<16xi32>,
    %add3A_268 = arith.constant 16 : i32
    %add3A_269 = vector.broadcast %add3A_268 : i32 to vector<16xi32>
    %add3A_270 = arith.addi %iota3A, %add3A_269 : vector<16xi32>
    %mul3A_271 = arith.constant 60 : i32
    %mul3A_272 = vector.broadcast %mul3A_271 : i32 to vector<16xi32>
    %mul3A_273 = arith.muli %gather3A_248, %mul3A_272 : vector<16xi32>
    %add3A_274 = arith.addi %mul3A_273, %add3A_270 : vector<16xi32>
    %swap3A_275 = arith.constant 4 : i32
    %swap3A_276 = arith.index_cast %swap3A_275 : i32 to index
    %swap3A_277 = arith.constant 16 : index
    %swap3A_278 = tpu.vector_load %arg11[%swap3A_276, %swap3A_277] {strides = array<i32>} : memref<32x64xi32, #tpu.memory_space<vmem>>, vector<16xi32>,
    tpu.vector_store %arg11[%swap3A_276, %swap3A_277], %add3A_274 {strides = array<i32>} : memref<32x64xi32, #tpu.memory_space<vmem>>, vector<16xi32>,
    %add3A_279 = arith.constant 32 : i32
    %add3A_280 = vector.broadcast %add3A_279 : i32 to vector<16xi32>
    %add3A_281 = arith.addi %iota3A, %add3A_280 : vector<16xi32>
    %mul3A_282 = arith.constant 60 : i32
    %mul3A_283 = vector.broadcast %mul3A_282 : i32 to vector<16xi32>
    %mul3A_284 = arith.muli %gather3A_248, %mul3A_283 : vector<16xi32>
    %add3A_285 = arith.addi %mul3A_284, %add3A_281 : vector<16xi32>
    %swap3A_286 = arith.constant 4 : i32
    %swap3A_287 = arith.index_cast %swap3A_286 : i32 to index
    %swap3A_288 = arith.constant 32 : index
    %swap3A_289 = tpu.vector_load %arg11[%swap3A_287, %swap3A_288] {strides = array<i32>} : memref<32x64xi32, #tpu.memory_space<vmem>>, vector<16xi32>,
    tpu.vector_store %arg11[%swap3A_287, %swap3A_288], %add3A_285 {strides = array<i32>} : memref<32x64xi32, #tpu.memory_space<vmem>>, vector<16xi32>,
    %add3A_290 = arith.constant 48 : i32
    %add3A_291 = vector.broadcast %add3A_290 : i32 to vector<16xi32>
    %add3A_292 = arith.addi %iota3A, %add3A_291 : vector<16xi32>
    %min3A_293 = arith.constant 59 : i32
    %min3A_294 = vector.broadcast %min3A_293 : i32 to vector<16xi32>
    %min3A_295 = arith.minsi %add3A_292, %min3A_294 : vector<16xi32>
    %mul3A_296 = arith.constant 60 : i32
    %mul3A_297 = vector.broadcast %mul3A_296 : i32 to vector<16xi32>
    %mul3A_298 = arith.muli %gather3A_248, %mul3A_297 : vector<16xi32>
    %add3A_299 = arith.addi %mul3A_298, %min3A_295 : vector<16xi32>
    %swap3A_300 = arith.constant 4 : i32
    %swap3A_301 = arith.index_cast %swap3A_300 : i32 to index
    %swap3A_302 = arith.constant 48 : index
    %swap3A_303 = tpu.vector_load %arg11[%swap3A_301, %swap3A_302] {strides = array<i32>} : memref<32x64xi32, #tpu.memory_space<vmem>>, vector<16xi32>,
    tpu.vector_store %arg11[%swap3A_301, %swap3A_302], %add3A_299 {strides = array<i32>} : memref<32x64xi32, #tpu.memory_space<vmem>>, vector<16xi32>,
    %add3A_304 = arith.constant 5 : i32
    %add3A_305 = vector.broadcast %add3A_304 : i32 to vector<16xi32>
    %add3A_306 = arith.addi %min3A_10, %add3A_305 : vector<16xi32>
    %gather3A_307 = tpu.vector_load_idx %arg9[%add3A_306] : memref<32xi32, #tpu.memory_space<vmem>>[vector<16xi32>], vector<16xi32>,
    %mul3A_308 = arith.constant 16 : i32
    %mul3A_309 = vector.broadcast %mul3A_308 : i32 to vector<16xi32>
    %mul3A_310 = arith.muli %gather3A_307, %mul3A_309 : vector<16xi32>
    %add3A_311 = arith.addi %mul3A_310, %iota3A : vector<16xi32>
    %swap3A_312 = arith.constant 5 : i32
    %swap3A_313 = arith.index_cast %swap3A_312 : i32 to index
    %swap3A_314 = arith.constant 0 : index
    %swap3A_315 = tpu.vector_load %arg10[%swap3A_313, %swap3A_314] {strides = array<i32>} : memref<32x16xi32, #tpu.memory_space<vmem>>, vector<16xi32>,
    tpu.vector_store %arg10[%swap3A_313, %swap3A_314], %add3A_311 {strides = array<i32>} : memref<32x16xi32, #tpu.memory_space<vmem>>, vector<16xi32>,
    %add3A_316 = arith.constant 0 : i32
    %add3A_317 = vector.broadcast %add3A_316 : i32 to vector<16xi32>
    %add3A_318 = arith.addi %iota3A, %add3A_317 : vector<16xi32>
    %mul3A_319 = arith.constant 60 : i32
    %mul3A_320 = vector.broadcast %mul3A_319 : i32 to vector<16xi32>
    %mul3A_321 = arith.muli %gather3A_307, %mul3A_320 : vector<16xi32>
    %add3A_322 = arith.addi %mul3A_321, %add3A_318 : vector<16xi32>
    %swap3A_323 = arith.constant 5 : i32
    %swap3A_324 = arith.index_cast %swap3A_323 : i32 to index
    %swap3A_325 = arith.constant 0 : index
    %swap3A_326 = tpu.vector_load %arg11[%swap3A_324, %swap3A_325] {strides = array<i32>} : memref<32x64xi32, #tpu.memory_space<vmem>>, vector<16xi32>,
    tpu.vector_store %arg11[%swap3A_324, %swap3A_325], %add3A_322 {strides = array<i32>} : memref<32x64xi32, #tpu.memory_space<vmem>>, vector<16xi32>,
    %add3A_327 = arith.constant 16 : i32
    %add3A_328 = vector.broadcast %add3A_327 : i32 to vector<16xi32>
    %add3A_329 = arith.addi %iota3A, %add3A_328 : vector<16xi32>
    %mul3A_330 = arith.constant 60 : i32
    %mul3A_331 = vector.broadcast %mul3A_330 : i32 to vector<16xi32>
    %mul3A_332 = arith.muli %gather3A_307, %mul3A_331 : vector<16xi32>
    %add3A_333 = arith.addi %mul3A_332, %add3A_329 : vector<16xi32>
    %swap3A_334 = arith.constant 5 : i32
    %swap3A_335 = arith.index_cast %swap3A_334 : i32 to index
    %swap3A_336 = arith.constant 16 : index
    %swap3A_337 = tpu.vector_load %arg11[%swap3A_335, %swap3A_336] {strides = array<i32>} : memref<32x64xi32, #tpu.memory_space<vmem>>, vector<16xi32>,
    tpu.vector_store %arg11[%swap3A_335, %swap3A_336], %add3A_333 {strides = array<i32>} : memref<32x64xi32, #tpu.memory_space<vmem>>, vector<16xi32>,
    %add3A_338 = arith.constant 32 : i32
    %add3A_339 = vector.broadcast %add3A_338 : i32 to vector<16xi32>
    %add3A_340 = arith.addi %iota3A, %add3A_339 : vector<16xi32>
    %mul3A_341 = arith.constant 60 : i32
    %mul3A_342 = vector.broadcast %mul3A_341 : i32 to vector<16xi32>
    %mul3A_343 = arith.muli %gather3A_307, %mul3A_342 : vector<16xi32>
    %add3A_344 = arith.addi %mul3A_343, %add3A_340 : vector<16xi32>
    %swap3A_345 = arith.constant 5 : i32
    %swap3A_346 = arith.index_cast %swap3A_345 : i32 to index
    %swap3A_347 = arith.constant 32 : index
    %swap3A_348 = tpu.vector_load %arg11[%swap3A_346, %swap3A_347] {strides = array<i32>} : memref<32x64xi32, #tpu.memory_space<vmem>>, vector<16xi32>,
    tpu.vector_store %arg11[%swap3A_346, %swap3A_347], %add3A_344 {strides = array<i32>} : memref<32x64xi32, #tpu.memory_space<vmem>>, vector<16xi32>,
    %add3A_349 = arith.constant 48 : i32
    %add3A_350 = vector.broadcast %add3A_349 : i32 to vector<16xi32>
    %add3A_351 = arith.addi %iota3A, %add3A_350 : vector<16xi32>
    %min3A_352 = arith.constant 59 : i32
    %min3A_353 = vector.broadcast %min3A_352 : i32 to vector<16xi32>
    %min3A_354 = arith.minsi %add3A_351, %min3A_353 : vector<16xi32>
    %mul3A_355 = arith.constant 60 : i32
    %mul3A_356 = vector.broadcast %mul3A_355 : i32 to vector<16xi32>
    %mul3A_357 = arith.muli %gather3A_307, %mul3A_356 : vector<16xi32>
    %add3A_358 = arith.addi %mul3A_357, %min3A_354 : vector<16xi32>
    %swap3A_359 = arith.constant 5 : i32
    %swap3A_360 = arith.index_cast %swap3A_359 : i32 to index
    %swap3A_361 = arith.constant 48 : index
    %swap3A_362 = tpu.vector_load %arg11[%swap3A_360, %swap3A_361] {strides = array<i32>} : memref<32x64xi32, #tpu.memory_space<vmem>>, vector<16xi32>,
    tpu.vector_store %arg11[%swap3A_360, %swap3A_361], %add3A_358 {strides = array<i32>} : memref<32x64xi32, #tpu.memory_space<vmem>>, vector<16xi32>,
    %add3A_363 = arith.constant 6 : i32
    %add3A_364 = vector.broadcast %add3A_363 : i32 to vector<16xi32>
    %add3A_365 = arith.addi %min3A_10, %add3A_364 : vector<16xi32>
    %gather3A_366 = tpu.vector_load_idx %arg9[%add3A_365] : memref<32xi32, #tpu.memory_space<vmem>>[vector<16xi32>], vector<16xi32>,
    %mul3A_367 = arith.constant 16 : i32
    %mul3A_368 = vector.broadcast %mul3A_367 : i32 to vector<16xi32>
    %mul3A_369 = arith.muli %gather3A_366, %mul3A_368 : vector<16xi32>
    %add3A_370 = arith.addi %mul3A_369, %iota3A : vector<16xi32>
    %swap3A_371 = arith.constant 6 : i32
    %swap3A_372 = arith.index_cast %swap3A_371 : i32 to index
    %swap3A_373 = arith.constant 0 : index
    %swap3A_374 = tpu.vector_load %arg10[%swap3A_372, %swap3A_373] {strides = array<i32>} : memref<32x16xi32, #tpu.memory_space<vmem>>, vector<16xi32>,
    tpu.vector_store %arg10[%swap3A_372, %swap3A_373], %add3A_370 {strides = array<i32>} : memref<32x16xi32, #tpu.memory_space<vmem>>, vector<16xi32>,
    %add3A_375 = arith.constant 0 : i32
    %add3A_376 = vector.broadcast %add3A_375 : i32 to vector<16xi32>
    %add3A_377 = arith.addi %iota3A, %add3A_376 : vector<16xi32>
    %mul3A_378 = arith.constant 60 : i32
    %mul3A_379 = vector.broadcast %mul3A_378 : i32 to vector<16xi32>
    %mul3A_380 = arith.muli %gather3A_366, %mul3A_379 : vector<16xi32>
    %add3A_381 = arith.addi %mul3A_380, %add3A_377 : vector<16xi32>
    %swap3A_382 = arith.constant 6 : i32
    %swap3A_383 = arith.index_cast %swap3A_382 : i32 to index
    %swap3A_384 = arith.constant 0 : index
    %swap3A_385 = tpu.vector_load %arg11[%swap3A_383, %swap3A_384] {strides = array<i32>} : memref<32x64xi32, #tpu.memory_space<vmem>>, vector<16xi32>,
    tpu.vector_store %arg11[%swap3A_383, %swap3A_384], %add3A_381 {strides = array<i32>} : memref<32x64xi32, #tpu.memory_space<vmem>>, vector<16xi32>,
    %add3A_386 = arith.constant 16 : i32
    %add3A_387 = vector.broadcast %add3A_386 : i32 to vector<16xi32>
    %add3A_388 = arith.addi %iota3A, %add3A_387 : vector<16xi32>
    %mul3A_389 = arith.constant 60 : i32
    %mul3A_390 = vector.broadcast %mul3A_389 : i32 to vector<16xi32>
    %mul3A_391 = arith.muli %gather3A_366, %mul3A_390 : vector<16xi32>
    %add3A_392 = arith.addi %mul3A_391, %add3A_388 : vector<16xi32>
    %swap3A_393 = arith.constant 6 : i32
    %swap3A_394 = arith.index_cast %swap3A_393 : i32 to index
    %swap3A_395 = arith.constant 16 : index
    %swap3A_396 = tpu.vector_load %arg11[%swap3A_394, %swap3A_395] {strides = array<i32>} : memref<32x64xi32, #tpu.memory_space<vmem>>, vector<16xi32>,
    tpu.vector_store %arg11[%swap3A_394, %swap3A_395], %add3A_392 {strides = array<i32>} : memref<32x64xi32, #tpu.memory_space<vmem>>, vector<16xi32>,
    %add3A_397 = arith.constant 32 : i32
    %add3A_398 = vector.broadcast %add3A_397 : i32 to vector<16xi32>
    %add3A_399 = arith.addi %iota3A, %add3A_398 : vector<16xi32>
    %mul3A_400 = arith.constant 60 : i32
    %mul3A_401 = vector.broadcast %mul3A_400 : i32 to vector<16xi32>
    %mul3A_402 = arith.muli %gather3A_366, %mul3A_401 : vector<16xi32>
    %add3A_403 = arith.addi %mul3A_402, %add3A_399 : vector<16xi32>
    %swap3A_404 = arith.constant 6 : i32
    %swap3A_405 = arith.index_cast %swap3A_404 : i32 to index
    %swap3A_406 = arith.constant 32 : index
    %swap3A_407 = tpu.vector_load %arg11[%swap3A_405, %swap3A_406] {strides = array<i32>} : memref<32x64xi32, #tpu.memory_space<vmem>>, vector<16xi32>,
    tpu.vector_store %arg11[%swap3A_405, %swap3A_406], %add3A_403 {strides = array<i32>} : memref<32x64xi32, #tpu.memory_space<vmem>>, vector<16xi32>,
    %add3A_408 = arith.constant 48 : i32
    %add3A_409 = vector.broadcast %add3A_408 : i32 to vector<16xi32>
    %add3A_410 = arith.addi %iota3A, %add3A_409 : vector<16xi32>
    %min3A_411 = arith.constant 59 : i32
    %min3A_412 = vector.broadcast %min3A_411 : i32 to vector<16xi32>
    %min3A_413 = arith.minsi %add3A_410, %min3A_412 : vector<16xi32>
    %mul3A_414 = arith.constant 60 : i32
    %mul3A_415 = vector.broadcast %mul3A_414 : i32 to vector<16xi32>
    %mul3A_416 = arith.muli %gather3A_366, %mul3A_415 : vector<16xi32>
    %add3A_417 = arith.addi %mul3A_416, %min3A_413 : vector<16xi32>
    %swap3A_418 = arith.constant 6 : i32
    %swap3A_419 = arith.index_cast %swap3A_418 : i32 to index
    %swap3A_420 = arith.constant 48 : index
    %swap3A_421 = tpu.vector_load %arg11[%swap3A_419, %swap3A_420] {strides = array<i32>} : memref<32x64xi32, #tpu.memory_space<vmem>>, vector<16xi32>,
    tpu.vector_store %arg11[%swap3A_419, %swap3A_420], %add3A_417 {strides = array<i32>} : memref<32x64xi32, #tpu.memory_space<vmem>>, vector<16xi32>,
    %add3A_422 = arith.constant 7 : i32
    %add3A_423 = vector.broadcast %add3A_422 : i32 to vector<16xi32>
    %add3A_424 = arith.addi %min3A_10, %add3A_423 : vector<16xi32>
    %gather3A_425 = tpu.vector_load_idx %arg9[%add3A_424] : memref<32xi32, #tpu.memory_space<vmem>>[vector<16xi32>], vector<16xi32>,
    %mul3A_426 = arith.constant 16 : i32
    %mul3A_427 = vector.broadcast %mul3A_426 : i32 to vector<16xi32>
    %mul3A_428 = arith.muli %gather3A_425, %mul3A_427 : vector<16xi32>
    %add3A_429 = arith.addi %mul3A_428, %iota3A : vector<16xi32>
    %swap3A_430 = arith.constant 7 : i32
    %swap3A_431 = arith.index_cast %swap3A_430 : i32 to index
    %swap3A_432 = arith.constant 0 : index
    %swap3A_433 = tpu.vector_load %arg10[%swap3A_431, %swap3A_432] {strides = array<i32>} : memref<32x16xi32, #tpu.memory_space<vmem>>, vector<16xi32>,
    tpu.vector_store %arg10[%swap3A_431, %swap3A_432], %add3A_429 {strides = array<i32>} : memref<32x16xi32, #tpu.memory_space<vmem>>, vector<16xi32>,
    %add3A_434 = arith.constant 0 : i32
    %add3A_435 = vector.broadcast %add3A_434 : i32 to vector<16xi32>
    %add3A_436 = arith.addi %iota3A, %add3A_435 : vector<16xi32>
    %mul3A_437 = arith.constant 60 : i32
    %mul3A_438 = vector.broadcast %mul3A_437 : i32 to vector<16xi32>
    %mul3A_439 = arith.muli %gather3A_425, %mul3A_438 : vector<16xi32>
    %add3A_440 = arith.addi %mul3A_439, %add3A_436 : vector<16xi32>
    %swap3A_441 = arith.constant 7 : i32
    %swap3A_442 = arith.index_cast %swap3A_441 : i32 to index
    %swap3A_443 = arith.constant 0 : index
    %swap3A_444 = tpu.vector_load %arg11[%swap3A_442, %swap3A_443] {strides = array<i32>} : memref<32x64xi32, #tpu.memory_space<vmem>>, vector<16xi32>,
    tpu.vector_store %arg11[%swap3A_442, %swap3A_443], %add3A_440 {strides = array<i32>} : memref<32x64xi32, #tpu.memory_space<vmem>>, vector<16xi32>,
    %add3A_445 = arith.constant 16 : i32
    %add3A_446 = vector.broadcast %add3A_445 : i32 to vector<16xi32>
    %add3A_447 = arith.addi %iota3A, %add3A_446 : vector<16xi32>
    %mul3A_448 = arith.constant 60 : i32
    %mul3A_449 = vector.broadcast %mul3A_448 : i32 to vector<16xi32>
    %mul3A_450 = arith.muli %gather3A_425, %mul3A_449 : vector<16xi32>
    %add3A_451 = arith.addi %mul3A_450, %add3A_447 : vector<16xi32>
    %swap3A_452 = arith.constant 7 : i32
    %swap3A_453 = arith.index_cast %swap3A_452 : i32 to index
    %swap3A_454 = arith.constant 16 : index
    %swap3A_455 = tpu.vector_load %arg11[%swap3A_453, %swap3A_454] {strides = array<i32>} : memref<32x64xi32, #tpu.memory_space<vmem>>, vector<16xi32>,
    tpu.vector_store %arg11[%swap3A_453, %swap3A_454], %add3A_451 {strides = array<i32>} : memref<32x64xi32, #tpu.memory_space<vmem>>, vector<16xi32>,
    %add3A_456 = arith.constant 32 : i32
    %add3A_457 = vector.broadcast %add3A_456 : i32 to vector<16xi32>
    %add3A_458 = arith.addi %iota3A, %add3A_457 : vector<16xi32>
    %mul3A_459 = arith.constant 60 : i32
    %mul3A_460 = vector.broadcast %mul3A_459 : i32 to vector<16xi32>
    %mul3A_461 = arith.muli %gather3A_425, %mul3A_460 : vector<16xi32>
    %add3A_462 = arith.addi %mul3A_461, %add3A_458 : vector<16xi32>
    %swap3A_463 = arith.constant 7 : i32
    %swap3A_464 = arith.index_cast %swap3A_463 : i32 to index
    %swap3A_465 = arith.constant 32 : index
    %swap3A_466 = tpu.vector_load %arg11[%swap3A_464, %swap3A_465] {strides = array<i32>} : memref<32x64xi32, #tpu.memory_space<vmem>>, vector<16xi32>,
    tpu.vector_store %arg11[%swap3A_464, %swap3A_465], %add3A_462 {strides = array<i32>} : memref<32x64xi32, #tpu.memory_space<vmem>>, vector<16xi32>,
    %add3A_467 = arith.constant 48 : i32
    %add3A_468 = vector.broadcast %add3A_467 : i32 to vector<16xi32>
    %add3A_469 = arith.addi %iota3A, %add3A_468 : vector<16xi32>
    %min3A_470 = arith.constant 59 : i32
    %min3A_471 = vector.broadcast %min3A_470 : i32 to vector<16xi32>
    %min3A_472 = arith.minsi %add3A_469, %min3A_471 : vector<16xi32>
    %mul3A_473 = arith.constant 60 : i32
    %mul3A_474 = vector.broadcast %mul3A_473 : i32 to vector<16xi32>
    %mul3A_475 = arith.muli %gather3A_425, %mul3A_474 : vector<16xi32>
    %add3A_476 = arith.addi %mul3A_475, %min3A_472 : vector<16xi32>
    %swap3A_477 = arith.constant 7 : i32
    %swap3A_478 = arith.index_cast %swap3A_477 : i32 to index
    %swap3A_479 = arith.constant 48 : index
    %swap3A_480 = tpu.vector_load %arg11[%swap3A_478, %swap3A_479] {strides = array<i32>} : memref<32x64xi32, #tpu.memory_space<vmem>>, vector<16xi32>,
    tpu.vector_store %arg11[%swap3A_478, %swap3A_479], %add3A_476 {strides = array<i32>} : memref<32x64xi32, #tpu.memory_space<vmem>>, vector<16xi32>,
    %add3A_481 = arith.constant 8 : i32
    %add3A_482 = vector.broadcast %add3A_481 : i32 to vector<16xi32>
    %add3A_483 = arith.addi %min3A_10, %add3A_482 : vector<16xi32>
    %gather3A_484 = tpu.vector_load_idx %arg9[%add3A_483] : memref<32xi32, #tpu.memory_space<vmem>>[vector<16xi32>], vector<16xi32>,
    %mul3A_485 = arith.constant 16 : i32
    %mul3A_486 = vector.broadcast %mul3A_485 : i32 to vector<16xi32>
    %mul3A_487 = arith.muli %gather3A_484, %mul3A_486 : vector<16xi32>
    %add3A_488 = arith.addi %mul3A_487, %iota3A : vector<16xi32>
    %swap3A_489 = arith.constant 8 : i32
    %swap3A_490 = arith.index_cast %swap3A_489 : i32 to index
    %swap3A_491 = arith.constant 0 : index
    %swap3A_492 = tpu.vector_load %arg10[%swap3A_490, %swap3A_491] {strides = array<i32>} : memref<32x16xi32, #tpu.memory_space<vmem>>, vector<16xi32>,
    tpu.vector_store %arg10[%swap3A_490, %swap3A_491], %add3A_488 {strides = array<i32>} : memref<32x16xi32, #tpu.memory_space<vmem>>, vector<16xi32>,
    %add3A_493 = arith.constant 0 : i32
    %add3A_494 = vector.broadcast %add3A_493 : i32 to vector<16xi32>
    %add3A_495 = arith.addi %iota3A, %add3A_494 : vector<16xi32>
    %mul3A_496 = arith.constant 60 : i32
    %mul3A_497 = vector.broadcast %mul3A_496 : i32 to vector<16xi32>
    %mul3A_498 = arith.muli %gather3A_484, %mul3A_497 : vector<16xi32>
    %add3A_499 = arith.addi %mul3A_498, %add3A_495 : vector<16xi32>
    %swap3A_500 = arith.constant 8 : i32
    %swap3A_501 = arith.index_cast %swap3A_500 : i32 to index
    %swap3A_502 = arith.constant 0 : index
    %swap3A_503 = tpu.vector_load %arg11[%swap3A_501, %swap3A_502] {strides = array<i32>} : memref<32x64xi32, #tpu.memory_space<vmem>>, vector<16xi32>,
    tpu.vector_store %arg11[%swap3A_501, %swap3A_502], %add3A_499 {strides = array<i32>} : memref<32x64xi32, #tpu.memory_space<vmem>>, vector<16xi32>,
    %add3A_504 = arith.constant 16 : i32
    %add3A_505 = vector.broadcast %add3A_504 : i32 to vector<16xi32>
    %add3A_506 = arith.addi %iota3A, %add3A_505 : vector<16xi32>
    %mul3A_507 = arith.constant 60 : i32
    %mul3A_508 = vector.broadcast %mul3A_507 : i32 to vector<16xi32>
    %mul3A_509 = arith.muli %gather3A_484, %mul3A_508 : vector<16xi32>
    %add3A_510 = arith.addi %mul3A_509, %add3A_506 : vector<16xi32>
    %swap3A_511 = arith.constant 8 : i32
    %swap3A_512 = arith.index_cast %swap3A_511 : i32 to index
    %swap3A_513 = arith.constant 16 : index
    %swap3A_514 = tpu.vector_load %arg11[%swap3A_512, %swap3A_513] {strides = array<i32>} : memref<32x64xi32, #tpu.memory_space<vmem>>, vector<16xi32>,
    tpu.vector_store %arg11[%swap3A_512, %swap3A_513], %add3A_510 {strides = array<i32>} : memref<32x64xi32, #tpu.memory_space<vmem>>, vector<16xi32>,
    %add3A_515 = arith.constant 32 : i32
    %add3A_516 = vector.broadcast %add3A_515 : i32 to vector<16xi32>
    %add3A_517 = arith.addi %iota3A, %add3A_516 : vector<16xi32>
    %mul3A_518 = arith.constant 60 : i32
    %mul3A_519 = vector.broadcast %mul3A_518 : i32 to vector<16xi32>
    %mul3A_520 = arith.muli %gather3A_484, %mul3A_519 : vector<16xi32>
    %add3A_521 = arith.addi %mul3A_520, %add3A_517 : vector<16xi32>
    %swap3A_522 = arith.constant 8 : i32
    %swap3A_523 = arith.index_cast %swap3A_522 : i32 to index
    %swap3A_524 = arith.constant 32 : index
    %swap3A_525 = tpu.vector_load %arg11[%swap3A_523, %swap3A_524] {strides = array<i32>} : memref<32x64xi32, #tpu.memory_space<vmem>>, vector<16xi32>,
    tpu.vector_store %arg11[%swap3A_523, %swap3A_524], %add3A_521 {strides = array<i32>} : memref<32x64xi32, #tpu.memory_space<vmem>>, vector<16xi32>,
    %add3A_526 = arith.constant 48 : i32
    %add3A_527 = vector.broadcast %add3A_526 : i32 to vector<16xi32>
    %add3A_528 = arith.addi %iota3A, %add3A_527 : vector<16xi32>
    %min3A_529 = arith.constant 59 : i32
    %min3A_530 = vector.broadcast %min3A_529 : i32 to vector<16xi32>
    %min3A_531 = arith.minsi %add3A_528, %min3A_530 : vector<16xi32>
    %mul3A_532 = arith.constant 60 : i32
    %mul3A_533 = vector.broadcast %mul3A_532 : i32 to vector<16xi32>
    %mul3A_534 = arith.muli %gather3A_484, %mul3A_533 : vector<16xi32>
    %add3A_535 = arith.addi %mul3A_534, %min3A_531 : vector<16xi32>
    %swap3A_536 = arith.constant 8 : i32
    %swap3A_537 = arith.index_cast %swap3A_536 : i32 to index
    %swap3A_538 = arith.constant 48 : index
    %swap3A_539 = tpu.vector_load %arg11[%swap3A_537, %swap3A_538] {strides = array<i32>} : memref<32x64xi32, #tpu.memory_space<vmem>>, vector<16xi32>,
    tpu.vector_store %arg11[%swap3A_537, %swap3A_538], %add3A_535 {strides = array<i32>} : memref<32x64xi32, #tpu.memory_space<vmem>>, vector<16xi32>,
    %add3A_540 = arith.constant 9 : i32
    %add3A_541 = vector.broadcast %add3A_540 : i32 to vector<16xi32>
    %add3A_542 = arith.addi %min3A_10, %add3A_541 : vector<16xi32>
    %gather3A_543 = tpu.vector_load_idx %arg9[%add3A_542] : memref<32xi32, #tpu.memory_space<vmem>>[vector<16xi32>], vector<16xi32>,
    %mul3A_544 = arith.constant 16 : i32
    %mul3A_545 = vector.broadcast %mul3A_544 : i32 to vector<16xi32>
    %mul3A_546 = arith.muli %gather3A_543, %mul3A_545 : vector<16xi32>
    %add3A_547 = arith.addi %mul3A_546, %iota3A : vector<16xi32>
    %swap3A_548 = arith.constant 9 : i32
    %swap3A_549 = arith.index_cast %swap3A_548 : i32 to index
    %swap3A_550 = arith.constant 0 : index
    %swap3A_551 = tpu.vector_load %arg10[%swap3A_549, %swap3A_550] {strides = array<i32>} : memref<32x16xi32, #tpu.memory_space<vmem>>, vector<16xi32>,
    tpu.vector_store %arg10[%swap3A_549, %swap3A_550], %add3A_547 {strides = array<i32>} : memref<32x16xi32, #tpu.memory_space<vmem>>, vector<16xi32>,
    %add3A_552 = arith.constant 0 : i32
    %add3A_553 = vector.broadcast %add3A_552 : i32 to vector<16xi32>
    %add3A_554 = arith.addi %iota3A, %add3A_553 : vector<16xi32>
    %mul3A_555 = arith.constant 60 : i32
    %mul3A_556 = vector.broadcast %mul3A_555 : i32 to vector<16xi32>
    %mul3A_557 = arith.muli %gather3A_543, %mul3A_556 : vector<16xi32>
    %add3A_558 = arith.addi %mul3A_557, %add3A_554 : vector<16xi32>
    %swap3A_559 = arith.constant 9 : i32
    %swap3A_560 = arith.index_cast %swap3A_559 : i32 to index
    %swap3A_561 = arith.constant 0 : index
    %swap3A_562 = tpu.vector_load %arg11[%swap3A_560, %swap3A_561] {strides = array<i32>} : memref<32x64xi32, #tpu.memory_space<vmem>>, vector<16xi32>,
    tpu.vector_store %arg11[%swap3A_560, %swap3A_561], %add3A_558 {strides = array<i32>} : memref<32x64xi32, #tpu.memory_space<vmem>>, vector<16xi32>,
    %add3A_563 = arith.constant 16 : i32
    %add3A_564 = vector.broadcast %add3A_563 : i32 to vector<16xi32>
    %add3A_565 = arith.addi %iota3A, %add3A_564 : vector<16xi32>
    %mul3A_566 = arith.constant 60 : i32
    %mul3A_567 = vector.broadcast %mul3A_566 : i32 to vector<16xi32>
    %mul3A_568 = arith.muli %gather3A_543, %mul3A_567 : vector<16xi32>
    %add3A_569 = arith.addi %mul3A_568, %add3A_565 : vector<16xi32>
    %swap3A_570 = arith.constant 9 : i32
    %swap3A_571 = arith.index_cast %swap3A_570 : i32 to index
    %swap3A_572 = arith.constant 16 : index
    %swap3A_573 = tpu.vector_load %arg11[%swap3A_571, %swap3A_572] {strides = array<i32>} : memref<32x64xi32, #tpu.memory_space<vmem>>, vector<16xi32>,
    tpu.vector_store %arg11[%swap3A_571, %swap3A_572], %add3A_569 {strides = array<i32>} : memref<32x64xi32, #tpu.memory_space<vmem>>, vector<16xi32>,
    %add3A_574 = arith.constant 32 : i32
    %add3A_575 = vector.broadcast %add3A_574 : i32 to vector<16xi32>
    %add3A_576 = arith.addi %iota3A, %add3A_575 : vector<16xi32>
    %mul3A_577 = arith.constant 60 : i32
    %mul3A_578 = vector.broadcast %mul3A_577 : i32 to vector<16xi32>
    %mul3A_579 = arith.muli %gather3A_543, %mul3A_578 : vector<16xi32>
    %add3A_580 = arith.addi %mul3A_579, %add3A_576 : vector<16xi32>
    %swap3A_581 = arith.constant 9 : i32
    %swap3A_582 = arith.index_cast %swap3A_581 : i32 to index
    %swap3A_583 = arith.constant 32 : index
    %swap3A_584 = tpu.vector_load %arg11[%swap3A_582, %swap3A_583] {strides = array<i32>} : memref<32x64xi32, #tpu.memory_space<vmem>>, vector<16xi32>,
    tpu.vector_store %arg11[%swap3A_582, %swap3A_583], %add3A_580 {strides = array<i32>} : memref<32x64xi32, #tpu.memory_space<vmem>>, vector<16xi32>,
    %add3A_585 = arith.constant 48 : i32
    %add3A_586 = vector.broadcast %add3A_585 : i32 to vector<16xi32>
    %add3A_587 = arith.addi %iota3A, %add3A_586 : vector<16xi32>
    %min3A_588 = arith.constant 59 : i32
    %min3A_589 = vector.broadcast %min3A_588 : i32 to vector<16xi32>
    %min3A_590 = arith.minsi %add3A_587, %min3A_589 : vector<16xi32>
    %mul3A_591 = arith.constant 60 : i32
    %mul3A_592 = vector.broadcast %mul3A_591 : i32 to vector<16xi32>
    %mul3A_593 = arith.muli %gather3A_543, %mul3A_592 : vector<16xi32>
    %add3A_594 = arith.addi %mul3A_593, %min3A_590 : vector<16xi32>
    %swap3A_595 = arith.constant 9 : i32
    %swap3A_596 = arith.index_cast %swap3A_595 : i32 to index
    %swap3A_597 = arith.constant 48 : index
    %swap3A_598 = tpu.vector_load %arg11[%swap3A_596, %swap3A_597] {strides = array<i32>} : memref<32x64xi32, #tpu.memory_space<vmem>>, vector<16xi32>,
    tpu.vector_store %arg11[%swap3A_596, %swap3A_597], %add3A_594 {strides = array<i32>} : memref<32x64xi32, #tpu.memory_space<vmem>>, vector<16xi32>,
    %add3A_599 = arith.constant 10 : i32
    %add3A_600 = vector.broadcast %add3A_599 : i32 to vector<16xi32>
    %add3A_601 = arith.addi %min3A_10, %add3A_600 : vector<16xi32>
    %gather3A_602 = tpu.vector_load_idx %arg9[%add3A_601] : memref<32xi32, #tpu.memory_space<vmem>>[vector<16xi32>], vector<16xi32>,
    %mul3A_603 = arith.constant 16 : i32
    %mul3A_604 = vector.broadcast %mul3A_603 : i32 to vector<16xi32>
    %mul3A_605 = arith.muli %gather3A_602, %mul3A_604 : vector<16xi32>
    %add3A_606 = arith.addi %mul3A_605, %iota3A : vector<16xi32>
    %swap3A_607 = arith.constant 10 : i32
    %swap3A_608 = arith.index_cast %swap3A_607 : i32 to index
    %swap3A_609 = arith.constant 0 : index
    %swap3A_610 = tpu.vector_load %arg10[%swap3A_608, %swap3A_609] {strides = array<i32>} : memref<32x16xi32, #tpu.memory_space<vmem>>, vector<16xi32>,
    tpu.vector_store %arg10[%swap3A_608, %swap3A_609], %add3A_606 {strides = array<i32>} : memref<32x16xi32, #tpu.memory_space<vmem>>, vector<16xi32>,
    %add3A_611 = arith.constant 0 : i32
    %add3A_612 = vector.broadcast %add3A_611 : i32 to vector<16xi32>
    %add3A_613 = arith.addi %iota3A, %add3A_612 : vector<16xi32>
    %mul3A_614 = arith.constant 60 : i32
    %mul3A_615 = vector.broadcast %mul3A_614 : i32 to vector<16xi32>
    %mul3A_616 = arith.muli %gather3A_602, %mul3A_615 : vector<16xi32>
    %add3A_617 = arith.addi %mul3A_616, %add3A_613 : vector<16xi32>
    %swap3A_618 = arith.constant 10 : i32
    %swap3A_619 = arith.index_cast %swap3A_618 : i32 to index
    %swap3A_620 = arith.constant 0 : index
    %swap3A_621 = tpu.vector_load %arg11[%swap3A_619, %swap3A_620] {strides = array<i32>} : memref<32x64xi32, #tpu.memory_space<vmem>>, vector<16xi32>,
    tpu.vector_store %arg11[%swap3A_619, %swap3A_620], %add3A_617 {strides = array<i32>} : memref<32x64xi32, #tpu.memory_space<vmem>>, vector<16xi32>,
    %add3A_622 = arith.constant 16 : i32
    %add3A_623 = vector.broadcast %add3A_622 : i32 to vector<16xi32>
    %add3A_624 = arith.addi %iota3A, %add3A_623 : vector<16xi32>
    %mul3A_625 = arith.constant 60 : i32
    %mul3A_626 = vector.broadcast %mul3A_625 : i32 to vector<16xi32>
    %mul3A_627 = arith.muli %gather3A_602, %mul3A_626 : vector<16xi32>
    %add3A_628 = arith.addi %mul3A_627, %add3A_624 : vector<16xi32>
    %swap3A_629 = arith.constant 10 : i32
    %swap3A_630 = arith.index_cast %swap3A_629 : i32 to index
    %swap3A_631 = arith.constant 16 : index
    %swap3A_632 = tpu.vector_load %arg11[%swap3A_630, %swap3A_631] {strides = array<i32>} : memref<32x64xi32, #tpu.memory_space<vmem>>, vector<16xi32>,
    tpu.vector_store %arg11[%swap3A_630, %swap3A_631], %add3A_628 {strides = array<i32>} : memref<32x64xi32, #tpu.memory_space<vmem>>, vector<16xi32>,
    %add3A_633 = arith.constant 32 : i32
    %add3A_634 = vector.broadcast %add3A_633 : i32 to vector<16xi32>
    %add3A_635 = arith.addi %iota3A, %add3A_634 : vector<16xi32>
    %mul3A_636 = arith.constant 60 : i32
    %mul3A_637 = vector.broadcast %mul3A_636 : i32 to vector<16xi32>
    %mul3A_638 = arith.muli %gather3A_602, %mul3A_637 : vector<16xi32>
    %add3A_639 = arith.addi %mul3A_638, %add3A_635 : vector<16xi32>
    %swap3A_640 = arith.constant 10 : i32
    %swap3A_641 = arith.index_cast %swap3A_640 : i32 to index
    %swap3A_642 = arith.constant 32 : index
    %swap3A_643 = tpu.vector_load %arg11[%swap3A_641, %swap3A_642] {strides = array<i32>} : memref<32x64xi32, #tpu.memory_space<vmem>>, vector<16xi32>,
    tpu.vector_store %arg11[%swap3A_641, %swap3A_642], %add3A_639 {strides = array<i32>} : memref<32x64xi32, #tpu.memory_space<vmem>>, vector<16xi32>,
    %add3A_644 = arith.constant 48 : i32
    %add3A_645 = vector.broadcast %add3A_644 : i32 to vector<16xi32>
    %add3A_646 = arith.addi %iota3A, %add3A_645 : vector<16xi32>
    %min3A_647 = arith.constant 59 : i32
    %min3A_648 = vector.broadcast %min3A_647 : i32 to vector<16xi32>
    %min3A_649 = arith.minsi %add3A_646, %min3A_648 : vector<16xi32>
    %mul3A_650 = arith.constant 60 : i32
    %mul3A_651 = vector.broadcast %mul3A_650 : i32 to vector<16xi32>
    %mul3A_652 = arith.muli %gather3A_602, %mul3A_651 : vector<16xi32>
    %add3A_653 = arith.addi %mul3A_652, %min3A_649 : vector<16xi32>
    %swap3A_654 = arith.constant 10 : i32
    %swap3A_655 = arith.index_cast %swap3A_654 : i32 to index
    %swap3A_656 = arith.constant 48 : index
    %swap3A_657 = tpu.vector_load %arg11[%swap3A_655, %swap3A_656] {strides = array<i32>} : memref<32x64xi32, #tpu.memory_space<vmem>>, vector<16xi32>,
    tpu.vector_store %arg11[%swap3A_655, %swap3A_656], %add3A_653 {strides = array<i32>} : memref<32x64xi32, #tpu.memory_space<vmem>>, vector<16xi32>,
    %add3A_658 = arith.constant 11 : i32
    %add3A_659 = vector.broadcast %add3A_658 : i32 to vector<16xi32>
    %add3A_660 = arith.addi %min3A_10, %add3A_659 : vector<16xi32>
    %gather3A_661 = tpu.vector_load_idx %arg9[%add3A_660] : memref<32xi32, #tpu.memory_space<vmem>>[vector<16xi32>], vector<16xi32>,
    %mul3A_662 = arith.constant 16 : i32
    %mul3A_663 = vector.broadcast %mul3A_662 : i32 to vector<16xi32>
    %mul3A_664 = arith.muli %gather3A_661, %mul3A_663 : vector<16xi32>
    %add3A_665 = arith.addi %mul3A_664, %iota3A : vector<16xi32>
    %swap3A_666 = arith.constant 11 : i32
    %swap3A_667 = arith.index_cast %swap3A_666 : i32 to index
    %swap3A_668 = arith.constant 0 : index
    %swap3A_669 = tpu.vector_load %arg10[%swap3A_667, %swap3A_668] {strides = array<i32>} : memref<32x16xi32, #tpu.memory_space<vmem>>, vector<16xi32>,
    tpu.vector_store %arg10[%swap3A_667, %swap3A_668], %add3A_665 {strides = array<i32>} : memref<32x16xi32, #tpu.memory_space<vmem>>, vector<16xi32>,
    %add3A_670 = arith.constant 0 : i32
    %add3A_671 = vector.broadcast %add3A_670 : i32 to vector<16xi32>
    %add3A_672 = arith.addi %iota3A, %add3A_671 : vector<16xi32>
    %mul3A_673 = arith.constant 60 : i32
    %mul3A_674 = vector.broadcast %mul3A_673 : i32 to vector<16xi32>
    %mul3A_675 = arith.muli %gather3A_661, %mul3A_674 : vector<16xi32>
    %add3A_676 = arith.addi %mul3A_675, %add3A_672 : vector<16xi32>
    %swap3A_677 = arith.constant 11 : i32
    %swap3A_678 = arith.index_cast %swap3A_677 : i32 to index
    %swap3A_679 = arith.constant 0 : index
    %swap3A_680 = tpu.vector_load %arg11[%swap3A_678, %swap3A_679] {strides = array<i32>} : memref<32x64xi32, #tpu.memory_space<vmem>>, vector<16xi32>,
    tpu.vector_store %arg11[%swap3A_678, %swap3A_679], %add3A_676 {strides = array<i32>} : memref<32x64xi32, #tpu.memory_space<vmem>>, vector<16xi32>,
    %add3A_681 = arith.constant 16 : i32
    %add3A_682 = vector.broadcast %add3A_681 : i32 to vector<16xi32>
    %add3A_683 = arith.addi %iota3A, %add3A_682 : vector<16xi32>
    %mul3A_684 = arith.constant 60 : i32
    %mul3A_685 = vector.broadcast %mul3A_684 : i32 to vector<16xi32>
    %mul3A_686 = arith.muli %gather3A_661, %mul3A_685 : vector<16xi32>
    %add3A_687 = arith.addi %mul3A_686, %add3A_683 : vector<16xi32>
    %swap3A_688 = arith.constant 11 : i32
    %swap3A_689 = arith.index_cast %swap3A_688 : i32 to index
    %swap3A_690 = arith.constant 16 : index
    %swap3A_691 = tpu.vector_load %arg11[%swap3A_689, %swap3A_690] {strides = array<i32>} : memref<32x64xi32, #tpu.memory_space<vmem>>, vector<16xi32>,
    tpu.vector_store %arg11[%swap3A_689, %swap3A_690], %add3A_687 {strides = array<i32>} : memref<32x64xi32, #tpu.memory_space<vmem>>, vector<16xi32>,
    %add3A_692 = arith.constant 32 : i32
    %add3A_693 = vector.broadcast %add3A_692 : i32 to vector<16xi32>
    %add3A_694 = arith.addi %iota3A, %add3A_693 : vector<16xi32>
    %mul3A_695 = arith.constant 60 : i32
    %mul3A_696 = vector.broadcast %mul3A_695 : i32 to vector<16xi32>
    %mul3A_697 = arith.muli %gather3A_661, %mul3A_696 : vector<16xi32>
    %add3A_698 = arith.addi %mul3A_697, %add3A_694 : vector<16xi32>
    %swap3A_699 = arith.constant 11 : i32
    %swap3A_700 = arith.index_cast %swap3A_699 : i32 to index
    %swap3A_701 = arith.constant 32 : index
    %swap3A_702 = tpu.vector_load %arg11[%swap3A_700, %swap3A_701] {strides = array<i32>} : memref<32x64xi32, #tpu.memory_space<vmem>>, vector<16xi32>,
    tpu.vector_store %arg11[%swap3A_700, %swap3A_701], %add3A_698 {strides = array<i32>} : memref<32x64xi32, #tpu.memory_space<vmem>>, vector<16xi32>,
    %add3A_703 = arith.constant 48 : i32
    %add3A_704 = vector.broadcast %add3A_703 : i32 to vector<16xi32>
    %add3A_705 = arith.addi %iota3A, %add3A_704 : vector<16xi32>
    %min3A_706 = arith.constant 59 : i32
    %min3A_707 = vector.broadcast %min3A_706 : i32 to vector<16xi32>
    %min3A_708 = arith.minsi %add3A_705, %min3A_707 : vector<16xi32>
    %mul3A_709 = arith.constant 60 : i32
    %mul3A_710 = vector.broadcast %mul3A_709 : i32 to vector<16xi32>
    %mul3A_711 = arith.muli %gather3A_661, %mul3A_710 : vector<16xi32>
    %add3A_712 = arith.addi %mul3A_711, %min3A_708 : vector<16xi32>
    %swap3A_713 = arith.constant 11 : i32
    %swap3A_714 = arith.index_cast %swap3A_713 : i32 to index
    %swap3A_715 = arith.constant 48 : index
    %swap3A_716 = tpu.vector_load %arg11[%swap3A_714, %swap3A_715] {strides = array<i32>} : memref<32x64xi32, #tpu.memory_space<vmem>>, vector<16xi32>,
    tpu.vector_store %arg11[%swap3A_714, %swap3A_715], %add3A_712 {strides = array<i32>} : memref<32x64xi32, #tpu.memory_space<vmem>>, vector<16xi32>,
    %add3A_717 = arith.constant 12 : i32
    %add3A_718 = vector.broadcast %add3A_717 : i32 to vector<16xi32>
    %add3A_719 = arith.addi %min3A_10, %add3A_718 : vector<16xi32>
    %gather3A_720 = tpu.vector_load_idx %arg9[%add3A_719] : memref<32xi32, #tpu.memory_space<vmem>>[vector<16xi32>], vector<16xi32>,
    %mul3A_721 = arith.constant 16 : i32
    %mul3A_722 = vector.broadcast %mul3A_721 : i32 to vector<16xi32>
    %mul3A_723 = arith.muli %gather3A_720, %mul3A_722 : vector<16xi32>
    %add3A_724 = arith.addi %mul3A_723, %iota3A : vector<16xi32>
    %swap3A_725 = arith.constant 12 : i32
    %swap3A_726 = arith.index_cast %swap3A_725 : i32 to index
    %swap3A_727 = arith.constant 0 : index
    %swap3A_728 = tpu.vector_load %arg10[%swap3A_726, %swap3A_727] {strides = array<i32>} : memref<32x16xi32, #tpu.memory_space<vmem>>, vector<16xi32>,
    tpu.vector_store %arg10[%swap3A_726, %swap3A_727], %add3A_724 {strides = array<i32>} : memref<32x16xi32, #tpu.memory_space<vmem>>, vector<16xi32>,
    %add3A_729 = arith.constant 0 : i32
    %add3A_730 = vector.broadcast %add3A_729 : i32 to vector<16xi32>
    %add3A_731 = arith.addi %iota3A, %add3A_730 : vector<16xi32>
    %mul3A_732 = arith.constant 60 : i32
    %mul3A_733 = vector.broadcast %mul3A_732 : i32 to vector<16xi32>
    %mul3A_734 = arith.muli %gather3A_720, %mul3A_733 : vector<16xi32>
    %add3A_735 = arith.addi %mul3A_734, %add3A_731 : vector<16xi32>
    %swap3A_736 = arith.constant 12 : i32
    %swap3A_737 = arith.index_cast %swap3A_736 : i32 to index
    %swap3A_738 = arith.constant 0 : index
    %swap3A_739 = tpu.vector_load %arg11[%swap3A_737, %swap3A_738] {strides = array<i32>} : memref<32x64xi32, #tpu.memory_space<vmem>>, vector<16xi32>,
    tpu.vector_store %arg11[%swap3A_737, %swap3A_738], %add3A_735 {strides = array<i32>} : memref<32x64xi32, #tpu.memory_space<vmem>>, vector<16xi32>,
    %add3A_740 = arith.constant 16 : i32
    %add3A_741 = vector.broadcast %add3A_740 : i32 to vector<16xi32>
    %add3A_742 = arith.addi %iota3A, %add3A_741 : vector<16xi32>
    %mul3A_743 = arith.constant 60 : i32
    %mul3A_744 = vector.broadcast %mul3A_743 : i32 to vector<16xi32>
    %mul3A_745 = arith.muli %gather3A_720, %mul3A_744 : vector<16xi32>
    %add3A_746 = arith.addi %mul3A_745, %add3A_742 : vector<16xi32>
    %swap3A_747 = arith.constant 12 : i32
    %swap3A_748 = arith.index_cast %swap3A_747 : i32 to index
    %swap3A_749 = arith.constant 16 : index
    %swap3A_750 = tpu.vector_load %arg11[%swap3A_748, %swap3A_749] {strides = array<i32>} : memref<32x64xi32, #tpu.memory_space<vmem>>, vector<16xi32>,
    tpu.vector_store %arg11[%swap3A_748, %swap3A_749], %add3A_746 {strides = array<i32>} : memref<32x64xi32, #tpu.memory_space<vmem>>, vector<16xi32>,
    %add3A_751 = arith.constant 32 : i32
    %add3A_752 = vector.broadcast %add3A_751 : i32 to vector<16xi32>
    %add3A_753 = arith.addi %iota3A, %add3A_752 : vector<16xi32>
    %mul3A_754 = arith.constant 60 : i32
    %mul3A_755 = vector.broadcast %mul3A_754 : i32 to vector<16xi32>
    %mul3A_756 = arith.muli %gather3A_720, %mul3A_755 : vector<16xi32>
    %add3A_757 = arith.addi %mul3A_756, %add3A_753 : vector<16xi32>
    %swap3A_758 = arith.constant 12 : i32
    %swap3A_759 = arith.index_cast %swap3A_758 : i32 to index
    %swap3A_760 = arith.constant 32 : index
    %swap3A_761 = tpu.vector_load %arg11[%swap3A_759, %swap3A_760] {strides = array<i32>} : memref<32x64xi32, #tpu.memory_space<vmem>>, vector<16xi32>,
    tpu.vector_store %arg11[%swap3A_759, %swap3A_760], %add3A_757 {strides = array<i32>} : memref<32x64xi32, #tpu.memory_space<vmem>>, vector<16xi32>,
    %add3A_762 = arith.constant 48 : i32
    %add3A_763 = vector.broadcast %add3A_762 : i32 to vector<16xi32>
    %add3A_764 = arith.addi %iota3A, %add3A_763 : vector<16xi32>
    %min3A_765 = arith.constant 59 : i32
    %min3A_766 = vector.broadcast %min3A_765 : i32 to vector<16xi32>
    %min3A_767 = arith.minsi %add3A_764, %min3A_766 : vector<16xi32>
    %mul3A_768 = arith.constant 60 : i32
    %mul3A_769 = vector.broadcast %mul3A_768 : i32 to vector<16xi32>
    %mul3A_770 = arith.muli %gather3A_720, %mul3A_769 : vector<16xi32>
    %add3A_771 = arith.addi %mul3A_770, %min3A_767 : vector<16xi32>
    %swap3A_772 = arith.constant 12 : i32
    %swap3A_773 = arith.index_cast %swap3A_772 : i32 to index
    %swap3A_774 = arith.constant 48 : index
    %swap3A_775 = tpu.vector_load %arg11[%swap3A_773, %swap3A_774] {strides = array<i32>} : memref<32x64xi32, #tpu.memory_space<vmem>>, vector<16xi32>,
    tpu.vector_store %arg11[%swap3A_773, %swap3A_774], %add3A_771 {strides = array<i32>} : memref<32x64xi32, #tpu.memory_space<vmem>>, vector<16xi32>,
    %add3A_776 = arith.constant 13 : i32
    %add3A_777 = vector.broadcast %add3A_776 : i32 to vector<16xi32>
    %add3A_778 = arith.addi %min3A_10, %add3A_777 : vector<16xi32>
    %gather3A_779 = tpu.vector_load_idx %arg9[%add3A_778] : memref<32xi32, #tpu.memory_space<vmem>>[vector<16xi32>], vector<16xi32>,
    %mul3A_780 = arith.constant 16 : i32
    %mul3A_781 = vector.broadcast %mul3A_780 : i32 to vector<16xi32>
    %mul3A_782 = arith.muli %gather3A_779, %mul3A_781 : vector<16xi32>
    %add3A_783 = arith.addi %mul3A_782, %iota3A : vector<16xi32>
    %swap3A_784 = arith.constant 13 : i32
    %swap3A_785 = arith.index_cast %swap3A_784 : i32 to index
    %swap3A_786 = arith.constant 0 : index
    %swap3A_787 = tpu.vector_load %arg10[%swap3A_785, %swap3A_786] {strides = array<i32>} : memref<32x16xi32, #tpu.memory_space<vmem>>, vector<16xi32>,
    tpu.vector_store %arg10[%swap3A_785, %swap3A_786], %add3A_783 {strides = array<i32>} : memref<32x16xi32, #tpu.memory_space<vmem>>, vector<16xi32>,
    %add3A_788 = arith.constant 0 : i32
    %add3A_789 = vector.broadcast %add3A_788 : i32 to vector<16xi32>
    %add3A_790 = arith.addi %iota3A, %add3A_789 : vector<16xi32>
    %mul3A_791 = arith.constant 60 : i32
    %mul3A_792 = vector.broadcast %mul3A_791 : i32 to vector<16xi32>
    %mul3A_793 = arith.muli %gather3A_779, %mul3A_792 : vector<16xi32>
    %add3A_794 = arith.addi %mul3A_793, %add3A_790 : vector<16xi32>
    %swap3A_795 = arith.constant 13 : i32
    %swap3A_796 = arith.index_cast %swap3A_795 : i32 to index
    %swap3A_797 = arith.constant 0 : index
    %swap3A_798 = tpu.vector_load %arg11[%swap3A_796, %swap3A_797] {strides = array<i32>} : memref<32x64xi32, #tpu.memory_space<vmem>>, vector<16xi32>,
    tpu.vector_store %arg11[%swap3A_796, %swap3A_797], %add3A_794 {strides = array<i32>} : memref<32x64xi32, #tpu.memory_space<vmem>>, vector<16xi32>,
    %add3A_799 = arith.constant 16 : i32
    %add3A_800 = vector.broadcast %add3A_799 : i32 to vector<16xi32>
    %add3A_801 = arith.addi %iota3A, %add3A_800 : vector<16xi32>
    %mul3A_802 = arith.constant 60 : i32
    %mul3A_803 = vector.broadcast %mul3A_802 : i32 to vector<16xi32>
    %mul3A_804 = arith.muli %gather3A_779, %mul3A_803 : vector<16xi32>
    %add3A_805 = arith.addi %mul3A_804, %add3A_801 : vector<16xi32>
    %swap3A_806 = arith.constant 13 : i32
    %swap3A_807 = arith.index_cast %swap3A_806 : i32 to index
    %swap3A_808 = arith.constant 16 : index
    %swap3A_809 = tpu.vector_load %arg11[%swap3A_807, %swap3A_808] {strides = array<i32>} : memref<32x64xi32, #tpu.memory_space<vmem>>, vector<16xi32>,
    tpu.vector_store %arg11[%swap3A_807, %swap3A_808], %add3A_805 {strides = array<i32>} : memref<32x64xi32, #tpu.memory_space<vmem>>, vector<16xi32>,
    %add3A_810 = arith.constant 32 : i32
    %add3A_811 = vector.broadcast %add3A_810 : i32 to vector<16xi32>
    %add3A_812 = arith.addi %iota3A, %add3A_811 : vector<16xi32>
    %mul3A_813 = arith.constant 60 : i32
    %mul3A_814 = vector.broadcast %mul3A_813 : i32 to vector<16xi32>
    %mul3A_815 = arith.muli %gather3A_779, %mul3A_814 : vector<16xi32>
    %add3A_816 = arith.addi %mul3A_815, %add3A_812 : vector<16xi32>
    %swap3A_817 = arith.constant 13 : i32
    %swap3A_818 = arith.index_cast %swap3A_817 : i32 to index
    %swap3A_819 = arith.constant 32 : index
    %swap3A_820 = tpu.vector_load %arg11[%swap3A_818, %swap3A_819] {strides = array<i32>} : memref<32x64xi32, #tpu.memory_space<vmem>>, vector<16xi32>,
    tpu.vector_store %arg11[%swap3A_818, %swap3A_819], %add3A_816 {strides = array<i32>} : memref<32x64xi32, #tpu.memory_space<vmem>>, vector<16xi32>,
    %add3A_821 = arith.constant 48 : i32
    %add3A_822 = vector.broadcast %add3A_821 : i32 to vector<16xi32>
    %add3A_823 = arith.addi %iota3A, %add3A_822 : vector<16xi32>
    %min3A_824 = arith.constant 59 : i32
    %min3A_825 = vector.broadcast %min3A_824 : i32 to vector<16xi32>
    %min3A_826 = arith.minsi %add3A_823, %min3A_825 : vector<16xi32>
    %mul3A_827 = arith.constant 60 : i32
    %mul3A_828 = vector.broadcast %mul3A_827 : i32 to vector<16xi32>
    %mul3A_829 = arith.muli %gather3A_779, %mul3A_828 : vector<16xi32>
    %add3A_830 = arith.addi %mul3A_829, %min3A_826 : vector<16xi32>
    %swap3A_831 = arith.constant 13 : i32
    %swap3A_832 = arith.index_cast %swap3A_831 : i32 to index
    %swap3A_833 = arith.constant 48 : index
    %swap3A_834 = tpu.vector_load %arg11[%swap3A_832, %swap3A_833] {strides = array<i32>} : memref<32x64xi32, #tpu.memory_space<vmem>>, vector<16xi32>,
    tpu.vector_store %arg11[%swap3A_832, %swap3A_833], %add3A_830 {strides = array<i32>} : memref<32x64xi32, #tpu.memory_space<vmem>>, vector<16xi32>,
    %add3A_835 = arith.constant 14 : i32
    %add3A_836 = vector.broadcast %add3A_835 : i32 to vector<16xi32>
    %add3A_837 = arith.addi %min3A_10, %add3A_836 : vector<16xi32>
    %gather3A_838 = tpu.vector_load_idx %arg9[%add3A_837] : memref<32xi32, #tpu.memory_space<vmem>>[vector<16xi32>], vector<16xi32>,
    %mul3A_839 = arith.constant 16 : i32
    %mul3A_840 = vector.broadcast %mul3A_839 : i32 to vector<16xi32>
    %mul3A_841 = arith.muli %gather3A_838, %mul3A_840 : vector<16xi32>
    %add3A_842 = arith.addi %mul3A_841, %iota3A : vector<16xi32>
    %swap3A_843 = arith.constant 14 : i32
    %swap3A_844 = arith.index_cast %swap3A_843 : i32 to index
    %swap3A_845 = arith.constant 0 : index
    %swap3A_846 = tpu.vector_load %arg10[%swap3A_844, %swap3A_845] {strides = array<i32>} : memref<32x16xi32, #tpu.memory_space<vmem>>, vector<16xi32>,
    tpu.vector_store %arg10[%swap3A_844, %swap3A_845], %add3A_842 {strides = array<i32>} : memref<32x16xi32, #tpu.memory_space<vmem>>, vector<16xi32>,
    %add3A_847 = arith.constant 0 : i32
    %add3A_848 = vector.broadcast %add3A_847 : i32 to vector<16xi32>
    %add3A_849 = arith.addi %iota3A, %add3A_848 : vector<16xi32>
    %mul3A_850 = arith.constant 60 : i32
    %mul3A_851 = vector.broadcast %mul3A_850 : i32 to vector<16xi32>
    %mul3A_852 = arith.muli %gather3A_838, %mul3A_851 : vector<16xi32>
    %add3A_853 = arith.addi %mul3A_852, %add3A_849 : vector<16xi32>
    %swap3A_854 = arith.constant 14 : i32
    %swap3A_855 = arith.index_cast %swap3A_854 : i32 to index
    %swap3A_856 = arith.constant 0 : index
    %swap3A_857 = tpu.vector_load %arg11[%swap3A_855, %swap3A_856] {strides = array<i32>} : memref<32x64xi32, #tpu.memory_space<vmem>>, vector<16xi32>,
    tpu.vector_store %arg11[%swap3A_855, %swap3A_856], %add3A_853 {strides = array<i32>} : memref<32x64xi32, #tpu.memory_space<vmem>>, vector<16xi32>,
    %add3A_858 = arith.constant 16 : i32
    %add3A_859 = vector.broadcast %add3A_858 : i32 to vector<16xi32>
    %add3A_860 = arith.addi %iota3A, %add3A_859 : vector<16xi32>
    %mul3A_861 = arith.constant 60 : i32
    %mul3A_862 = vector.broadcast %mul3A_861 : i32 to vector<16xi32>
    %mul3A_863 = arith.muli %gather3A_838, %mul3A_862 : vector<16xi32>
    %add3A_864 = arith.addi %mul3A_863, %add3A_860 : vector<16xi32>
    %swap3A_865 = arith.constant 14 : i32
    %swap3A_866 = arith.index_cast %swap3A_865 : i32 to index
    %swap3A_867 = arith.constant 16 : index
    %swap3A_868 = tpu.vector_load %arg11[%swap3A_866, %swap3A_867] {strides = array<i32>} : memref<32x64xi32, #tpu.memory_space<vmem>>, vector<16xi32>,
    tpu.vector_store %arg11[%swap3A_866, %swap3A_867], %add3A_864 {strides = array<i32>} : memref<32x64xi32, #tpu.memory_space<vmem>>, vector<16xi32>,
    %add3A_869 = arith.constant 32 : i32
    %add3A_870 = vector.broadcast %add3A_869 : i32 to vector<16xi32>
    %add3A_871 = arith.addi %iota3A, %add3A_870 : vector<16xi32>
    %mul3A_872 = arith.constant 60 : i32
    %mul3A_873 = vector.broadcast %mul3A_872 : i32 to vector<16xi32>
    %mul3A_874 = arith.muli %gather3A_838, %mul3A_873 : vector<16xi32>
    %add3A_875 = arith.addi %mul3A_874, %add3A_871 : vector<16xi32>
    %swap3A_876 = arith.constant 14 : i32
    %swap3A_877 = arith.index_cast %swap3A_876 : i32 to index
    %swap3A_878 = arith.constant 32 : index
    %swap3A_879 = tpu.vector_load %arg11[%swap3A_877, %swap3A_878] {strides = array<i32>} : memref<32x64xi32, #tpu.memory_space<vmem>>, vector<16xi32>,
    tpu.vector_store %arg11[%swap3A_877, %swap3A_878], %add3A_875 {strides = array<i32>} : memref<32x64xi32, #tpu.memory_space<vmem>>, vector<16xi32>,
    %add3A_880 = arith.constant 48 : i32
    %add3A_881 = vector.broadcast %add3A_880 : i32 to vector<16xi32>
    %add3A_882 = arith.addi %iota3A, %add3A_881 : vector<16xi32>
    %min3A_883 = arith.constant 59 : i32
    %min3A_884 = vector.broadcast %min3A_883 : i32 to vector<16xi32>
    %min3A_885 = arith.minsi %add3A_882, %min3A_884 : vector<16xi32>
    %mul3A_886 = arith.constant 60 : i32
    %mul3A_887 = vector.broadcast %mul3A_886 : i32 to vector<16xi32>
    %mul3A_888 = arith.muli %gather3A_838, %mul3A_887 : vector<16xi32>
    %add3A_889 = arith.addi %mul3A_888, %min3A_885 : vector<16xi32>
    %swap3A_890 = arith.constant 14 : i32
    %swap3A_891 = arith.index_cast %swap3A_890 : i32 to index
    %swap3A_892 = arith.constant 48 : index
    %swap3A_893 = tpu.vector_load %arg11[%swap3A_891, %swap3A_892] {strides = array<i32>} : memref<32x64xi32, #tpu.memory_space<vmem>>, vector<16xi32>,
    tpu.vector_store %arg11[%swap3A_891, %swap3A_892], %add3A_889 {strides = array<i32>} : memref<32x64xi32, #tpu.memory_space<vmem>>, vector<16xi32>,
    %add3A_894 = arith.constant 15 : i32
    %add3A_895 = vector.broadcast %add3A_894 : i32 to vector<16xi32>
    %add3A_896 = arith.addi %min3A_10, %add3A_895 : vector<16xi32>
    %gather3A_897 = tpu.vector_load_idx %arg9[%add3A_896] : memref<32xi32, #tpu.memory_space<vmem>>[vector<16xi32>], vector<16xi32>,
    %mul3A_898 = arith.constant 16 : i32
    %mul3A_899 = vector.broadcast %mul3A_898 : i32 to vector<16xi32>
    %mul3A_900 = arith.muli %gather3A_897, %mul3A_899 : vector<16xi32>
    %add3A_901 = arith.addi %mul3A_900, %iota3A : vector<16xi32>
    %swap3A_902 = arith.constant 15 : i32
    %swap3A_903 = arith.index_cast %swap3A_902 : i32 to index
    %swap3A_904 = arith.constant 0 : index
    %swap3A_905 = tpu.vector_load %arg10[%swap3A_903, %swap3A_904] {strides = array<i32>} : memref<32x16xi32, #tpu.memory_space<vmem>>, vector<16xi32>,
    tpu.vector_store %arg10[%swap3A_903, %swap3A_904], %add3A_901 {strides = array<i32>} : memref<32x16xi32, #tpu.memory_space<vmem>>, vector<16xi32>,
    %add3A_906 = arith.constant 0 : i32
    %add3A_907 = vector.broadcast %add3A_906 : i32 to vector<16xi32>
    %add3A_908 = arith.addi %iota3A, %add3A_907 : vector<16xi32>
    %mul3A_909 = arith.constant 60 : i32
    %mul3A_910 = vector.broadcast %mul3A_909 : i32 to vector<16xi32>
    %mul3A_911 = arith.muli %gather3A_897, %mul3A_910 : vector<16xi32>
    %add3A_912 = arith.addi %mul3A_911, %add3A_908 : vector<16xi32>
    %swap3A_913 = arith.constant 15 : i32
    %swap3A_914 = arith.index_cast %swap3A_913 : i32 to index
    %swap3A_915 = arith.constant 0 : index
    %swap3A_916 = tpu.vector_load %arg11[%swap3A_914, %swap3A_915] {strides = array<i32>} : memref<32x64xi32, #tpu.memory_space<vmem>>, vector<16xi32>,
    tpu.vector_store %arg11[%swap3A_914, %swap3A_915], %add3A_912 {strides = array<i32>} : memref<32x64xi32, #tpu.memory_space<vmem>>, vector<16xi32>,
    %add3A_917 = arith.constant 16 : i32
    %add3A_918 = vector.broadcast %add3A_917 : i32 to vector<16xi32>
    %add3A_919 = arith.addi %iota3A, %add3A_918 : vector<16xi32>
    %mul3A_920 = arith.constant 60 : i32
    %mul3A_921 = vector.broadcast %mul3A_920 : i32 to vector<16xi32>
    %mul3A_922 = arith.muli %gather3A_897, %mul3A_921 : vector<16xi32>
    %add3A_923 = arith.addi %mul3A_922, %add3A_919 : vector<16xi32>
    %swap3A_924 = arith.constant 15 : i32
    %swap3A_925 = arith.index_cast %swap3A_924 : i32 to index
    %swap3A_926 = arith.constant 16 : index
    %swap3A_927 = tpu.vector_load %arg11[%swap3A_925, %swap3A_926] {strides = array<i32>} : memref<32x64xi32, #tpu.memory_space<vmem>>, vector<16xi32>,
    tpu.vector_store %arg11[%swap3A_925, %swap3A_926], %add3A_923 {strides = array<i32>} : memref<32x64xi32, #tpu.memory_space<vmem>>, vector<16xi32>,
    %add3A_928 = arith.constant 32 : i32
    %add3A_929 = vector.broadcast %add3A_928 : i32 to vector<16xi32>
    %add3A_930 = arith.addi %iota3A, %add3A_929 : vector<16xi32>
    %mul3A_931 = arith.constant 60 : i32
    %mul3A_932 = vector.broadcast %mul3A_931 : i32 to vector<16xi32>
    %mul3A_933 = arith.muli %gather3A_897, %mul3A_932 : vector<16xi32>
    %add3A_934 = arith.addi %mul3A_933, %add3A_930 : vector<16xi32>
    %swap3A_935 = arith.constant 15 : i32
    %swap3A_936 = arith.index_cast %swap3A_935 : i32 to index
    %swap3A_937 = arith.constant 32 : index
    %swap3A_938 = tpu.vector_load %arg11[%swap3A_936, %swap3A_937] {strides = array<i32>} : memref<32x64xi32, #tpu.memory_space<vmem>>, vector<16xi32>,
    tpu.vector_store %arg11[%swap3A_936, %swap3A_937], %add3A_934 {strides = array<i32>} : memref<32x64xi32, #tpu.memory_space<vmem>>, vector<16xi32>,
    %add3A_939 = arith.constant 48 : i32
    %add3A_940 = vector.broadcast %add3A_939 : i32 to vector<16xi32>
    %add3A_941 = arith.addi %iota3A, %add3A_940 : vector<16xi32>
    %min3A_942 = arith.constant 59 : i32
    %min3A_943 = vector.broadcast %min3A_942 : i32 to vector<16xi32>
    %min3A_944 = arith.minsi %add3A_941, %min3A_943 : vector<16xi32>
    %mul3A_945 = arith.constant 60 : i32
    %mul3A_946 = vector.broadcast %mul3A_945 : i32 to vector<16xi32>
    %mul3A_947 = arith.muli %gather3A_897, %mul3A_946 : vector<16xi32>
    %add3A_948 = arith.addi %mul3A_947, %min3A_944 : vector<16xi32>
    %swap3A_949 = arith.constant 15 : i32
    %swap3A_950 = arith.index_cast %swap3A_949 : i32 to index
    %swap3A_951 = arith.constant 48 : index
    %swap3A_952 = tpu.vector_load %arg11[%swap3A_950, %swap3A_951] {strides = array<i32>} : memref<32x64xi32, #tpu.memory_space<vmem>>, vector<16xi32>,
    tpu.vector_store %arg11[%swap3A_950, %swap3A_951], %add3A_948 {strides = array<i32>} : memref<32x64xi32, #tpu.memory_space<vmem>>, vector<16xi32>,
    %add3A_953 = arith.constant 16 : i32
    %add3A_954 = vector.broadcast %add3A_953 : i32 to vector<16xi32>
    %add3A_955 = arith.addi %min3A_10, %add3A_954 : vector<16xi32>
    %gather3A_956 = tpu.vector_load_idx %arg9[%add3A_955] : memref<32xi32, #tpu.memory_space<vmem>>[vector<16xi32>], vector<16xi32>,
    %mul3A_957 = arith.constant 16 : i32
    %mul3A_958 = vector.broadcast %mul3A_957 : i32 to vector<16xi32>
    %mul3A_959 = arith.muli %gather3A_956, %mul3A_958 : vector<16xi32>
    %add3A_960 = arith.addi %mul3A_959, %iota3A : vector<16xi32>
    %swap3A_961 = arith.constant 16 : i32
    %swap3A_962 = arith.index_cast %swap3A_961 : i32 to index
    %swap3A_963 = arith.constant 0 : index
    %swap3A_964 = tpu.vector_load %arg10[%swap3A_962, %swap3A_963] {strides = array<i32>} : memref<32x16xi32, #tpu.memory_space<vmem>>, vector<16xi32>,
    tpu.vector_store %arg10[%swap3A_962, %swap3A_963], %add3A_960 {strides = array<i32>} : memref<32x16xi32, #tpu.memory_space<vmem>>, vector<16xi32>,
    %add3A_965 = arith.constant 0 : i32
    %add3A_966 = vector.broadcast %add3A_965 : i32 to vector<16xi32>
    %add3A_967 = arith.addi %iota3A, %add3A_966 : vector<16xi32>
    %mul3A_968 = arith.constant 60 : i32
    %mul3A_969 = vector.broadcast %mul3A_968 : i32 to vector<16xi32>
    %mul3A_970 = arith.muli %gather3A_956, %mul3A_969 : vector<16xi32>
    %add3A_971 = arith.addi %mul3A_970, %add3A_967 : vector<16xi32>
    %swap3A_972 = arith.constant 16 : i32
    %swap3A_973 = arith.index_cast %swap3A_972 : i32 to index
    %swap3A_974 = arith.constant 0 : index
    %swap3A_975 = tpu.vector_load %arg11[%swap3A_973, %swap3A_974] {strides = array<i32>} : memref<32x64xi32, #tpu.memory_space<vmem>>, vector<16xi32>,
    tpu.vector_store %arg11[%swap3A_973, %swap3A_974], %add3A_971 {strides = array<i32>} : memref<32x64xi32, #tpu.memory_space<vmem>>, vector<16xi32>,
    %add3A_976 = arith.constant 16 : i32
    %add3A_977 = vector.broadcast %add3A_976 : i32 to vector<16xi32>
    %add3A_978 = arith.addi %iota3A, %add3A_977 : vector<16xi32>
    %mul3A_979 = arith.constant 60 : i32
    %mul3A_980 = vector.broadcast %mul3A_979 : i32 to vector<16xi32>
    %mul3A_981 = arith.muli %gather3A_956, %mul3A_980 : vector<16xi32>
    %add3A_982 = arith.addi %mul3A_981, %add3A_978 : vector<16xi32>
    %swap3A_983 = arith.constant 16 : i32
    %swap3A_984 = arith.index_cast %swap3A_983 : i32 to index
    %swap3A_985 = arith.constant 16 : index
    %swap3A_986 = tpu.vector_load %arg11[%swap3A_984, %swap3A_985] {strides = array<i32>} : memref<32x64xi32, #tpu.memory_space<vmem>>, vector<16xi32>,
    tpu.vector_store %arg11[%swap3A_984, %swap3A_985], %add3A_982 {strides = array<i32>} : memref<32x64xi32, #tpu.memory_space<vmem>>, vector<16xi32>,
    %add3A_987 = arith.constant 32 : i32
    %add3A_988 = vector.broadcast %add3A_987 : i32 to vector<16xi32>
    %add3A_989 = arith.addi %iota3A, %add3A_988 : vector<16xi32>
    %mul3A_990 = arith.constant 60 : i32
    %mul3A_991 = vector.broadcast %mul3A_990 : i32 to vector<16xi32>
    %mul3A_992 = arith.muli %gather3A_956, %mul3A_991 : vector<16xi32>
    %add3A_993 = arith.addi %mul3A_992, %add3A_989 : vector<16xi32>
    %swap3A_994 = arith.constant 16 : i32
    %swap3A_995 = arith.index_cast %swap3A_994 : i32 to index
    %swap3A_996 = arith.constant 32 : index
    %swap3A_997 = tpu.vector_load %arg11[%swap3A_995, %swap3A_996] {strides = array<i32>} : memref<32x64xi32, #tpu.memory_space<vmem>>, vector<16xi32>,
    tpu.vector_store %arg11[%swap3A_995, %swap3A_996], %add3A_993 {strides = array<i32>} : memref<32x64xi32, #tpu.memory_space<vmem>>, vector<16xi32>,
    %add3A_998 = arith.constant 48 : i32
    %add3A_999 = vector.broadcast %add3A_998 : i32 to vector<16xi32>
    %add3A_1000 = arith.addi %iota3A, %add3A_999 : vector<16xi32>
    %min3A_1001 = arith.constant 59 : i32
    %min3A_1002 = vector.broadcast %min3A_1001 : i32 to vector<16xi32>
    %min3A_1003 = arith.minsi %add3A_1000, %min3A_1002 : vector<16xi32>
    %mul3A_1004 = arith.constant 60 : i32
    %mul3A_1005 = vector.broadcast %mul3A_1004 : i32 to vector<16xi32>
    %mul3A_1006 = arith.muli %gather3A_956, %mul3A_1005 : vector<16xi32>
    %add3A_1007 = arith.addi %mul3A_1006, %min3A_1003 : vector<16xi32>
    %swap3A_1008 = arith.constant 16 : i32
    %swap3A_1009 = arith.index_cast %swap3A_1008 : i32 to index
    %swap3A_1010 = arith.constant 48 : index
    %swap3A_1011 = tpu.vector_load %arg11[%swap3A_1009, %swap3A_1010] {strides = array<i32>} : memref<32x64xi32, #tpu.memory_space<vmem>>, vector<16xi32>,
    tpu.vector_store %arg11[%swap3A_1009, %swap3A_1010], %add3A_1007 {strides = array<i32>} : memref<32x64xi32, #tpu.memory_space<vmem>>, vector<16xi32>,
    %add3A_1012 = arith.constant 17 : i32
    %add3A_1013 = vector.broadcast %add3A_1012 : i32 to vector<16xi32>
    %add3A_1014 = arith.addi %min3A_10, %add3A_1013 : vector<16xi32>
    %gather3A_1015 = tpu.vector_load_idx %arg9[%add3A_1014] : memref<32xi32, #tpu.memory_space<vmem>>[vector<16xi32>], vector<16xi32>,
    %mul3A_1016 = arith.constant 16 : i32
    %mul3A_1017 = vector.broadcast %mul3A_1016 : i32 to vector<16xi32>
    %mul3A_1018 = arith.muli %gather3A_1015, %mul3A_1017 : vector<16xi32>
    %add3A_1019 = arith.addi %mul3A_1018, %iota3A : vector<16xi32>
    %swap3A_1020 = arith.constant 17 : i32
    %swap3A_1021 = arith.index_cast %swap3A_1020 : i32 to index
    %swap3A_1022 = arith.constant 0 : index
    %swap3A_1023 = tpu.vector_load %arg10[%swap3A_1021, %swap3A_1022] {strides = array<i32>} : memref<32x16xi32, #tpu.memory_space<vmem>>, vector<16xi32>,
    tpu.vector_store %arg10[%swap3A_1021, %swap3A_1022], %add3A_1019 {strides = array<i32>} : memref<32x16xi32, #tpu.memory_space<vmem>>, vector<16xi32>,
    %add3A_1024 = arith.constant 0 : i32
    %add3A_1025 = vector.broadcast %add3A_1024 : i32 to vector<16xi32>
    %add3A_1026 = arith.addi %iota3A, %add3A_1025 : vector<16xi32>
    %mul3A_1027 = arith.constant 60 : i32
    %mul3A_1028 = vector.broadcast %mul3A_1027 : i32 to vector<16xi32>
    %mul3A_1029 = arith.muli %gather3A_1015, %mul3A_1028 : vector<16xi32>
    %add3A_1030 = arith.addi %mul3A_1029, %add3A_1026 : vector<16xi32>
    %swap3A_1031 = arith.constant 17 : i32
    %swap3A_1032 = arith.index_cast %swap3A_1031 : i32 to index
    %swap3A_1033 = arith.constant 0 : index
    %swap3A_1034 = tpu.vector_load %arg11[%swap3A_1032, %swap3A_1033] {strides = array<i32>} : memref<32x64xi32, #tpu.memory_space<vmem>>, vector<16xi32>,
    tpu.vector_store %arg11[%swap3A_1032, %swap3A_1033], %add3A_1030 {strides = array<i32>} : memref<32x64xi32, #tpu.memory_space<vmem>>, vector<16xi32>,
    %add3A_1035 = arith.constant 16 : i32
    %add3A_1036 = vector.broadcast %add3A_1035 : i32 to vector<16xi32>
    %add3A_1037 = arith.addi %iota3A, %add3A_1036 : vector<16xi32>
    %mul3A_1038 = arith.constant 60 : i32
    %mul3A_1039 = vector.broadcast %mul3A_1038 : i32 to vector<16xi32>
    %mul3A_1040 = arith.muli %gather3A_1015, %mul3A_1039 : vector<16xi32>
    %add3A_1041 = arith.addi %mul3A_1040, %add3A_1037 : vector<16xi32>
    %swap3A_1042 = arith.constant 17 : i32
    %swap3A_1043 = arith.index_cast %swap3A_1042 : i32 to index
    %swap3A_1044 = arith.constant 16 : index
    %swap3A_1045 = tpu.vector_load %arg11[%swap3A_1043, %swap3A_1044] {strides = array<i32>} : memref<32x64xi32, #tpu.memory_space<vmem>>, vector<16xi32>,
    tpu.vector_store %arg11[%swap3A_1043, %swap3A_1044], %add3A_1041 {strides = array<i32>} : memref<32x64xi32, #tpu.memory_space<vmem>>, vector<16xi32>,
    %add3A_1046 = arith.constant 32 : i32
    %add3A_1047 = vector.broadcast %add3A_1046 : i32 to vector<16xi32>
    %add3A_1048 = arith.addi %iota3A, %add3A_1047 : vector<16xi32>
    %mul3A_1049 = arith.constant 60 : i32
    %mul3A_1050 = vector.broadcast %mul3A_1049 : i32 to vector<16xi32>
    %mul3A_1051 = arith.muli %gather3A_1015, %mul3A_1050 : vector<16xi32>
    %add3A_1052 = arith.addi %mul3A_1051, %add3A_1048 : vector<16xi32>
    %swap3A_1053 = arith.constant 17 : i32
    %swap3A_1054 = arith.index_cast %swap3A_1053 : i32 to index
    %swap3A_1055 = arith.constant 32 : index
    %swap3A_1056 = tpu.vector_load %arg11[%swap3A_1054, %swap3A_1055] {strides = array<i32>} : memref<32x64xi32, #tpu.memory_space<vmem>>, vector<16xi32>,
    tpu.vector_store %arg11[%swap3A_1054, %swap3A_1055], %add3A_1052 {strides = array<i32>} : memref<32x64xi32, #tpu.memory_space<vmem>>, vector<16xi32>,
    %add3A_1057 = arith.constant 48 : i32
    %add3A_1058 = vector.broadcast %add3A_1057 : i32 to vector<16xi32>
    %add3A_1059 = arith.addi %iota3A, %add3A_1058 : vector<16xi32>
    %min3A_1060 = arith.constant 59 : i32
    %min3A_1061 = vector.broadcast %min3A_1060 : i32 to vector<16xi32>
    %min3A_1062 = arith.minsi %add3A_1059, %min3A_1061 : vector<16xi32>
    %mul3A_1063 = arith.constant 60 : i32
    %mul3A_1064 = vector.broadcast %mul3A_1063 : i32 to vector<16xi32>
    %mul3A_1065 = arith.muli %gather3A_1015, %mul3A_1064 : vector<16xi32>
    %add3A_1066 = arith.addi %mul3A_1065, %min3A_1062 : vector<16xi32>
    %swap3A_1067 = arith.constant 17 : i32
    %swap3A_1068 = arith.index_cast %swap3A_1067 : i32 to index
    %swap3A_1069 = arith.constant 48 : index
    %swap3A_1070 = tpu.vector_load %arg11[%swap3A_1068, %swap3A_1069] {strides = array<i32>} : memref<32x64xi32, #tpu.memory_space<vmem>>, vector<16xi32>,
    tpu.vector_store %arg11[%swap3A_1068, %swap3A_1069], %add3A_1066 {strides = array<i32>} : memref<32x64xi32, #tpu.memory_space<vmem>>, vector<16xi32>,
    %add3A_1071 = arith.constant 18 : i32
    %add3A_1072 = vector.broadcast %add3A_1071 : i32 to vector<16xi32>
    %add3A_1073 = arith.addi %min3A_10, %add3A_1072 : vector<16xi32>
    %gather3A_1074 = tpu.vector_load_idx %arg9[%add3A_1073] : memref<32xi32, #tpu.memory_space<vmem>>[vector<16xi32>], vector<16xi32>,
    %mul3A_1075 = arith.constant 16 : i32
    %mul3A_1076 = vector.broadcast %mul3A_1075 : i32 to vector<16xi32>
    %mul3A_1077 = arith.muli %gather3A_1074, %mul3A_1076 : vector<16xi32>
    %add3A_1078 = arith.addi %mul3A_1077, %iota3A : vector<16xi32>
    %swap3A_1079 = arith.constant 18 : i32
    %swap3A_1080 = arith.index_cast %swap3A_1079 : i32 to index
    %swap3A_1081 = arith.constant 0 : index
    %swap3A_1082 = tpu.vector_load %arg10[%swap3A_1080, %swap3A_1081] {strides = array<i32>} : memref<32x16xi32, #tpu.memory_space<vmem>>, vector<16xi32>,
    tpu.vector_store %arg10[%swap3A_1080, %swap3A_1081], %add3A_1078 {strides = array<i32>} : memref<32x16xi32, #tpu.memory_space<vmem>>, vector<16xi32>,
    %add3A_1083 = arith.constant 0 : i32
    %add3A_1084 = vector.broadcast %add3A_1083 : i32 to vector<16xi32>
    %add3A_1085 = arith.addi %iota3A, %add3A_1084 : vector<16xi32>
    %mul3A_1086 = arith.constant 60 : i32
    %mul3A_1087 = vector.broadcast %mul3A_1086 : i32 to vector<16xi32>
    %mul3A_1088 = arith.muli %gather3A_1074, %mul3A_1087 : vector<16xi32>
    %add3A_1089 = arith.addi %mul3A_1088, %add3A_1085 : vector<16xi32>
    %swap3A_1090 = arith.constant 18 : i32
    %swap3A_1091 = arith.index_cast %swap3A_1090 : i32 to index
    %swap3A_1092 = arith.constant 0 : index
    %swap3A_1093 = tpu.vector_load %arg11[%swap3A_1091, %swap3A_1092] {strides = array<i32>} : memref<32x64xi32, #tpu.memory_space<vmem>>, vector<16xi32>,
    tpu.vector_store %arg11[%swap3A_1091, %swap3A_1092], %add3A_1089 {strides = array<i32>} : memref<32x64xi32, #tpu.memory_space<vmem>>, vector<16xi32>,
    %add3A_1094 = arith.constant 16 : i32
    %add3A_1095 = vector.broadcast %add3A_1094 : i32 to vector<16xi32>
    %add3A_1096 = arith.addi %iota3A, %add3A_1095 : vector<16xi32>
    %mul3A_1097 = arith.constant 60 : i32
    %mul3A_1098 = vector.broadcast %mul3A_1097 : i32 to vector<16xi32>
    %mul3A_1099 = arith.muli %gather3A_1074, %mul3A_1098 : vector<16xi32>
    %add3A_1100 = arith.addi %mul3A_1099, %add3A_1096 : vector<16xi32>
    %swap3A_1101 = arith.constant 18 : i32
    %swap3A_1102 = arith.index_cast %swap3A_1101 : i32 to index
    %swap3A_1103 = arith.constant 16 : index
    %swap3A_1104 = tpu.vector_load %arg11[%swap3A_1102, %swap3A_1103] {strides = array<i32>} : memref<32x64xi32, #tpu.memory_space<vmem>>, vector<16xi32>,
    tpu.vector_store %arg11[%swap3A_1102, %swap3A_1103], %add3A_1100 {strides = array<i32>} : memref<32x64xi32, #tpu.memory_space<vmem>>, vector<16xi32>,
    %add3A_1105 = arith.constant 32 : i32
    %add3A_1106 = vector.broadcast %add3A_1105 : i32 to vector<16xi32>
    %add3A_1107 = arith.addi %iota3A, %add3A_1106 : vector<16xi32>
    %mul3A_1108 = arith.constant 60 : i32
    %mul3A_1109 = vector.broadcast %mul3A_1108 : i32 to vector<16xi32>
    %mul3A_1110 = arith.muli %gather3A_1074, %mul3A_1109 : vector<16xi32>
    %add3A_1111 = arith.addi %mul3A_1110, %add3A_1107 : vector<16xi32>
    %swap3A_1112 = arith.constant 18 : i32
    %swap3A_1113 = arith.index_cast %swap3A_1112 : i32 to index
    %swap3A_1114 = arith.constant 32 : index
    %swap3A_1115 = tpu.vector_load %arg11[%swap3A_1113, %swap3A_1114] {strides = array<i32>} : memref<32x64xi32, #tpu.memory_space<vmem>>, vector<16xi32>,
    tpu.vector_store %arg11[%swap3A_1113, %swap3A_1114], %add3A_1111 {strides = array<i32>} : memref<32x64xi32, #tpu.memory_space<vmem>>, vector<16xi32>,
    %add3A_1116 = arith.constant 48 : i32
    %add3A_1117 = vector.broadcast %add3A_1116 : i32 to vector<16xi32>
    %add3A_1118 = arith.addi %iota3A, %add3A_1117 : vector<16xi32>
    %min3A_1119 = arith.constant 59 : i32
    %min3A_1120 = vector.broadcast %min3A_1119 : i32 to vector<16xi32>
    %min3A_1121 = arith.minsi %add3A_1118, %min3A_1120 : vector<16xi32>
    %mul3A_1122 = arith.constant 60 : i32
    %mul3A_1123 = vector.broadcast %mul3A_1122 : i32 to vector<16xi32>
    %mul3A_1124 = arith.muli %gather3A_1074, %mul3A_1123 : vector<16xi32>
    %add3A_1125 = arith.addi %mul3A_1124, %min3A_1121 : vector<16xi32>
    %swap3A_1126 = arith.constant 18 : i32
    %swap3A_1127 = arith.index_cast %swap3A_1126 : i32 to index
    %swap3A_1128 = arith.constant 48 : index
    %swap3A_1129 = tpu.vector_load %arg11[%swap3A_1127, %swap3A_1128] {strides = array<i32>} : memref<32x64xi32, #tpu.memory_space<vmem>>, vector<16xi32>,
    tpu.vector_store %arg11[%swap3A_1127, %swap3A_1128], %add3A_1125 {strides = array<i32>} : memref<32x64xi32, #tpu.memory_space<vmem>>, vector<16xi32>,
    %add3A_1130 = arith.constant 19 : i32
    %add3A_1131 = vector.broadcast %add3A_1130 : i32 to vector<16xi32>
    %add3A_1132 = arith.addi %min3A_10, %add3A_1131 : vector<16xi32>
    %gather3A_1133 = tpu.vector_load_idx %arg9[%add3A_1132] : memref<32xi32, #tpu.memory_space<vmem>>[vector<16xi32>], vector<16xi32>,
    %mul3A_1134 = arith.constant 16 : i32
    %mul3A_1135 = vector.broadcast %mul3A_1134 : i32 to vector<16xi32>
    %mul3A_1136 = arith.muli %gather3A_1133, %mul3A_1135 : vector<16xi32>
    %add3A_1137 = arith.addi %mul3A_1136, %iota3A : vector<16xi32>
    %swap3A_1138 = arith.constant 19 : i32
    %swap3A_1139 = arith.index_cast %swap3A_1138 : i32 to index
    %swap3A_1140 = arith.constant 0 : index
    %swap3A_1141 = tpu.vector_load %arg10[%swap3A_1139, %swap3A_1140] {strides = array<i32>} : memref<32x16xi32, #tpu.memory_space<vmem>>, vector<16xi32>,
    tpu.vector_store %arg10[%swap3A_1139, %swap3A_1140], %add3A_1137 {strides = array<i32>} : memref<32x16xi32, #tpu.memory_space<vmem>>, vector<16xi32>,
    %add3A_1142 = arith.constant 0 : i32
    %add3A_1143 = vector.broadcast %add3A_1142 : i32 to vector<16xi32>
    %add3A_1144 = arith.addi %iota3A, %add3A_1143 : vector<16xi32>
    %mul3A_1145 = arith.constant 60 : i32
    %mul3A_1146 = vector.broadcast %mul3A_1145 : i32 to vector<16xi32>
    %mul3A_1147 = arith.muli %gather3A_1133, %mul3A_1146 : vector<16xi32>
    %add3A_1148 = arith.addi %mul3A_1147, %add3A_1144 : vector<16xi32>
    %swap3A_1149 = arith.constant 19 : i32
    %swap3A_1150 = arith.index_cast %swap3A_1149 : i32 to index
    %swap3A_1151 = arith.constant 0 : index
    %swap3A_1152 = tpu.vector_load %arg11[%swap3A_1150, %swap3A_1151] {strides = array<i32>} : memref<32x64xi32, #tpu.memory_space<vmem>>, vector<16xi32>,
    tpu.vector_store %arg11[%swap3A_1150, %swap3A_1151], %add3A_1148 {strides = array<i32>} : memref<32x64xi32, #tpu.memory_space<vmem>>, vector<16xi32>,
    %add3A_1153 = arith.constant 16 : i32
    %add3A_1154 = vector.broadcast %add3A_1153 : i32 to vector<16xi32>
    %add3A_1155 = arith.addi %iota3A, %add3A_1154 : vector<16xi32>
    %mul3A_1156 = arith.constant 60 : i32
    %mul3A_1157 = vector.broadcast %mul3A_1156 : i32 to vector<16xi32>
    %mul3A_1158 = arith.muli %gather3A_1133, %mul3A_1157 : vector<16xi32>
    %add3A_1159 = arith.addi %mul3A_1158, %add3A_1155 : vector<16xi32>
    %swap3A_1160 = arith.constant 19 : i32
    %swap3A_1161 = arith.index_cast %swap3A_1160 : i32 to index
    %swap3A_1162 = arith.constant 16 : index
    %swap3A_1163 = tpu.vector_load %arg11[%swap3A_1161, %swap3A_1162] {strides = array<i32>} : memref<32x64xi32, #tpu.memory_space<vmem>>, vector<16xi32>,
    tpu.vector_store %arg11[%swap3A_1161, %swap3A_1162], %add3A_1159 {strides = array<i32>} : memref<32x64xi32, #tpu.memory_space<vmem>>, vector<16xi32>,
    %add3A_1164 = arith.constant 32 : i32
    %add3A_1165 = vector.broadcast %add3A_1164 : i32 to vector<16xi32>
    %add3A_1166 = arith.addi %iota3A, %add3A_1165 : vector<16xi32>
    %mul3A_1167 = arith.constant 60 : i32
    %mul3A_1168 = vector.broadcast %mul3A_1167 : i32 to vector<16xi32>
    %mul3A_1169 = arith.muli %gather3A_1133, %mul3A_1168 : vector<16xi32>
    %add3A_1170 = arith.addi %mul3A_1169, %add3A_1166 : vector<16xi32>
    %swap3A_1171 = arith.constant 19 : i32
    %swap3A_1172 = arith.index_cast %swap3A_1171 : i32 to index
    %swap3A_1173 = arith.constant 32 : index
    %swap3A_1174 = tpu.vector_load %arg11[%swap3A_1172, %swap3A_1173] {strides = array<i32>} : memref<32x64xi32, #tpu.memory_space<vmem>>, vector<16xi32>,
    tpu.vector_store %arg11[%swap3A_1172, %swap3A_1173], %add3A_1170 {strides = array<i32>} : memref<32x64xi32, #tpu.memory_space<vmem>>, vector<16xi32>,
    %add3A_1175 = arith.constant 48 : i32
    %add3A_1176 = vector.broadcast %add3A_1175 : i32 to vector<16xi32>
    %add3A_1177 = arith.addi %iota3A, %add3A_1176 : vector<16xi32>
    %min3A_1178 = arith.constant 59 : i32
    %min3A_1179 = vector.broadcast %min3A_1178 : i32 to vector<16xi32>
    %min3A_1180 = arith.minsi %add3A_1177, %min3A_1179 : vector<16xi32>
    %mul3A_1181 = arith.constant 60 : i32
    %mul3A_1182 = vector.broadcast %mul3A_1181 : i32 to vector<16xi32>
    %mul3A_1183 = arith.muli %gather3A_1133, %mul3A_1182 : vector<16xi32>
    %add3A_1184 = arith.addi %mul3A_1183, %min3A_1180 : vector<16xi32>
    %swap3A_1185 = arith.constant 19 : i32
    %swap3A_1186 = arith.index_cast %swap3A_1185 : i32 to index
    %swap3A_1187 = arith.constant 48 : index
    %swap3A_1188 = tpu.vector_load %arg11[%swap3A_1186, %swap3A_1187] {strides = array<i32>} : memref<32x64xi32, #tpu.memory_space<vmem>>, vector<16xi32>,
    tpu.vector_store %arg11[%swap3A_1186, %swap3A_1187], %add3A_1184 {strides = array<i32>} : memref<32x64xi32, #tpu.memory_space<vmem>>, vector<16xi32>,
    %add3A_1189 = arith.constant 20 : i32
    %add3A_1190 = vector.broadcast %add3A_1189 : i32 to vector<16xi32>
    %add3A_1191 = arith.addi %min3A_10, %add3A_1190 : vector<16xi32>
    %gather3A_1192 = tpu.vector_load_idx %arg9[%add3A_1191] : memref<32xi32, #tpu.memory_space<vmem>>[vector<16xi32>], vector<16xi32>,
    %mul3A_1193 = arith.constant 16 : i32
    %mul3A_1194 = vector.broadcast %mul3A_1193 : i32 to vector<16xi32>
    %mul3A_1195 = arith.muli %gather3A_1192, %mul3A_1194 : vector<16xi32>
    %add3A_1196 = arith.addi %mul3A_1195, %iota3A : vector<16xi32>
    %swap3A_1197 = arith.constant 20 : i32
    %swap3A_1198 = arith.index_cast %swap3A_1197 : i32 to index
    %swap3A_1199 = arith.constant 0 : index
    %swap3A_1200 = tpu.vector_load %arg10[%swap3A_1198, %swap3A_1199] {strides = array<i32>} : memref<32x16xi32, #tpu.memory_space<vmem>>, vector<16xi32>,
    tpu.vector_store %arg10[%swap3A_1198, %swap3A_1199], %add3A_1196 {strides = array<i32>} : memref<32x16xi32, #tpu.memory_space<vmem>>, vector<16xi32>,
    %add3A_1201 = arith.constant 0 : i32
    %add3A_1202 = vector.broadcast %add3A_1201 : i32 to vector<16xi32>
    %add3A_1203 = arith.addi %iota3A, %add3A_1202 : vector<16xi32>
    %mul3A_1204 = arith.constant 60 : i32
    %mul3A_1205 = vector.broadcast %mul3A_1204 : i32 to vector<16xi32>
    %mul3A_1206 = arith.muli %gather3A_1192, %mul3A_1205 : vector<16xi32>
    %add3A_1207 = arith.addi %mul3A_1206, %add3A_1203 : vector<16xi32>
    %swap3A_1208 = arith.constant 20 : i32
    %swap3A_1209 = arith.index_cast %swap3A_1208 : i32 to index
    %swap3A_1210 = arith.constant 0 : index
    %swap3A_1211 = tpu.vector_load %arg11[%swap3A_1209, %swap3A_1210] {strides = array<i32>} : memref<32x64xi32, #tpu.memory_space<vmem>>, vector<16xi32>,
    tpu.vector_store %arg11[%swap3A_1209, %swap3A_1210], %add3A_1207 {strides = array<i32>} : memref<32x64xi32, #tpu.memory_space<vmem>>, vector<16xi32>,
    %add3A_1212 = arith.constant 16 : i32
    %add3A_1213 = vector.broadcast %add3A_1212 : i32 to vector<16xi32>
    %add3A_1214 = arith.addi %iota3A, %add3A_1213 : vector<16xi32>
    %mul3A_1215 = arith.constant 60 : i32
    %mul3A_1216 = vector.broadcast %mul3A_1215 : i32 to vector<16xi32>
    %mul3A_1217 = arith.muli %gather3A_1192, %mul3A_1216 : vector<16xi32>
    %add3A_1218 = arith.addi %mul3A_1217, %add3A_1214 : vector<16xi32>
    %swap3A_1219 = arith.constant 20 : i32
    %swap3A_1220 = arith.index_cast %swap3A_1219 : i32 to index
    %swap3A_1221 = arith.constant 16 : index
    %swap3A_1222 = tpu.vector_load %arg11[%swap3A_1220, %swap3A_1221] {strides = array<i32>} : memref<32x64xi32, #tpu.memory_space<vmem>>, vector<16xi32>,
    tpu.vector_store %arg11[%swap3A_1220, %swap3A_1221], %add3A_1218 {strides = array<i32>} : memref<32x64xi32, #tpu.memory_space<vmem>>, vector<16xi32>,
    %add3A_1223 = arith.constant 32 : i32
    %add3A_1224 = vector.broadcast %add3A_1223 : i32 to vector<16xi32>
    %add3A_1225 = arith.addi %iota3A, %add3A_1224 : vector<16xi32>
    %mul3A_1226 = arith.constant 60 : i32
    %mul3A_1227 = vector.broadcast %mul3A_1226 : i32 to vector<16xi32>
    %mul3A_1228 = arith.muli %gather3A_1192, %mul3A_1227 : vector<16xi32>
    %add3A_1229 = arith.addi %mul3A_1228, %add3A_1225 : vector<16xi32>
    %swap3A_1230 = arith.constant 20 : i32
    %swap3A_1231 = arith.index_cast %swap3A_1230 : i32 to index
    %swap3A_1232 = arith.constant 32 : index
    %swap3A_1233 = tpu.vector_load %arg11[%swap3A_1231, %swap3A_1232] {strides = array<i32>} : memref<32x64xi32, #tpu.memory_space<vmem>>, vector<16xi32>,
    tpu.vector_store %arg11[%swap3A_1231, %swap3A_1232], %add3A_1229 {strides = array<i32>} : memref<32x64xi32, #tpu.memory_space<vmem>>, vector<16xi32>,
    %add3A_1234 = arith.constant 48 : i32
    %add3A_1235 = vector.broadcast %add3A_1234 : i32 to vector<16xi32>
    %add3A_1236 = arith.addi %iota3A, %add3A_1235 : vector<16xi32>
    %min3A_1237 = arith.constant 59 : i32
    %min3A_1238 = vector.broadcast %min3A_1237 : i32 to vector<16xi32>
    %min3A_1239 = arith.minsi %add3A_1236, %min3A_1238 : vector<16xi32>
    %mul3A_1240 = arith.constant 60 : i32
    %mul3A_1241 = vector.broadcast %mul3A_1240 : i32 to vector<16xi32>
    %mul3A_1242 = arith.muli %gather3A_1192, %mul3A_1241 : vector<16xi32>
    %add3A_1243 = arith.addi %mul3A_1242, %min3A_1239 : vector<16xi32>
    %swap3A_1244 = arith.constant 20 : i32
    %swap3A_1245 = arith.index_cast %swap3A_1244 : i32 to index
    %swap3A_1246 = arith.constant 48 : index
    %swap3A_1247 = tpu.vector_load %arg11[%swap3A_1245, %swap3A_1246] {strides = array<i32>} : memref<32x64xi32, #tpu.memory_space<vmem>>, vector<16xi32>,
    tpu.vector_store %arg11[%swap3A_1245, %swap3A_1246], %add3A_1243 {strides = array<i32>} : memref<32x64xi32, #tpu.memory_space<vmem>>, vector<16xi32>,
    %add3A_1248 = arith.constant 21 : i32
    %add3A_1249 = vector.broadcast %add3A_1248 : i32 to vector<16xi32>
    %add3A_1250 = arith.addi %min3A_10, %add3A_1249 : vector<16xi32>
    %gather3A_1251 = tpu.vector_load_idx %arg9[%add3A_1250] : memref<32xi32, #tpu.memory_space<vmem>>[vector<16xi32>], vector<16xi32>,
    %mul3A_1252 = arith.constant 16 : i32
    %mul3A_1253 = vector.broadcast %mul3A_1252 : i32 to vector<16xi32>
    %mul3A_1254 = arith.muli %gather3A_1251, %mul3A_1253 : vector<16xi32>
    %add3A_1255 = arith.addi %mul3A_1254, %iota3A : vector<16xi32>
    %swap3A_1256 = arith.constant 21 : i32
    %swap3A_1257 = arith.index_cast %swap3A_1256 : i32 to index
    %swap3A_1258 = arith.constant 0 : index
    %swap3A_1259 = tpu.vector_load %arg10[%swap3A_1257, %swap3A_1258] {strides = array<i32>} : memref<32x16xi32, #tpu.memory_space<vmem>>, vector<16xi32>,
    tpu.vector_store %arg10[%swap3A_1257, %swap3A_1258], %add3A_1255 {strides = array<i32>} : memref<32x16xi32, #tpu.memory_space<vmem>>, vector<16xi32>,
    %add3A_1260 = arith.constant 0 : i32
    %add3A_1261 = vector.broadcast %add3A_1260 : i32 to vector<16xi32>
    %add3A_1262 = arith.addi %iota3A, %add3A_1261 : vector<16xi32>
    %mul3A_1263 = arith.constant 60 : i32
    %mul3A_1264 = vector.broadcast %mul3A_1263 : i32 to vector<16xi32>
    %mul3A_1265 = arith.muli %gather3A_1251, %mul3A_1264 : vector<16xi32>
    %add3A_1266 = arith.addi %mul3A_1265, %add3A_1262 : vector<16xi32>
    %swap3A_1267 = arith.constant 21 : i32
    %swap3A_1268 = arith.index_cast %swap3A_1267 : i32 to index
    %swap3A_1269 = arith.constant 0 : index
    %swap3A_1270 = tpu.vector_load %arg11[%swap3A_1268, %swap3A_1269] {strides = array<i32>} : memref<32x64xi32, #tpu.memory_space<vmem>>, vector<16xi32>,
    tpu.vector_store %arg11[%swap3A_1268, %swap3A_1269], %add3A_1266 {strides = array<i32>} : memref<32x64xi32, #tpu.memory_space<vmem>>, vector<16xi32>,
    %add3A_1271 = arith.constant 16 : i32
    %add3A_1272 = vector.broadcast %add3A_1271 : i32 to vector<16xi32>
    %add3A_1273 = arith.addi %iota3A, %add3A_1272 : vector<16xi32>
    %mul3A_1274 = arith.constant 60 : i32
    %mul3A_1275 = vector.broadcast %mul3A_1274 : i32 to vector<16xi32>
    %mul3A_1276 = arith.muli %gather3A_1251, %mul3A_1275 : vector<16xi32>
    %add3A_1277 = arith.addi %mul3A_1276, %add3A_1273 : vector<16xi32>
    %swap3A_1278 = arith.constant 21 : i32
    %swap3A_1279 = arith.index_cast %swap3A_1278 : i32 to index
    %swap3A_1280 = arith.constant 16 : index
    %swap3A_1281 = tpu.vector_load %arg11[%swap3A_1279, %swap3A_1280] {strides = array<i32>} : memref<32x64xi32, #tpu.memory_space<vmem>>, vector<16xi32>,
    tpu.vector_store %arg11[%swap3A_1279, %swap3A_1280], %add3A_1277 {strides = array<i32>} : memref<32x64xi32, #tpu.memory_space<vmem>>, vector<16xi32>,
    %add3A_1282 = arith.constant 32 : i32
    %add3A_1283 = vector.broadcast %add3A_1282 : i32 to vector<16xi32>
    %add3A_1284 = arith.addi %iota3A, %add3A_1283 : vector<16xi32>
    %mul3A_1285 = arith.constant 60 : i32
    %mul3A_1286 = vector.broadcast %mul3A_1285 : i32 to vector<16xi32>
    %mul3A_1287 = arith.muli %gather3A_1251, %mul3A_1286 : vector<16xi32>
    %add3A_1288 = arith.addi %mul3A_1287, %add3A_1284 : vector<16xi32>
    %swap3A_1289 = arith.constant 21 : i32
    %swap3A_1290 = arith.index_cast %swap3A_1289 : i32 to index
    %swap3A_1291 = arith.constant 32 : index
    %swap3A_1292 = tpu.vector_load %arg11[%swap3A_1290, %swap3A_1291] {strides = array<i32>} : memref<32x64xi32, #tpu.memory_space<vmem>>, vector<16xi32>,
    tpu.vector_store %arg11[%swap3A_1290, %swap3A_1291], %add3A_1288 {strides = array<i32>} : memref<32x64xi32, #tpu.memory_space<vmem>>, vector<16xi32>,
    %add3A_1293 = arith.constant 48 : i32
    %add3A_1294 = vector.broadcast %add3A_1293 : i32 to vector<16xi32>
    %add3A_1295 = arith.addi %iota3A, %add3A_1294 : vector<16xi32>
    %min3A_1296 = arith.constant 59 : i32
    %min3A_1297 = vector.broadcast %min3A_1296 : i32 to vector<16xi32>
    %min3A_1298 = arith.minsi %add3A_1295, %min3A_1297 : vector<16xi32>
    %mul3A_1299 = arith.constant 60 : i32
    %mul3A_1300 = vector.broadcast %mul3A_1299 : i32 to vector<16xi32>
    %mul3A_1301 = arith.muli %gather3A_1251, %mul3A_1300 : vector<16xi32>
    %add3A_1302 = arith.addi %mul3A_1301, %min3A_1298 : vector<16xi32>
    %swap3A_1303 = arith.constant 21 : i32
    %swap3A_1304 = arith.index_cast %swap3A_1303 : i32 to index
    %swap3A_1305 = arith.constant 48 : index
    %swap3A_1306 = tpu.vector_load %arg11[%swap3A_1304, %swap3A_1305] {strides = array<i32>} : memref<32x64xi32, #tpu.memory_space<vmem>>, vector<16xi32>,
    tpu.vector_store %arg11[%swap3A_1304, %swap3A_1305], %add3A_1302 {strides = array<i32>} : memref<32x64xi32, #tpu.memory_space<vmem>>, vector<16xi32>,
    %add3A_1307 = arith.constant 22 : i32
    %add3A_1308 = vector.broadcast %add3A_1307 : i32 to vector<16xi32>
    %add3A_1309 = arith.addi %min3A_10, %add3A_1308 : vector<16xi32>
    %gather3A_1310 = tpu.vector_load_idx %arg9[%add3A_1309] : memref<32xi32, #tpu.memory_space<vmem>>[vector<16xi32>], vector<16xi32>,
    %mul3A_1311 = arith.constant 16 : i32
    %mul3A_1312 = vector.broadcast %mul3A_1311 : i32 to vector<16xi32>
    %mul3A_1313 = arith.muli %gather3A_1310, %mul3A_1312 : vector<16xi32>
    %add3A_1314 = arith.addi %mul3A_1313, %iota3A : vector<16xi32>
    %swap3A_1315 = arith.constant 22 : i32
    %swap3A_1316 = arith.index_cast %swap3A_1315 : i32 to index
    %swap3A_1317 = arith.constant 0 : index
    %swap3A_1318 = tpu.vector_load %arg10[%swap3A_1316, %swap3A_1317] {strides = array<i32>} : memref<32x16xi32, #tpu.memory_space<vmem>>, vector<16xi32>,
    tpu.vector_store %arg10[%swap3A_1316, %swap3A_1317], %add3A_1314 {strides = array<i32>} : memref<32x16xi32, #tpu.memory_space<vmem>>, vector<16xi32>,
    %add3A_1319 = arith.constant 0 : i32
    %add3A_1320 = vector.broadcast %add3A_1319 : i32 to vector<16xi32>
    %add3A_1321 = arith.addi %iota3A, %add3A_1320 : vector<16xi32>
    %mul3A_1322 = arith.constant 60 : i32
    %mul3A_1323 = vector.broadcast %mul3A_1322 : i32 to vector<16xi32>
    %mul3A_1324 = arith.muli %gather3A_1310, %mul3A_1323 : vector<16xi32>
    %add3A_1325 = arith.addi %mul3A_1324, %add3A_1321 : vector<16xi32>
    %swap3A_1326 = arith.constant 22 : i32
    %swap3A_1327 = arith.index_cast %swap3A_1326 : i32 to index
    %swap3A_1328 = arith.constant 0 : index
    %swap3A_1329 = tpu.vector_load %arg11[%swap3A_1327, %swap3A_1328] {strides = array<i32>} : memref<32x64xi32, #tpu.memory_space<vmem>>, vector<16xi32>,
    tpu.vector_store %arg11[%swap3A_1327, %swap3A_1328], %add3A_1325 {strides = array<i32>} : memref<32x64xi32, #tpu.memory_space<vmem>>, vector<16xi32>,
    %add3A_1330 = arith.constant 16 : i32
    %add3A_1331 = vector.broadcast %add3A_1330 : i32 to vector<16xi32>
    %add3A_1332 = arith.addi %iota3A, %add3A_1331 : vector<16xi32>
    %mul3A_1333 = arith.constant 60 : i32
    %mul3A_1334 = vector.broadcast %mul3A_1333 : i32 to vector<16xi32>
    %mul3A_1335 = arith.muli %gather3A_1310, %mul3A_1334 : vector<16xi32>
    %add3A_1336 = arith.addi %mul3A_1335, %add3A_1332 : vector<16xi32>
    %swap3A_1337 = arith.constant 22 : i32
    %swap3A_1338 = arith.index_cast %swap3A_1337 : i32 to index
    %swap3A_1339 = arith.constant 16 : index
    %swap3A_1340 = tpu.vector_load %arg11[%swap3A_1338, %swap3A_1339] {strides = array<i32>} : memref<32x64xi32, #tpu.memory_space<vmem>>, vector<16xi32>,
    tpu.vector_store %arg11[%swap3A_1338, %swap3A_1339], %add3A_1336 {strides = array<i32>} : memref<32x64xi32, #tpu.memory_space<vmem>>, vector<16xi32>,
    %add3A_1341 = arith.constant 32 : i32
    %add3A_1342 = vector.broadcast %add3A_1341 : i32 to vector<16xi32>
    %add3A_1343 = arith.addi %iota3A, %add3A_1342 : vector<16xi32>
    %mul3A_1344 = arith.constant 60 : i32
    %mul3A_1345 = vector.broadcast %mul3A_1344 : i32 to vector<16xi32>
    %mul3A_1346 = arith.muli %gather3A_1310, %mul3A_1345 : vector<16xi32>
    %add3A_1347 = arith.addi %mul3A_1346, %add3A_1343 : vector<16xi32>
    %swap3A_1348 = arith.constant 22 : i32
    %swap3A_1349 = arith.index_cast %swap3A_1348 : i32 to index
    %swap3A_1350 = arith.constant 32 : index
    %swap3A_1351 = tpu.vector_load %arg11[%swap3A_1349, %swap3A_1350] {strides = array<i32>} : memref<32x64xi32, #tpu.memory_space<vmem>>, vector<16xi32>,
    tpu.vector_store %arg11[%swap3A_1349, %swap3A_1350], %add3A_1347 {strides = array<i32>} : memref<32x64xi32, #tpu.memory_space<vmem>>, vector<16xi32>,
    %add3A_1352 = arith.constant 48 : i32
    %add3A_1353 = vector.broadcast %add3A_1352 : i32 to vector<16xi32>
    %add3A_1354 = arith.addi %iota3A, %add3A_1353 : vector<16xi32>
    %min3A_1355 = arith.constant 59 : i32
    %min3A_1356 = vector.broadcast %min3A_1355 : i32 to vector<16xi32>
    %min3A_1357 = arith.minsi %add3A_1354, %min3A_1356 : vector<16xi32>
    %mul3A_1358 = arith.constant 60 : i32
    %mul3A_1359 = vector.broadcast %mul3A_1358 : i32 to vector<16xi32>
    %mul3A_1360 = arith.muli %gather3A_1310, %mul3A_1359 : vector<16xi32>
    %add3A_1361 = arith.addi %mul3A_1360, %min3A_1357 : vector<16xi32>
    %swap3A_1362 = arith.constant 22 : i32
    %swap3A_1363 = arith.index_cast %swap3A_1362 : i32 to index
    %swap3A_1364 = arith.constant 48 : index
    %swap3A_1365 = tpu.vector_load %arg11[%swap3A_1363, %swap3A_1364] {strides = array<i32>} : memref<32x64xi32, #tpu.memory_space<vmem>>, vector<16xi32>,
    tpu.vector_store %arg11[%swap3A_1363, %swap3A_1364], %add3A_1361 {strides = array<i32>} : memref<32x64xi32, #tpu.memory_space<vmem>>, vector<16xi32>,
    %add3A_1366 = arith.constant 23 : i32
    %add3A_1367 = vector.broadcast %add3A_1366 : i32 to vector<16xi32>
    %add3A_1368 = arith.addi %min3A_10, %add3A_1367 : vector<16xi32>
    %gather3A_1369 = tpu.vector_load_idx %arg9[%add3A_1368] : memref<32xi32, #tpu.memory_space<vmem>>[vector<16xi32>], vector<16xi32>,
    %mul3A_1370 = arith.constant 16 : i32
    %mul3A_1371 = vector.broadcast %mul3A_1370 : i32 to vector<16xi32>
    %mul3A_1372 = arith.muli %gather3A_1369, %mul3A_1371 : vector<16xi32>
    %add3A_1373 = arith.addi %mul3A_1372, %iota3A : vector<16xi32>
    %swap3A_1374 = arith.constant 23 : i32
    %swap3A_1375 = arith.index_cast %swap3A_1374 : i32 to index
    %swap3A_1376 = arith.constant 0 : index
    %swap3A_1377 = tpu.vector_load %arg10[%swap3A_1375, %swap3A_1376] {strides = array<i32>} : memref<32x16xi32, #tpu.memory_space<vmem>>, vector<16xi32>,
    tpu.vector_store %arg10[%swap3A_1375, %swap3A_1376], %add3A_1373 {strides = array<i32>} : memref<32x16xi32, #tpu.memory_space<vmem>>, vector<16xi32>,
    %add3A_1378 = arith.constant 0 : i32
    %add3A_1379 = vector.broadcast %add3A_1378 : i32 to vector<16xi32>
    %add3A_1380 = arith.addi %iota3A, %add3A_1379 : vector<16xi32>
    %mul3A_1381 = arith.constant 60 : i32
    %mul3A_1382 = vector.broadcast %mul3A_1381 : i32 to vector<16xi32>
    %mul3A_1383 = arith.muli %gather3A_1369, %mul3A_1382 : vector<16xi32>
    %add3A_1384 = arith.addi %mul3A_1383, %add3A_1380 : vector<16xi32>
    %swap3A_1385 = arith.constant 23 : i32
    %swap3A_1386 = arith.index_cast %swap3A_1385 : i32 to index
    %swap3A_1387 = arith.constant 0 : index
    %swap3A_1388 = tpu.vector_load %arg11[%swap3A_1386, %swap3A_1387] {strides = array<i32>} : memref<32x64xi32, #tpu.memory_space<vmem>>, vector<16xi32>,
    tpu.vector_store %arg11[%swap3A_1386, %swap3A_1387], %add3A_1384 {strides = array<i32>} : memref<32x64xi32, #tpu.memory_space<vmem>>, vector<16xi32>,
    %add3A_1389 = arith.constant 16 : i32
    %add3A_1390 = vector.broadcast %add3A_1389 : i32 to vector<16xi32>
    %add3A_1391 = arith.addi %iota3A, %add3A_1390 : vector<16xi32>
    %mul3A_1392 = arith.constant 60 : i32
    %mul3A_1393 = vector.broadcast %mul3A_1392 : i32 to vector<16xi32>
    %mul3A_1394 = arith.muli %gather3A_1369, %mul3A_1393 : vector<16xi32>
    %add3A_1395 = arith.addi %mul3A_1394, %add3A_1391 : vector<16xi32>
    %swap3A_1396 = arith.constant 23 : i32
    %swap3A_1397 = arith.index_cast %swap3A_1396 : i32 to index
    %swap3A_1398 = arith.constant 16 : index
    %swap3A_1399 = tpu.vector_load %arg11[%swap3A_1397, %swap3A_1398] {strides = array<i32>} : memref<32x64xi32, #tpu.memory_space<vmem>>, vector<16xi32>,
    tpu.vector_store %arg11[%swap3A_1397, %swap3A_1398], %add3A_1395 {strides = array<i32>} : memref<32x64xi32, #tpu.memory_space<vmem>>, vector<16xi32>,
    %add3A_1400 = arith.constant 32 : i32
    %add3A_1401 = vector.broadcast %add3A_1400 : i32 to vector<16xi32>
    %add3A_1402 = arith.addi %iota3A, %add3A_1401 : vector<16xi32>
    %mul3A_1403 = arith.constant 60 : i32
    %mul3A_1404 = vector.broadcast %mul3A_1403 : i32 to vector<16xi32>
    %mul3A_1405 = arith.muli %gather3A_1369, %mul3A_1404 : vector<16xi32>
    %add3A_1406 = arith.addi %mul3A_1405, %add3A_1402 : vector<16xi32>
    %swap3A_1407 = arith.constant 23 : i32
    %swap3A_1408 = arith.index_cast %swap3A_1407 : i32 to index
    %swap3A_1409 = arith.constant 32 : index
    %swap3A_1410 = tpu.vector_load %arg11[%swap3A_1408, %swap3A_1409] {strides = array<i32>} : memref<32x64xi32, #tpu.memory_space<vmem>>, vector<16xi32>,
    tpu.vector_store %arg11[%swap3A_1408, %swap3A_1409], %add3A_1406 {strides = array<i32>} : memref<32x64xi32, #tpu.memory_space<vmem>>, vector<16xi32>,
    %add3A_1411 = arith.constant 48 : i32
    %add3A_1412 = vector.broadcast %add3A_1411 : i32 to vector<16xi32>
    %add3A_1413 = arith.addi %iota3A, %add3A_1412 : vector<16xi32>
    %min3A_1414 = arith.constant 59 : i32
    %min3A_1415 = vector.broadcast %min3A_1414 : i32 to vector<16xi32>
    %min3A_1416 = arith.minsi %add3A_1413, %min3A_1415 : vector<16xi32>
    %mul3A_1417 = arith.constant 60 : i32
    %mul3A_1418 = vector.broadcast %mul3A_1417 : i32 to vector<16xi32>
    %mul3A_1419 = arith.muli %gather3A_1369, %mul3A_1418 : vector<16xi32>
    %add3A_1420 = arith.addi %mul3A_1419, %min3A_1416 : vector<16xi32>
    %swap3A_1421 = arith.constant 23 : i32
    %swap3A_1422 = arith.index_cast %swap3A_1421 : i32 to index
    %swap3A_1423 = arith.constant 48 : index
    %swap3A_1424 = tpu.vector_load %arg11[%swap3A_1422, %swap3A_1423] {strides = array<i32>} : memref<32x64xi32, #tpu.memory_space<vmem>>, vector<16xi32>,
    tpu.vector_store %arg11[%swap3A_1422, %swap3A_1423], %add3A_1420 {strides = array<i32>} : memref<32x64xi32, #tpu.memory_space<vmem>>, vector<16xi32>,
    %add3A_1425 = arith.constant 24 : i32
    %add3A_1426 = vector.broadcast %add3A_1425 : i32 to vector<16xi32>
    %add3A_1427 = arith.addi %min3A_10, %add3A_1426 : vector<16xi32>
    %gather3A_1428 = tpu.vector_load_idx %arg9[%add3A_1427] : memref<32xi32, #tpu.memory_space<vmem>>[vector<16xi32>], vector<16xi32>,
    %mul3A_1429 = arith.constant 16 : i32
    %mul3A_1430 = vector.broadcast %mul3A_1429 : i32 to vector<16xi32>
    %mul3A_1431 = arith.muli %gather3A_1428, %mul3A_1430 : vector<16xi32>
    %add3A_1432 = arith.addi %mul3A_1431, %iota3A : vector<16xi32>
    %swap3A_1433 = arith.constant 24 : i32
    %swap3A_1434 = arith.index_cast %swap3A_1433 : i32 to index
    %swap3A_1435 = arith.constant 0 : index
    %swap3A_1436 = tpu.vector_load %arg10[%swap3A_1434, %swap3A_1435] {strides = array<i32>} : memref<32x16xi32, #tpu.memory_space<vmem>>, vector<16xi32>,
    tpu.vector_store %arg10[%swap3A_1434, %swap3A_1435], %add3A_1432 {strides = array<i32>} : memref<32x16xi32, #tpu.memory_space<vmem>>, vector<16xi32>,
    %add3A_1437 = arith.constant 0 : i32
    %add3A_1438 = vector.broadcast %add3A_1437 : i32 to vector<16xi32>
    %add3A_1439 = arith.addi %iota3A, %add3A_1438 : vector<16xi32>
    %mul3A_1440 = arith.constant 60 : i32
    %mul3A_1441 = vector.broadcast %mul3A_1440 : i32 to vector<16xi32>
    %mul3A_1442 = arith.muli %gather3A_1428, %mul3A_1441 : vector<16xi32>
    %add3A_1443 = arith.addi %mul3A_1442, %add3A_1439 : vector<16xi32>
    %swap3A_1444 = arith.constant 24 : i32
    %swap3A_1445 = arith.index_cast %swap3A_1444 : i32 to index
    %swap3A_1446 = arith.constant 0 : index
    %swap3A_1447 = tpu.vector_load %arg11[%swap3A_1445, %swap3A_1446] {strides = array<i32>} : memref<32x64xi32, #tpu.memory_space<vmem>>, vector<16xi32>,
    tpu.vector_store %arg11[%swap3A_1445, %swap3A_1446], %add3A_1443 {strides = array<i32>} : memref<32x64xi32, #tpu.memory_space<vmem>>, vector<16xi32>,
    %add3A_1448 = arith.constant 16 : i32
    %add3A_1449 = vector.broadcast %add3A_1448 : i32 to vector<16xi32>
    %add3A_1450 = arith.addi %iota3A, %add3A_1449 : vector<16xi32>
    %mul3A_1451 = arith.constant 60 : i32
    %mul3A_1452 = vector.broadcast %mul3A_1451 : i32 to vector<16xi32>
    %mul3A_1453 = arith.muli %gather3A_1428, %mul3A_1452 : vector<16xi32>
    %add3A_1454 = arith.addi %mul3A_1453, %add3A_1450 : vector<16xi32>
    %swap3A_1455 = arith.constant 24 : i32
    %swap3A_1456 = arith.index_cast %swap3A_1455 : i32 to index
    %swap3A_1457 = arith.constant 16 : index
    %swap3A_1458 = tpu.vector_load %arg11[%swap3A_1456, %swap3A_1457] {strides = array<i32>} : memref<32x64xi32, #tpu.memory_space<vmem>>, vector<16xi32>,
    tpu.vector_store %arg11[%swap3A_1456, %swap3A_1457], %add3A_1454 {strides = array<i32>} : memref<32x64xi32, #tpu.memory_space<vmem>>, vector<16xi32>,
    %add3A_1459 = arith.constant 32 : i32
    %add3A_1460 = vector.broadcast %add3A_1459 : i32 to vector<16xi32>
    %add3A_1461 = arith.addi %iota3A, %add3A_1460 : vector<16xi32>
    %mul3A_1462 = arith.constant 60 : i32
    %mul3A_1463 = vector.broadcast %mul3A_1462 : i32 to vector<16xi32>
    %mul3A_1464 = arith.muli %gather3A_1428, %mul3A_1463 : vector<16xi32>
    %add3A_1465 = arith.addi %mul3A_1464, %add3A_1461 : vector<16xi32>
    %swap3A_1466 = arith.constant 24 : i32
    %swap3A_1467 = arith.index_cast %swap3A_1466 : i32 to index
    %swap3A_1468 = arith.constant 32 : index
    %swap3A_1469 = tpu.vector_load %arg11[%swap3A_1467, %swap3A_1468] {strides = array<i32>} : memref<32x64xi32, #tpu.memory_space<vmem>>, vector<16xi32>,
    tpu.vector_store %arg11[%swap3A_1467, %swap3A_1468], %add3A_1465 {strides = array<i32>} : memref<32x64xi32, #tpu.memory_space<vmem>>, vector<16xi32>,
    %add3A_1470 = arith.constant 48 : i32
    %add3A_1471 = vector.broadcast %add3A_1470 : i32 to vector<16xi32>
    %add3A_1472 = arith.addi %iota3A, %add3A_1471 : vector<16xi32>
    %min3A_1473 = arith.constant 59 : i32
    %min3A_1474 = vector.broadcast %min3A_1473 : i32 to vector<16xi32>
    %min3A_1475 = arith.minsi %add3A_1472, %min3A_1474 : vector<16xi32>
    %mul3A_1476 = arith.constant 60 : i32
    %mul3A_1477 = vector.broadcast %mul3A_1476 : i32 to vector<16xi32>
    %mul3A_1478 = arith.muli %gather3A_1428, %mul3A_1477 : vector<16xi32>
    %add3A_1479 = arith.addi %mul3A_1478, %min3A_1475 : vector<16xi32>
    %swap3A_1480 = arith.constant 24 : i32
    %swap3A_1481 = arith.index_cast %swap3A_1480 : i32 to index
    %swap3A_1482 = arith.constant 48 : index
    %swap3A_1483 = tpu.vector_load %arg11[%swap3A_1481, %swap3A_1482] {strides = array<i32>} : memref<32x64xi32, #tpu.memory_space<vmem>>, vector<16xi32>,
    tpu.vector_store %arg11[%swap3A_1481, %swap3A_1482], %add3A_1479 {strides = array<i32>} : memref<32x64xi32, #tpu.memory_space<vmem>>, vector<16xi32>,
    %add3A_1484 = arith.constant 25 : i32
    %add3A_1485 = vector.broadcast %add3A_1484 : i32 to vector<16xi32>
    %add3A_1486 = arith.addi %min3A_10, %add3A_1485 : vector<16xi32>
    %gather3A_1487 = tpu.vector_load_idx %arg9[%add3A_1486] : memref<32xi32, #tpu.memory_space<vmem>>[vector<16xi32>], vector<16xi32>,
    %mul3A_1488 = arith.constant 16 : i32
    %mul3A_1489 = vector.broadcast %mul3A_1488 : i32 to vector<16xi32>
    %mul3A_1490 = arith.muli %gather3A_1487, %mul3A_1489 : vector<16xi32>
    %add3A_1491 = arith.addi %mul3A_1490, %iota3A : vector<16xi32>
    %swap3A_1492 = arith.constant 25 : i32
    %swap3A_1493 = arith.index_cast %swap3A_1492 : i32 to index
    %swap3A_1494 = arith.constant 0 : index
    %swap3A_1495 = tpu.vector_load %arg10[%swap3A_1493, %swap3A_1494] {strides = array<i32>} : memref<32x16xi32, #tpu.memory_space<vmem>>, vector<16xi32>,
    tpu.vector_store %arg10[%swap3A_1493, %swap3A_1494], %add3A_1491 {strides = array<i32>} : memref<32x16xi32, #tpu.memory_space<vmem>>, vector<16xi32>,
    %add3A_1496 = arith.constant 0 : i32
    %add3A_1497 = vector.broadcast %add3A_1496 : i32 to vector<16xi32>
    %add3A_1498 = arith.addi %iota3A, %add3A_1497 : vector<16xi32>
    %mul3A_1499 = arith.constant 60 : i32
    %mul3A_1500 = vector.broadcast %mul3A_1499 : i32 to vector<16xi32>
    %mul3A_1501 = arith.muli %gather3A_1487, %mul3A_1500 : vector<16xi32>
    %add3A_1502 = arith.addi %mul3A_1501, %add3A_1498 : vector<16xi32>
    %swap3A_1503 = arith.constant 25 : i32
    %swap3A_1504 = arith.index_cast %swap3A_1503 : i32 to index
    %swap3A_1505 = arith.constant 0 : index
    %swap3A_1506 = tpu.vector_load %arg11[%swap3A_1504, %swap3A_1505] {strides = array<i32>} : memref<32x64xi32, #tpu.memory_space<vmem>>, vector<16xi32>,
    tpu.vector_store %arg11[%swap3A_1504, %swap3A_1505], %add3A_1502 {strides = array<i32>} : memref<32x64xi32, #tpu.memory_space<vmem>>, vector<16xi32>,
    %add3A_1507 = arith.constant 16 : i32
    %add3A_1508 = vector.broadcast %add3A_1507 : i32 to vector<16xi32>
    %add3A_1509 = arith.addi %iota3A, %add3A_1508 : vector<16xi32>
    %mul3A_1510 = arith.constant 60 : i32
    %mul3A_1511 = vector.broadcast %mul3A_1510 : i32 to vector<16xi32>
    %mul3A_1512 = arith.muli %gather3A_1487, %mul3A_1511 : vector<16xi32>
    %add3A_1513 = arith.addi %mul3A_1512, %add3A_1509 : vector<16xi32>
    %swap3A_1514 = arith.constant 25 : i32
    %swap3A_1515 = arith.index_cast %swap3A_1514 : i32 to index
    %swap3A_1516 = arith.constant 16 : index
    %swap3A_1517 = tpu.vector_load %arg11[%swap3A_1515, %swap3A_1516] {strides = array<i32>} : memref<32x64xi32, #tpu.memory_space<vmem>>, vector<16xi32>,
    tpu.vector_store %arg11[%swap3A_1515, %swap3A_1516], %add3A_1513 {strides = array<i32>} : memref<32x64xi32, #tpu.memory_space<vmem>>, vector<16xi32>,
    %add3A_1518 = arith.constant 32 : i32
    %add3A_1519 = vector.broadcast %add3A_1518 : i32 to vector<16xi32>
    %add3A_1520 = arith.addi %iota3A, %add3A_1519 : vector<16xi32>
    %mul3A_1521 = arith.constant 60 : i32
    %mul3A_1522 = vector.broadcast %mul3A_1521 : i32 to vector<16xi32>
    %mul3A_1523 = arith.muli %gather3A_1487, %mul3A_1522 : vector<16xi32>
    %add3A_1524 = arith.addi %mul3A_1523, %add3A_1520 : vector<16xi32>
    %swap3A_1525 = arith.constant 25 : i32
    %swap3A_1526 = arith.index_cast %swap3A_1525 : i32 to index
    %swap3A_1527 = arith.constant 32 : index
    %swap3A_1528 = tpu.vector_load %arg11[%swap3A_1526, %swap3A_1527] {strides = array<i32>} : memref<32x64xi32, #tpu.memory_space<vmem>>, vector<16xi32>,
    tpu.vector_store %arg11[%swap3A_1526, %swap3A_1527], %add3A_1524 {strides = array<i32>} : memref<32x64xi32, #tpu.memory_space<vmem>>, vector<16xi32>,
    %add3A_1529 = arith.constant 48 : i32
    %add3A_1530 = vector.broadcast %add3A_1529 : i32 to vector<16xi32>
    %add3A_1531 = arith.addi %iota3A, %add3A_1530 : vector<16xi32>
    %min3A_1532 = arith.constant 59 : i32
    %min3A_1533 = vector.broadcast %min3A_1532 : i32 to vector<16xi32>
    %min3A_1534 = arith.minsi %add3A_1531, %min3A_1533 : vector<16xi32>
    %mul3A_1535 = arith.constant 60 : i32
    %mul3A_1536 = vector.broadcast %mul3A_1535 : i32 to vector<16xi32>
    %mul3A_1537 = arith.muli %gather3A_1487, %mul3A_1536 : vector<16xi32>
    %add3A_1538 = arith.addi %mul3A_1537, %min3A_1534 : vector<16xi32>
    %swap3A_1539 = arith.constant 25 : i32
    %swap3A_1540 = arith.index_cast %swap3A_1539 : i32 to index
    %swap3A_1541 = arith.constant 48 : index
    %swap3A_1542 = tpu.vector_load %arg11[%swap3A_1540, %swap3A_1541] {strides = array<i32>} : memref<32x64xi32, #tpu.memory_space<vmem>>, vector<16xi32>,
    tpu.vector_store %arg11[%swap3A_1540, %swap3A_1541], %add3A_1538 {strides = array<i32>} : memref<32x64xi32, #tpu.memory_space<vmem>>, vector<16xi32>,
    %add3A_1543 = arith.constant 26 : i32
    %add3A_1544 = vector.broadcast %add3A_1543 : i32 to vector<16xi32>
    %add3A_1545 = arith.addi %min3A_10, %add3A_1544 : vector<16xi32>
    %gather3A_1546 = tpu.vector_load_idx %arg9[%add3A_1545] : memref<32xi32, #tpu.memory_space<vmem>>[vector<16xi32>], vector<16xi32>,
    %mul3A_1547 = arith.constant 16 : i32
    %mul3A_1548 = vector.broadcast %mul3A_1547 : i32 to vector<16xi32>
    %mul3A_1549 = arith.muli %gather3A_1546, %mul3A_1548 : vector<16xi32>
    %add3A_1550 = arith.addi %mul3A_1549, %iota3A : vector<16xi32>
    %swap3A_1551 = arith.constant 26 : i32
    %swap3A_1552 = arith.index_cast %swap3A_1551 : i32 to index
    %swap3A_1553 = arith.constant 0 : index
    %swap3A_1554 = tpu.vector_load %arg10[%swap3A_1552, %swap3A_1553] {strides = array<i32>} : memref<32x16xi32, #tpu.memory_space<vmem>>, vector<16xi32>,
    tpu.vector_store %arg10[%swap3A_1552, %swap3A_1553], %add3A_1550 {strides = array<i32>} : memref<32x16xi32, #tpu.memory_space<vmem>>, vector<16xi32>,
    %add3A_1555 = arith.constant 0 : i32
    %add3A_1556 = vector.broadcast %add3A_1555 : i32 to vector<16xi32>
    %add3A_1557 = arith.addi %iota3A, %add3A_1556 : vector<16xi32>
    %mul3A_1558 = arith.constant 60 : i32
    %mul3A_1559 = vector.broadcast %mul3A_1558 : i32 to vector<16xi32>
    %mul3A_1560 = arith.muli %gather3A_1546, %mul3A_1559 : vector<16xi32>
    %add3A_1561 = arith.addi %mul3A_1560, %add3A_1557 : vector<16xi32>
    %swap3A_1562 = arith.constant 26 : i32
    %swap3A_1563 = arith.index_cast %swap3A_1562 : i32 to index
    %swap3A_1564 = arith.constant 0 : index
    %swap3A_1565 = tpu.vector_load %arg11[%swap3A_1563, %swap3A_1564] {strides = array<i32>} : memref<32x64xi32, #tpu.memory_space<vmem>>, vector<16xi32>,
    tpu.vector_store %arg11[%swap3A_1563, %swap3A_1564], %add3A_1561 {strides = array<i32>} : memref<32x64xi32, #tpu.memory_space<vmem>>, vector<16xi32>,
    %add3A_1566 = arith.constant 16 : i32
    %add3A_1567 = vector.broadcast %add3A_1566 : i32 to vector<16xi32>
    %add3A_1568 = arith.addi %iota3A, %add3A_1567 : vector<16xi32>
    %mul3A_1569 = arith.constant 60 : i32
    %mul3A_1570 = vector.broadcast %mul3A_1569 : i32 to vector<16xi32>
    %mul3A_1571 = arith.muli %gather3A_1546, %mul3A_1570 : vector<16xi32>
    %add3A_1572 = arith.addi %mul3A_1571, %add3A_1568 : vector<16xi32>
    %swap3A_1573 = arith.constant 26 : i32
    %swap3A_1574 = arith.index_cast %swap3A_1573 : i32 to index
    %swap3A_1575 = arith.constant 16 : index
    %swap3A_1576 = tpu.vector_load %arg11[%swap3A_1574, %swap3A_1575] {strides = array<i32>} : memref<32x64xi32, #tpu.memory_space<vmem>>, vector<16xi32>,
    tpu.vector_store %arg11[%swap3A_1574, %swap3A_1575], %add3A_1572 {strides = array<i32>} : memref<32x64xi32, #tpu.memory_space<vmem>>, vector<16xi32>,
    %add3A_1577 = arith.constant 32 : i32
    %add3A_1578 = vector.broadcast %add3A_1577 : i32 to vector<16xi32>
    %add3A_1579 = arith.addi %iota3A, %add3A_1578 : vector<16xi32>
    %mul3A_1580 = arith.constant 60 : i32
    %mul3A_1581 = vector.broadcast %mul3A_1580 : i32 to vector<16xi32>
    %mul3A_1582 = arith.muli %gather3A_1546, %mul3A_1581 : vector<16xi32>
    %add3A_1583 = arith.addi %mul3A_1582, %add3A_1579 : vector<16xi32>
    %swap3A_1584 = arith.constant 26 : i32
    %swap3A_1585 = arith.index_cast %swap3A_1584 : i32 to index
    %swap3A_1586 = arith.constant 32 : index
    %swap3A_1587 = tpu.vector_load %arg11[%swap3A_1585, %swap3A_1586] {strides = array<i32>} : memref<32x64xi32, #tpu.memory_space<vmem>>, vector<16xi32>,
    tpu.vector_store %arg11[%swap3A_1585, %swap3A_1586], %add3A_1583 {strides = array<i32>} : memref<32x64xi32, #tpu.memory_space<vmem>>, vector<16xi32>,
    %add3A_1588 = arith.constant 48 : i32
    %add3A_1589 = vector.broadcast %add3A_1588 : i32 to vector<16xi32>
    %add3A_1590 = arith.addi %iota3A, %add3A_1589 : vector<16xi32>
    %min3A_1591 = arith.constant 59 : i32
    %min3A_1592 = vector.broadcast %min3A_1591 : i32 to vector<16xi32>
    %min3A_1593 = arith.minsi %add3A_1590, %min3A_1592 : vector<16xi32>
    %mul3A_1594 = arith.constant 60 : i32
    %mul3A_1595 = vector.broadcast %mul3A_1594 : i32 to vector<16xi32>
    %mul3A_1596 = arith.muli %gather3A_1546, %mul3A_1595 : vector<16xi32>
    %add3A_1597 = arith.addi %mul3A_1596, %min3A_1593 : vector<16xi32>
    %swap3A_1598 = arith.constant 26 : i32
    %swap3A_1599 = arith.index_cast %swap3A_1598 : i32 to index
    %swap3A_1600 = arith.constant 48 : index
    %swap3A_1601 = tpu.vector_load %arg11[%swap3A_1599, %swap3A_1600] {strides = array<i32>} : memref<32x64xi32, #tpu.memory_space<vmem>>, vector<16xi32>,
    tpu.vector_store %arg11[%swap3A_1599, %swap3A_1600], %add3A_1597 {strides = array<i32>} : memref<32x64xi32, #tpu.memory_space<vmem>>, vector<16xi32>,
    %add3A_1602 = arith.constant 27 : i32
    %add3A_1603 = vector.broadcast %add3A_1602 : i32 to vector<16xi32>
    %add3A_1604 = arith.addi %min3A_10, %add3A_1603 : vector<16xi32>
    %gather3A_1605 = tpu.vector_load_idx %arg9[%add3A_1604] : memref<32xi32, #tpu.memory_space<vmem>>[vector<16xi32>], vector<16xi32>,
    %mul3A_1606 = arith.constant 16 : i32
    %mul3A_1607 = vector.broadcast %mul3A_1606 : i32 to vector<16xi32>
    %mul3A_1608 = arith.muli %gather3A_1605, %mul3A_1607 : vector<16xi32>
    %add3A_1609 = arith.addi %mul3A_1608, %iota3A : vector<16xi32>
    %swap3A_1610 = arith.constant 27 : i32
    %swap3A_1611 = arith.index_cast %swap3A_1610 : i32 to index
    %swap3A_1612 = arith.constant 0 : index
    %swap3A_1613 = tpu.vector_load %arg10[%swap3A_1611, %swap3A_1612] {strides = array<i32>} : memref<32x16xi32, #tpu.memory_space<vmem>>, vector<16xi32>,
    tpu.vector_store %arg10[%swap3A_1611, %swap3A_1612], %add3A_1609 {strides = array<i32>} : memref<32x16xi32, #tpu.memory_space<vmem>>, vector<16xi32>,
    %add3A_1614 = arith.constant 0 : i32
    %add3A_1615 = vector.broadcast %add3A_1614 : i32 to vector<16xi32>
    %add3A_1616 = arith.addi %iota3A, %add3A_1615 : vector<16xi32>
    %mul3A_1617 = arith.constant 60 : i32
    %mul3A_1618 = vector.broadcast %mul3A_1617 : i32 to vector<16xi32>
    %mul3A_1619 = arith.muli %gather3A_1605, %mul3A_1618 : vector<16xi32>
    %add3A_1620 = arith.addi %mul3A_1619, %add3A_1616 : vector<16xi32>
    %swap3A_1621 = arith.constant 27 : i32
    %swap3A_1622 = arith.index_cast %swap3A_1621 : i32 to index
    %swap3A_1623 = arith.constant 0 : index
    %swap3A_1624 = tpu.vector_load %arg11[%swap3A_1622, %swap3A_1623] {strides = array<i32>} : memref<32x64xi32, #tpu.memory_space<vmem>>, vector<16xi32>,
    tpu.vector_store %arg11[%swap3A_1622, %swap3A_1623], %add3A_1620 {strides = array<i32>} : memref<32x64xi32, #tpu.memory_space<vmem>>, vector<16xi32>,
    %add3A_1625 = arith.constant 16 : i32
    %add3A_1626 = vector.broadcast %add3A_1625 : i32 to vector<16xi32>
    %add3A_1627 = arith.addi %iota3A, %add3A_1626 : vector<16xi32>
    %mul3A_1628 = arith.constant 60 : i32
    %mul3A_1629 = vector.broadcast %mul3A_1628 : i32 to vector<16xi32>
    %mul3A_1630 = arith.muli %gather3A_1605, %mul3A_1629 : vector<16xi32>
    %add3A_1631 = arith.addi %mul3A_1630, %add3A_1627 : vector<16xi32>
    %swap3A_1632 = arith.constant 27 : i32
    %swap3A_1633 = arith.index_cast %swap3A_1632 : i32 to index
    %swap3A_1634 = arith.constant 16 : index
    %swap3A_1635 = tpu.vector_load %arg11[%swap3A_1633, %swap3A_1634] {strides = array<i32>} : memref<32x64xi32, #tpu.memory_space<vmem>>, vector<16xi32>,
    tpu.vector_store %arg11[%swap3A_1633, %swap3A_1634], %add3A_1631 {strides = array<i32>} : memref<32x64xi32, #tpu.memory_space<vmem>>, vector<16xi32>,
    %add3A_1636 = arith.constant 32 : i32
    %add3A_1637 = vector.broadcast %add3A_1636 : i32 to vector<16xi32>
    %add3A_1638 = arith.addi %iota3A, %add3A_1637 : vector<16xi32>
    %mul3A_1639 = arith.constant 60 : i32
    %mul3A_1640 = vector.broadcast %mul3A_1639 : i32 to vector<16xi32>
    %mul3A_1641 = arith.muli %gather3A_1605, %mul3A_1640 : vector<16xi32>
    %add3A_1642 = arith.addi %mul3A_1641, %add3A_1638 : vector<16xi32>
    %swap3A_1643 = arith.constant 27 : i32
    %swap3A_1644 = arith.index_cast %swap3A_1643 : i32 to index
    %swap3A_1645 = arith.constant 32 : index
    %swap3A_1646 = tpu.vector_load %arg11[%swap3A_1644, %swap3A_1645] {strides = array<i32>} : memref<32x64xi32, #tpu.memory_space<vmem>>, vector<16xi32>,
    tpu.vector_store %arg11[%swap3A_1644, %swap3A_1645], %add3A_1642 {strides = array<i32>} : memref<32x64xi32, #tpu.memory_space<vmem>>, vector<16xi32>,
    %add3A_1647 = arith.constant 48 : i32
    %add3A_1648 = vector.broadcast %add3A_1647 : i32 to vector<16xi32>
    %add3A_1649 = arith.addi %iota3A, %add3A_1648 : vector<16xi32>
    %min3A_1650 = arith.constant 59 : i32
    %min3A_1651 = vector.broadcast %min3A_1650 : i32 to vector<16xi32>
    %min3A_1652 = arith.minsi %add3A_1649, %min3A_1651 : vector<16xi32>
    %mul3A_1653 = arith.constant 60 : i32
    %mul3A_1654 = vector.broadcast %mul3A_1653 : i32 to vector<16xi32>
    %mul3A_1655 = arith.muli %gather3A_1605, %mul3A_1654 : vector<16xi32>
    %add3A_1656 = arith.addi %mul3A_1655, %min3A_1652 : vector<16xi32>
    %swap3A_1657 = arith.constant 27 : i32
    %swap3A_1658 = arith.index_cast %swap3A_1657 : i32 to index
    %swap3A_1659 = arith.constant 48 : index
    %swap3A_1660 = tpu.vector_load %arg11[%swap3A_1658, %swap3A_1659] {strides = array<i32>} : memref<32x64xi32, #tpu.memory_space<vmem>>, vector<16xi32>,
    tpu.vector_store %arg11[%swap3A_1658, %swap3A_1659], %add3A_1656 {strides = array<i32>} : memref<32x64xi32, #tpu.memory_space<vmem>>, vector<16xi32>,
    %add3A_1661 = arith.constant 28 : i32
    %add3A_1662 = vector.broadcast %add3A_1661 : i32 to vector<16xi32>
    %add3A_1663 = arith.addi %min3A_10, %add3A_1662 : vector<16xi32>
    %gather3A_1664 = tpu.vector_load_idx %arg9[%add3A_1663] : memref<32xi32, #tpu.memory_space<vmem>>[vector<16xi32>], vector<16xi32>,
    %mul3A_1665 = arith.constant 16 : i32
    %mul3A_1666 = vector.broadcast %mul3A_1665 : i32 to vector<16xi32>
    %mul3A_1667 = arith.muli %gather3A_1664, %mul3A_1666 : vector<16xi32>
    %add3A_1668 = arith.addi %mul3A_1667, %iota3A : vector<16xi32>
    %swap3A_1669 = arith.constant 28 : i32
    %swap3A_1670 = arith.index_cast %swap3A_1669 : i32 to index
    %swap3A_1671 = arith.constant 0 : index
    %swap3A_1672 = tpu.vector_load %arg10[%swap3A_1670, %swap3A_1671] {strides = array<i32>} : memref<32x16xi32, #tpu.memory_space<vmem>>, vector<16xi32>,
    tpu.vector_store %arg10[%swap3A_1670, %swap3A_1671], %add3A_1668 {strides = array<i32>} : memref<32x16xi32, #tpu.memory_space<vmem>>, vector<16xi32>,
    %add3A_1673 = arith.constant 0 : i32
    %add3A_1674 = vector.broadcast %add3A_1673 : i32 to vector<16xi32>
    %add3A_1675 = arith.addi %iota3A, %add3A_1674 : vector<16xi32>
    %mul3A_1676 = arith.constant 60 : i32
    %mul3A_1677 = vector.broadcast %mul3A_1676 : i32 to vector<16xi32>
    %mul3A_1678 = arith.muli %gather3A_1664, %mul3A_1677 : vector<16xi32>
    %add3A_1679 = arith.addi %mul3A_1678, %add3A_1675 : vector<16xi32>
    %swap3A_1680 = arith.constant 28 : i32
    %swap3A_1681 = arith.index_cast %swap3A_1680 : i32 to index
    %swap3A_1682 = arith.constant 0 : index
    %swap3A_1683 = tpu.vector_load %arg11[%swap3A_1681, %swap3A_1682] {strides = array<i32>} : memref<32x64xi32, #tpu.memory_space<vmem>>, vector<16xi32>,
    tpu.vector_store %arg11[%swap3A_1681, %swap3A_1682], %add3A_1679 {strides = array<i32>} : memref<32x64xi32, #tpu.memory_space<vmem>>, vector<16xi32>,
    %add3A_1684 = arith.constant 16 : i32
    %add3A_1685 = vector.broadcast %add3A_1684 : i32 to vector<16xi32>
    %add3A_1686 = arith.addi %iota3A, %add3A_1685 : vector<16xi32>
    %mul3A_1687 = arith.constant 60 : i32
    %mul3A_1688 = vector.broadcast %mul3A_1687 : i32 to vector<16xi32>
    %mul3A_1689 = arith.muli %gather3A_1664, %mul3A_1688 : vector<16xi32>
    %add3A_1690 = arith.addi %mul3A_1689, %add3A_1686 : vector<16xi32>
    %swap3A_1691 = arith.constant 28 : i32
    %swap3A_1692 = arith.index_cast %swap3A_1691 : i32 to index
    %swap3A_1693 = arith.constant 16 : index
    %swap3A_1694 = tpu.vector_load %arg11[%swap3A_1692, %swap3A_1693] {strides = array<i32>} : memref<32x64xi32, #tpu.memory_space<vmem>>, vector<16xi32>,
    tpu.vector_store %arg11[%swap3A_1692, %swap3A_1693], %add3A_1690 {strides = array<i32>} : memref<32x64xi32, #tpu.memory_space<vmem>>, vector<16xi32>,
    %add3A_1695 = arith.constant 32 : i32
    %add3A_1696 = vector.broadcast %add3A_1695 : i32 to vector<16xi32>
    %add3A_1697 = arith.addi %iota3A, %add3A_1696 : vector<16xi32>
    %mul3A_1698 = arith.constant 60 : i32
    %mul3A_1699 = vector.broadcast %mul3A_1698 : i32 to vector<16xi32>
    %mul3A_1700 = arith.muli %gather3A_1664, %mul3A_1699 : vector<16xi32>
    %add3A_1701 = arith.addi %mul3A_1700, %add3A_1697 : vector<16xi32>
    %swap3A_1702 = arith.constant 28 : i32
    %swap3A_1703 = arith.index_cast %swap3A_1702 : i32 to index
    %swap3A_1704 = arith.constant 32 : index
    %swap3A_1705 = tpu.vector_load %arg11[%swap3A_1703, %swap3A_1704] {strides = array<i32>} : memref<32x64xi32, #tpu.memory_space<vmem>>, vector<16xi32>,
    tpu.vector_store %arg11[%swap3A_1703, %swap3A_1704], %add3A_1701 {strides = array<i32>} : memref<32x64xi32, #tpu.memory_space<vmem>>, vector<16xi32>,
    %add3A_1706 = arith.constant 48 : i32
    %add3A_1707 = vector.broadcast %add3A_1706 : i32 to vector<16xi32>
    %add3A_1708 = arith.addi %iota3A, %add3A_1707 : vector<16xi32>
    %min3A_1709 = arith.constant 59 : i32
    %min3A_1710 = vector.broadcast %min3A_1709 : i32 to vector<16xi32>
    %min3A_1711 = arith.minsi %add3A_1708, %min3A_1710 : vector<16xi32>
    %mul3A_1712 = arith.constant 60 : i32
    %mul3A_1713 = vector.broadcast %mul3A_1712 : i32 to vector<16xi32>
    %mul3A_1714 = arith.muli %gather3A_1664, %mul3A_1713 : vector<16xi32>
    %add3A_1715 = arith.addi %mul3A_1714, %min3A_1711 : vector<16xi32>
    %swap3A_1716 = arith.constant 28 : i32
    %swap3A_1717 = arith.index_cast %swap3A_1716 : i32 to index
    %swap3A_1718 = arith.constant 48 : index
    %swap3A_1719 = tpu.vector_load %arg11[%swap3A_1717, %swap3A_1718] {strides = array<i32>} : memref<32x64xi32, #tpu.memory_space<vmem>>, vector<16xi32>,
    tpu.vector_store %arg11[%swap3A_1717, %swap3A_1718], %add3A_1715 {strides = array<i32>} : memref<32x64xi32, #tpu.memory_space<vmem>>, vector<16xi32>,
    %add3A_1720 = arith.constant 29 : i32
    %add3A_1721 = vector.broadcast %add3A_1720 : i32 to vector<16xi32>
    %add3A_1722 = arith.addi %min3A_10, %add3A_1721 : vector<16xi32>
    %gather3A_1723 = tpu.vector_load_idx %arg9[%add3A_1722] : memref<32xi32, #tpu.memory_space<vmem>>[vector<16xi32>], vector<16xi32>,
    %mul3A_1724 = arith.constant 16 : i32
    %mul3A_1725 = vector.broadcast %mul3A_1724 : i32 to vector<16xi32>
    %mul3A_1726 = arith.muli %gather3A_1723, %mul3A_1725 : vector<16xi32>
    %add3A_1727 = arith.addi %mul3A_1726, %iota3A : vector<16xi32>
    %swap3A_1728 = arith.constant 29 : i32
    %swap3A_1729 = arith.index_cast %swap3A_1728 : i32 to index
    %swap3A_1730 = arith.constant 0 : index
    %swap3A_1731 = tpu.vector_load %arg10[%swap3A_1729, %swap3A_1730] {strides = array<i32>} : memref<32x16xi32, #tpu.memory_space<vmem>>, vector<16xi32>,
    tpu.vector_store %arg10[%swap3A_1729, %swap3A_1730], %add3A_1727 {strides = array<i32>} : memref<32x16xi32, #tpu.memory_space<vmem>>, vector<16xi32>,
    %add3A_1732 = arith.constant 0 : i32
    %add3A_1733 = vector.broadcast %add3A_1732 : i32 to vector<16xi32>
    %add3A_1734 = arith.addi %iota3A, %add3A_1733 : vector<16xi32>
    %mul3A_1735 = arith.constant 60 : i32
    %mul3A_1736 = vector.broadcast %mul3A_1735 : i32 to vector<16xi32>
    %mul3A_1737 = arith.muli %gather3A_1723, %mul3A_1736 : vector<16xi32>
    %add3A_1738 = arith.addi %mul3A_1737, %add3A_1734 : vector<16xi32>
    %swap3A_1739 = arith.constant 29 : i32
    %swap3A_1740 = arith.index_cast %swap3A_1739 : i32 to index
    %swap3A_1741 = arith.constant 0 : index
    %swap3A_1742 = tpu.vector_load %arg11[%swap3A_1740, %swap3A_1741] {strides = array<i32>} : memref<32x64xi32, #tpu.memory_space<vmem>>, vector<16xi32>,
    tpu.vector_store %arg11[%swap3A_1740, %swap3A_1741], %add3A_1738 {strides = array<i32>} : memref<32x64xi32, #tpu.memory_space<vmem>>, vector<16xi32>,
    %add3A_1743 = arith.constant 16 : i32
    %add3A_1744 = vector.broadcast %add3A_1743 : i32 to vector<16xi32>
    %add3A_1745 = arith.addi %iota3A, %add3A_1744 : vector<16xi32>
    %mul3A_1746 = arith.constant 60 : i32
    %mul3A_1747 = vector.broadcast %mul3A_1746 : i32 to vector<16xi32>
    %mul3A_1748 = arith.muli %gather3A_1723, %mul3A_1747 : vector<16xi32>
    %add3A_1749 = arith.addi %mul3A_1748, %add3A_1745 : vector<16xi32>
    %swap3A_1750 = arith.constant 29 : i32
    %swap3A_1751 = arith.index_cast %swap3A_1750 : i32 to index
    %swap3A_1752 = arith.constant 16 : index
    %swap3A_1753 = tpu.vector_load %arg11[%swap3A_1751, %swap3A_1752] {strides = array<i32>} : memref<32x64xi32, #tpu.memory_space<vmem>>, vector<16xi32>,
    tpu.vector_store %arg11[%swap3A_1751, %swap3A_1752], %add3A_1749 {strides = array<i32>} : memref<32x64xi32, #tpu.memory_space<vmem>>, vector<16xi32>,
    %add3A_1754 = arith.constant 32 : i32
    %add3A_1755 = vector.broadcast %add3A_1754 : i32 to vector<16xi32>
    %add3A_1756 = arith.addi %iota3A, %add3A_1755 : vector<16xi32>
    %mul3A_1757 = arith.constant 60 : i32
    %mul3A_1758 = vector.broadcast %mul3A_1757 : i32 to vector<16xi32>
    %mul3A_1759 = arith.muli %gather3A_1723, %mul3A_1758 : vector<16xi32>
    %add3A_1760 = arith.addi %mul3A_1759, %add3A_1756 : vector<16xi32>
    %swap3A_1761 = arith.constant 29 : i32
    %swap3A_1762 = arith.index_cast %swap3A_1761 : i32 to index
    %swap3A_1763 = arith.constant 32 : index
    %swap3A_1764 = tpu.vector_load %arg11[%swap3A_1762, %swap3A_1763] {strides = array<i32>} : memref<32x64xi32, #tpu.memory_space<vmem>>, vector<16xi32>,
    tpu.vector_store %arg11[%swap3A_1762, %swap3A_1763], %add3A_1760 {strides = array<i32>} : memref<32x64xi32, #tpu.memory_space<vmem>>, vector<16xi32>,
    %add3A_1765 = arith.constant 48 : i32
    %add3A_1766 = vector.broadcast %add3A_1765 : i32 to vector<16xi32>
    %add3A_1767 = arith.addi %iota3A, %add3A_1766 : vector<16xi32>
    %min3A_1768 = arith.constant 59 : i32
    %min3A_1769 = vector.broadcast %min3A_1768 : i32 to vector<16xi32>
    %min3A_1770 = arith.minsi %add3A_1767, %min3A_1769 : vector<16xi32>
    %mul3A_1771 = arith.constant 60 : i32
    %mul3A_1772 = vector.broadcast %mul3A_1771 : i32 to vector<16xi32>
    %mul3A_1773 = arith.muli %gather3A_1723, %mul3A_1772 : vector<16xi32>
    %add3A_1774 = arith.addi %mul3A_1773, %min3A_1770 : vector<16xi32>
    %swap3A_1775 = arith.constant 29 : i32
    %swap3A_1776 = arith.index_cast %swap3A_1775 : i32 to index
    %swap3A_1777 = arith.constant 48 : index
    %swap3A_1778 = tpu.vector_load %arg11[%swap3A_1776, %swap3A_1777] {strides = array<i32>} : memref<32x64xi32, #tpu.memory_space<vmem>>, vector<16xi32>,
    tpu.vector_store %arg11[%swap3A_1776, %swap3A_1777], %add3A_1774 {strides = array<i32>} : memref<32x64xi32, #tpu.memory_space<vmem>>, vector<16xi32>,
    %add3A_1779 = arith.constant 30 : i32
    %add3A_1780 = vector.broadcast %add3A_1779 : i32 to vector<16xi32>
    %add3A_1781 = arith.addi %min3A_10, %add3A_1780 : vector<16xi32>
    %gather3A_1782 = tpu.vector_load_idx %arg9[%add3A_1781] : memref<32xi32, #tpu.memory_space<vmem>>[vector<16xi32>], vector<16xi32>,
    %mul3A_1783 = arith.constant 16 : i32
    %mul3A_1784 = vector.broadcast %mul3A_1783 : i32 to vector<16xi32>
    %mul3A_1785 = arith.muli %gather3A_1782, %mul3A_1784 : vector<16xi32>
    %add3A_1786 = arith.addi %mul3A_1785, %iota3A : vector<16xi32>
    %swap3A_1787 = arith.constant 30 : i32
    %swap3A_1788 = arith.index_cast %swap3A_1787 : i32 to index
    %swap3A_1789 = arith.constant 0 : index
    %swap3A_1790 = tpu.vector_load %arg10[%swap3A_1788, %swap3A_1789] {strides = array<i32>} : memref<32x16xi32, #tpu.memory_space<vmem>>, vector<16xi32>,
    tpu.vector_store %arg10[%swap3A_1788, %swap3A_1789], %add3A_1786 {strides = array<i32>} : memref<32x16xi32, #tpu.memory_space<vmem>>, vector<16xi32>,
    %add3A_1791 = arith.constant 0 : i32
    %add3A_1792 = vector.broadcast %add3A_1791 : i32 to vector<16xi32>
    %add3A_1793 = arith.addi %iota3A, %add3A_1792 : vector<16xi32>
    %mul3A_1794 = arith.constant 60 : i32
    %mul3A_1795 = vector.broadcast %mul3A_1794 : i32 to vector<16xi32>
    %mul3A_1796 = arith.muli %gather3A_1782, %mul3A_1795 : vector<16xi32>
    %add3A_1797 = arith.addi %mul3A_1796, %add3A_1793 : vector<16xi32>
    %swap3A_1798 = arith.constant 30 : i32
    %swap3A_1799 = arith.index_cast %swap3A_1798 : i32 to index
    %swap3A_1800 = arith.constant 0 : index
    %swap3A_1801 = tpu.vector_load %arg11[%swap3A_1799, %swap3A_1800] {strides = array<i32>} : memref<32x64xi32, #tpu.memory_space<vmem>>, vector<16xi32>,
    tpu.vector_store %arg11[%swap3A_1799, %swap3A_1800], %add3A_1797 {strides = array<i32>} : memref<32x64xi32, #tpu.memory_space<vmem>>, vector<16xi32>,
    %add3A_1802 = arith.constant 16 : i32
    %add3A_1803 = vector.broadcast %add3A_1802 : i32 to vector<16xi32>
    %add3A_1804 = arith.addi %iota3A, %add3A_1803 : vector<16xi32>
    %mul3A_1805 = arith.constant 60 : i32
    %mul3A_1806 = vector.broadcast %mul3A_1805 : i32 to vector<16xi32>
    %mul3A_1807 = arith.muli %gather3A_1782, %mul3A_1806 : vector<16xi32>
    %add3A_1808 = arith.addi %mul3A_1807, %add3A_1804 : vector<16xi32>
    %swap3A_1809 = arith.constant 30 : i32
    %swap3A_1810 = arith.index_cast %swap3A_1809 : i32 to index
    %swap3A_1811 = arith.constant 16 : index
    %swap3A_1812 = tpu.vector_load %arg11[%swap3A_1810, %swap3A_1811] {strides = array<i32>} : memref<32x64xi32, #tpu.memory_space<vmem>>, vector<16xi32>,
    tpu.vector_store %arg11[%swap3A_1810, %swap3A_1811], %add3A_1808 {strides = array<i32>} : memref<32x64xi32, #tpu.memory_space<vmem>>, vector<16xi32>,
    %add3A_1813 = arith.constant 32 : i32
    %add3A_1814 = vector.broadcast %add3A_1813 : i32 to vector<16xi32>
    %add3A_1815 = arith.addi %iota3A, %add3A_1814 : vector<16xi32>
    %mul3A_1816 = arith.constant 60 : i32
    %mul3A_1817 = vector.broadcast %mul3A_1816 : i32 to vector<16xi32>
    %mul3A_1818 = arith.muli %gather3A_1782, %mul3A_1817 : vector<16xi32>
    %add3A_1819 = arith.addi %mul3A_1818, %add3A_1815 : vector<16xi32>
    %swap3A_1820 = arith.constant 30 : i32
    %swap3A_1821 = arith.index_cast %swap3A_1820 : i32 to index
    %swap3A_1822 = arith.constant 32 : index
    %swap3A_1823 = tpu.vector_load %arg11[%swap3A_1821, %swap3A_1822] {strides = array<i32>} : memref<32x64xi32, #tpu.memory_space<vmem>>, vector<16xi32>,
    tpu.vector_store %arg11[%swap3A_1821, %swap3A_1822], %add3A_1819 {strides = array<i32>} : memref<32x64xi32, #tpu.memory_space<vmem>>, vector<16xi32>,
    %add3A_1824 = arith.constant 48 : i32
    %add3A_1825 = vector.broadcast %add3A_1824 : i32 to vector<16xi32>
    %add3A_1826 = arith.addi %iota3A, %add3A_1825 : vector<16xi32>
    %min3A_1827 = arith.constant 59 : i32
    %min3A_1828 = vector.broadcast %min3A_1827 : i32 to vector<16xi32>
    %min3A_1829 = arith.minsi %add3A_1826, %min3A_1828 : vector<16xi32>
    %mul3A_1830 = arith.constant 60 : i32
    %mul3A_1831 = vector.broadcast %mul3A_1830 : i32 to vector<16xi32>
    %mul3A_1832 = arith.muli %gather3A_1782, %mul3A_1831 : vector<16xi32>
    %add3A_1833 = arith.addi %mul3A_1832, %min3A_1829 : vector<16xi32>
    %swap3A_1834 = arith.constant 30 : i32
    %swap3A_1835 = arith.index_cast %swap3A_1834 : i32 to index
    %swap3A_1836 = arith.constant 48 : index
    %swap3A_1837 = tpu.vector_load %arg11[%swap3A_1835, %swap3A_1836] {strides = array<i32>} : memref<32x64xi32, #tpu.memory_space<vmem>>, vector<16xi32>,
    tpu.vector_store %arg11[%swap3A_1835, %swap3A_1836], %add3A_1833 {strides = array<i32>} : memref<32x64xi32, #tpu.memory_space<vmem>>, vector<16xi32>,
    %add3A_1838 = arith.constant 31 : i32
    %add3A_1839 = vector.broadcast %add3A_1838 : i32 to vector<16xi32>
    %add3A_1840 = arith.addi %min3A_10, %add3A_1839 : vector<16xi32>
    %gather3A_1841 = tpu.vector_load_idx %arg9[%add3A_1840] : memref<32xi32, #tpu.memory_space<vmem>>[vector<16xi32>], vector<16xi32>,
    %mul3A_1842 = arith.constant 16 : i32
    %mul3A_1843 = vector.broadcast %mul3A_1842 : i32 to vector<16xi32>
    %mul3A_1844 = arith.muli %gather3A_1841, %mul3A_1843 : vector<16xi32>
    %add3A_1845 = arith.addi %mul3A_1844, %iota3A : vector<16xi32>
    %swap3A_1846 = arith.constant 31 : i32
    %swap3A_1847 = arith.index_cast %swap3A_1846 : i32 to index
    %swap3A_1848 = arith.constant 0 : index
    %swap3A_1849 = tpu.vector_load %arg10[%swap3A_1847, %swap3A_1848] {strides = array<i32>} : memref<32x16xi32, #tpu.memory_space<vmem>>, vector<16xi32>,
    tpu.vector_store %arg10[%swap3A_1847, %swap3A_1848], %add3A_1845 {strides = array<i32>} : memref<32x16xi32, #tpu.memory_space<vmem>>, vector<16xi32>,
    %add3A_1850 = arith.constant 0 : i32
    %add3A_1851 = vector.broadcast %add3A_1850 : i32 to vector<16xi32>
    %add3A_1852 = arith.addi %iota3A, %add3A_1851 : vector<16xi32>
    %mul3A_1853 = arith.constant 60 : i32
    %mul3A_1854 = vector.broadcast %mul3A_1853 : i32 to vector<16xi32>
    %mul3A_1855 = arith.muli %gather3A_1841, %mul3A_1854 : vector<16xi32>
    %add3A_1856 = arith.addi %mul3A_1855, %add3A_1852 : vector<16xi32>
    %swap3A_1857 = arith.constant 31 : i32
    %swap3A_1858 = arith.index_cast %swap3A_1857 : i32 to index
    %swap3A_1859 = arith.constant 0 : index
    %swap3A_1860 = tpu.vector_load %arg11[%swap3A_1858, %swap3A_1859] {strides = array<i32>} : memref<32x64xi32, #tpu.memory_space<vmem>>, vector<16xi32>,
    tpu.vector_store %arg11[%swap3A_1858, %swap3A_1859], %add3A_1856 {strides = array<i32>} : memref<32x64xi32, #tpu.memory_space<vmem>>, vector<16xi32>,
    %add3A_1861 = arith.constant 16 : i32
    %add3A_1862 = vector.broadcast %add3A_1861 : i32 to vector<16xi32>
    %add3A_1863 = arith.addi %iota3A, %add3A_1862 : vector<16xi32>
    %mul3A_1864 = arith.constant 60 : i32
    %mul3A_1865 = vector.broadcast %mul3A_1864 : i32 to vector<16xi32>
    %mul3A_1866 = arith.muli %gather3A_1841, %mul3A_1865 : vector<16xi32>
    %add3A_1867 = arith.addi %mul3A_1866, %add3A_1863 : vector<16xi32>
    %swap3A_1868 = arith.constant 31 : i32
    %swap3A_1869 = arith.index_cast %swap3A_1868 : i32 to index
    %swap3A_1870 = arith.constant 16 : index
    %swap3A_1871 = tpu.vector_load %arg11[%swap3A_1869, %swap3A_1870] {strides = array<i32>} : memref<32x64xi32, #tpu.memory_space<vmem>>, vector<16xi32>,
    tpu.vector_store %arg11[%swap3A_1869, %swap3A_1870], %add3A_1867 {strides = array<i32>} : memref<32x64xi32, #tpu.memory_space<vmem>>, vector<16xi32>,
    %add3A_1872 = arith.constant 32 : i32
    %add3A_1873 = vector.broadcast %add3A_1872 : i32 to vector<16xi32>
    %add3A_1874 = arith.addi %iota3A, %add3A_1873 : vector<16xi32>
    %mul3A_1875 = arith.constant 60 : i32
    %mul3A_1876 = vector.broadcast %mul3A_1875 : i32 to vector<16xi32>
    %mul3A_1877 = arith.muli %gather3A_1841, %mul3A_1876 : vector<16xi32>
    %add3A_1878 = arith.addi %mul3A_1877, %add3A_1874 : vector<16xi32>
    %swap3A_1879 = arith.constant 31 : i32
    %swap3A_1880 = arith.index_cast %swap3A_1879 : i32 to index
    %swap3A_1881 = arith.constant 32 : index
    %swap3A_1882 = tpu.vector_load %arg11[%swap3A_1880, %swap3A_1881] {strides = array<i32>} : memref<32x64xi32, #tpu.memory_space<vmem>>, vector<16xi32>,
    tpu.vector_store %arg11[%swap3A_1880, %swap3A_1881], %add3A_1878 {strides = array<i32>} : memref<32x64xi32, #tpu.memory_space<vmem>>, vector<16xi32>,
    %add3A_1883 = arith.constant 48 : i32
    %add3A_1884 = vector.broadcast %add3A_1883 : i32 to vector<16xi32>
    %add3A_1885 = arith.addi %iota3A, %add3A_1884 : vector<16xi32>
    %min3A_1886 = arith.constant 59 : i32
    %min3A_1887 = vector.broadcast %min3A_1886 : i32 to vector<16xi32>
    %min3A_1888 = arith.minsi %add3A_1885, %min3A_1887 : vector<16xi32>
    %mul3A_1889 = arith.constant 60 : i32
    %mul3A_1890 = vector.broadcast %mul3A_1889 : i32 to vector<16xi32>
    %mul3A_1891 = arith.muli %gather3A_1841, %mul3A_1890 : vector<16xi32>
    %add3A_1892 = arith.addi %mul3A_1891, %min3A_1888 : vector<16xi32>
    %swap3A_1893 = arith.constant 31 : i32
    %swap3A_1894 = arith.index_cast %swap3A_1893 : i32 to index
    %swap3A_1895 = arith.constant 48 : index
    %swap3A_1896 = tpu.vector_load %arg11[%swap3A_1894, %swap3A_1895] {strides = array<i32>} : memref<32x64xi32, #tpu.memory_space<vmem>>, vector<16xi32>,
    tpu.vector_store %arg11[%swap3A_1894, %swap3A_1895], %add3A_1892 {strides = array<i32>} : memref<32x64xi32, #tpu.memory_space<vmem>>, vector<16xi32>,
    %dma_wait3A = arith.constant 0 : i32
    %dma_wait3A_1897 = arith.constant 0 : i32
    %dma_wait3A_1898 = tpu.memref_slice %arg3[%dma_wait3A, %dma_wait3A_1897] : memref<1000x512xf32, #tpu.memory_space<hbm>> -> memref<1000x512xf32, #tpu.memory_space<hbm>>
    tpu.wait_indirect_dma semaphore(%arg21 : memref<!tpu.dma_semaphore, #tpu.memory_space<semaphore_mem>>) src(%dma_wait3A_1898 : memref<1000x512xf32, #tpu.memory_space<hbm>>) dst(%arg13 : memref<32x512xf32, #tpu.memory_space<vmem>>)
    %dma_start3A_1899 = arith.constant 0 : i32
    %dma_start3A_1900 = arith.constant 0 : i32
    %dma_start3A_1901 = arith.constant 0 : i32
    %dma_start3A_1902 = tpu.memref_slice %arg14[%dma_start3A_1900, %dma_start3A_1901] : memref<80x512xf32, #tpu.memory_space<vmem>> -> memref<16x512xf32, #tpu.memory_space<vmem>>
    %dma_start3A_1903 = arith.constant 0 : i32
    %dma_start3A_1904 = tpu.memref_slice %arg10[%dma_start3A_1899, %dma_start3A_1903] : memref<32x16xi32, #tpu.memory_space<vmem>> -> memref<1x16xi32, #tpu.memory_space<vmem>>
    %dma_start3A_1905 = tpu.memref_squeeze %dma_start3A_1904 : memref<1x16xi32, #tpu.memory_space<vmem>> -> memref<16xi32, #tpu.memory_space<vmem>>
    %dma_start3A_1906 = arith.constant 0 : i32
    %dma_start3A_1907 = arith.constant 0 : i32
    %dma_start3A_1908 = tpu.memref_slice %arg2[%dma_start3A_1906, %dma_start3A_1907] : memref<16000x512xf32, #tpu.memory_space<hbm>> -> memref<16000x512xf32, #tpu.memory_space<hbm>>
    tpu.enqueue_indirect_dma source(%dma_start3A_1908 : memref<16000x512xf32, #tpu.memory_space<hbm>>) target(%dma_start3A_1902 : memref<16x512xf32, #tpu.memory_space<vmem>>) offsets(%dma_start3A_1905 : memref<16xi32, #tpu.memory_space<vmem>>) semaphore(%arg16 : memref<!tpu.dma_semaphore, #tpu.memory_space<semaphore_mem>>)
    %dma_start3A_1909 = arith.constant 0 : i32
    %dma_start3A_1910 = arith.constant 16 : i32
    %dma_start3A_1911 = arith.constant 0 : i32
    %dma_start3A_1912 = tpu.memref_slice %arg14[%dma_start3A_1910, %dma_start3A_1911] : memref<80x512xf32, #tpu.memory_space<vmem>> -> memref<64x512xf32, #tpu.memory_space<vmem>>
    %dma_start3A_1913 = arith.constant 0 : i32
    %dma_start3A_1914 = tpu.memref_slice %arg11[%dma_start3A_1909, %dma_start3A_1913] : memref<32x64xi32, #tpu.memory_space<vmem>> -> memref<1x64xi32, #tpu.memory_space<vmem>>
    %dma_start3A_1915 = tpu.memref_squeeze %dma_start3A_1914 : memref<1x64xi32, #tpu.memory_space<vmem>> -> memref<64xi32, #tpu.memory_space<vmem>>
    %dma_start3A_1916 = arith.constant 0 : i32
    %dma_start3A_1917 = arith.constant 0 : i32
    %dma_start3A_1918 = tpu.memref_slice %arg4[%dma_start3A_1916, %dma_start3A_1917] : memref<60000x512xf32, #tpu.memory_space<hbm>> -> memref<60000x512xf32, #tpu.memory_space<hbm>>
    tpu.enqueue_indirect_dma source(%dma_start3A_1918 : memref<60000x512xf32, #tpu.memory_space<hbm>>) target(%dma_start3A_1912 : memref<64x512xf32, #tpu.memory_space<vmem>>) offsets(%dma_start3A_1915 : memref<64xi32, #tpu.memory_space<vmem>>) semaphore(%arg16 : memref<!tpu.dma_semaphore, #tpu.memory_space<semaphore_mem>>)
    %dma_start3A_1919 = arith.constant 1 : i32
    %dma_start3A_1920 = arith.constant 0 : i32
    %dma_start3A_1921 = arith.constant 0 : i32
    %dma_start3A_1922 = tpu.memref_slice %arg15[%dma_start3A_1920, %dma_start3A_1921] : memref<80x512xf32, #tpu.memory_space<vmem>> -> memref<16x512xf32, #tpu.memory_space<vmem>>
    %dma_start3A_1923 = arith.constant 0 : i32
    %dma_start3A_1924 = tpu.memref_slice %arg10[%dma_start3A_1919, %dma_start3A_1923] : memref<32x16xi32, #tpu.memory_space<vmem>> -> memref<1x16xi32, #tpu.memory_space<vmem>>
    %dma_start3A_1925 = tpu.memref_squeeze %dma_start3A_1924 : memref<1x16xi32, #tpu.memory_space<vmem>> -> memref<16xi32, #tpu.memory_space<vmem>>
    %dma_start3A_1926 = arith.constant 0 : i32
    %dma_start3A_1927 = arith.constant 0 : i32
    %dma_start3A_1928 = tpu.memref_slice %arg2[%dma_start3A_1926, %dma_start3A_1927] : memref<16000x512xf32, #tpu.memory_space<hbm>> -> memref<16000x512xf32, #tpu.memory_space<hbm>>
    tpu.enqueue_indirect_dma source(%dma_start3A_1928 : memref<16000x512xf32, #tpu.memory_space<hbm>>) target(%dma_start3A_1922 : memref<16x512xf32, #tpu.memory_space<vmem>>) offsets(%dma_start3A_1925 : memref<16xi32, #tpu.memory_space<vmem>>) semaphore(%arg17 : memref<!tpu.dma_semaphore, #tpu.memory_space<semaphore_mem>>)
    %dma_start3A_1929 = arith.constant 1 : i32
    %dma_start3A_1930 = arith.constant 16 : i32
    %dma_start3A_1931 = arith.constant 0 : i32
    %dma_start3A_1932 = tpu.memref_slice %arg15[%dma_start3A_1930, %dma_start3A_1931] : memref<80x512xf32, #tpu.memory_space<vmem>> -> memref<64x512xf32, #tpu.memory_space<vmem>>
    %dma_start3A_1933 = arith.constant 0 : i32
    %dma_start3A_1934 = tpu.memref_slice %arg11[%dma_start3A_1929, %dma_start3A_1933] : memref<32x64xi32, #tpu.memory_space<vmem>> -> memref<1x64xi32, #tpu.memory_space<vmem>>
    %dma_start3A_1935 = tpu.memref_squeeze %dma_start3A_1934 : memref<1x64xi32, #tpu.memory_space<vmem>> -> memref<64xi32, #tpu.memory_space<vmem>>
    %dma_start3A_1936 = arith.constant 0 : i32
    %dma_start3A_1937 = arith.constant 0 : i32
    %dma_start3A_1938 = tpu.memref_slice %arg4[%dma_start3A_1936, %dma_start3A_1937] : memref<60000x512xf32, #tpu.memory_space<hbm>> -> memref<60000x512xf32, #tpu.memory_space<hbm>>
    tpu.enqueue_indirect_dma source(%dma_start3A_1938 : memref<60000x512xf32, #tpu.memory_space<hbm>>) target(%dma_start3A_1932 : memref<64x512xf32, #tpu.memory_space<vmem>>) offsets(%dma_start3A_1935 : memref<64xi32, #tpu.memory_space<vmem>>) semaphore(%arg17 : memref<!tpu.dma_semaphore, #tpu.memory_space<semaphore_mem>>)
    %scan3A = arith.constant 0 : i32
    %scan3A_1939 = arith.constant 0 : i32
    %scan3A_1940 = arith.constant 16 : i32
    %scan3A_1941 = arith.addi %scan3A_1939, %scan3A_1940 : i32
    %scan3A_1942 = arith.constant 1 : i32
    scf.for %scan3A_1987 = %scan3A_1939 to %scan3A_1941 step %scan3A_1942  : i32 {
      %mul3A_1988 = arith.constant 2 : i32
      %mul3A_1989 = arith.muli %scan3A_1987, %mul3A_1988 : i32
      %add3A_1990 = arith.constant 0 : i32
      %add3A_1991 = arith.addi %mul3A_1989, %add3A_1990 : i32
      %dma_wait3A_1992 = arith.constant 0 : i32
      %dma_wait3A_1993 = arith.constant 0 : i32
      %dma_wait3A_1994 = tpu.memref_slice %arg2[%dma_wait3A_1992, %dma_wait3A_1993] : memref<16000x512xf32, #tpu.memory_space<hbm>> -> memref<80x512xf32, #tpu.memory_space<hbm>>
      %dma_wait3A_1995 = arith.constant 0 : i32
      %dma_wait3A_1996 = arith.constant 0 : i32
      %dma_wait3A_1997 = tpu.memref_slice %arg2[%dma_wait3A_1995, %dma_wait3A_1996] : memref<16000x512xf32, #tpu.memory_space<hbm>> -> memref<80x512xf32, #tpu.memory_space<hbm>>
      tpu.wait_dma2 semaphore(%arg16 : memref<!tpu.dma_semaphore, #tpu.memory_space<semaphore_mem>>) src(%dma_wait3A_1997 : memref<80x512xf32, #tpu.memory_space<hbm>>) dst(%arg14 : memref<80x512xf32, #tpu.memory_space<vmem>>)
      %add3A_1998 = arith.addi %mul3A_2, %add3A_1991 : i32
      %dma_start3A_1999 = arith.constant 0 : i32
      %dma_start3A_2000 = tpu.memref_slice %arg13[%add3A_1991, %dma_start3A_1999] : memref<32x512xf32, #tpu.memory_space<vmem>> -> memref<1x512xf32, #tpu.memory_space<vmem>>
      %dma_start3A_2001 = arith.constant 0 : i32
      %dma_start3A_2002 = arith.constant 0 : i32
      %dma_start3A_2003 = tpu.memref_slice %arg7[%add3A_1998, %dma_start3A_2001, %dma_start3A_2002] : memref<1024x77x512xf32, #tpu.memory_space<hbm>> -> memref<1x1x512xf32, #tpu.memory_space<hbm>>
      %dma_start3A_2004 = tpu.memref_squeeze %dma_start3A_2003 : memref<1x1x512xf32, #tpu.memory_space<hbm>> -> memref<1x512xf32, #tpu.memory_space<hbm>>
      %dma_start3A_2005 = arith.constant 0 : i32
      %dma_start3A_2006 = arith.constant 0 : i32
      %dma_start3A_2007 = tpu.memref_slice %arg7[%add3A_1998, %dma_start3A_2005, %dma_start3A_2006] : memref<1024x77x512xf32, #tpu.memory_space<hbm>> -> memref<1x1x512xf32, #tpu.memory_space<hbm>>
      %dma_start3A_2008 = tpu.memref_squeeze %dma_start3A_2007 : memref<1x1x512xf32, #tpu.memory_space<hbm>> -> memref<1x512xf32, #tpu.memory_space<hbm>>
      %dma_start3A_2009 = arith.constant 0 : i32
      %dma_start3A_2010 = tpu.memref_slice %arg13[%add3A_1991, %dma_start3A_2009] : memref<32x512xf32, #tpu.memory_space<vmem>> -> memref<1x512xf32, #tpu.memory_space<vmem>>
      tpu.enqueue_dma source(%dma_start3A_2010 : memref<1x512xf32, #tpu.memory_space<vmem>>) target(%dma_start3A_2008 : memref<1x512xf32, #tpu.memory_space<hbm>>) target_semaphore(%arg18 : memref<!tpu.dma_semaphore, #tpu.memory_space<semaphore_mem>>)
      %add3A_2011 = arith.addi %mul3A_2, %add3A_1991 : i32
      %dma_start3A_2012 = arith.constant 0 : i32
      %dma_start3A_2013 = arith.constant 0 : i32
      %dma_start3A_2014 = tpu.memref_slice %arg14[%dma_start3A_2012, %dma_start3A_2013] : memref<80x512xf32, #tpu.memory_space<vmem>> -> memref<76x512xf32, #tpu.memory_space<vmem>>
      %dma_start3A_2015 = arith.constant 1 : i32
      %dma_start3A_2016 = arith.constant 0 : i32
      %dma_start3A_2017 = tpu.memref_slice %arg7[%add3A_2011, %dma_start3A_2015, %dma_start3A_2016] : memref<1024x77x512xf32, #tpu.memory_space<hbm>> -> memref<1x76x512xf32, #tpu.memory_space<hbm>>
      %dma_start3A_2018 = tpu.memref_squeeze %dma_start3A_2017 : memref<1x76x512xf32, #tpu.memory_space<hbm>> -> memref<76x512xf32, #tpu.memory_space<hbm>>
      %dma_start3A_2019 = arith.constant 1 : i32
      %dma_start3A_2020 = arith.constant 0 : i32
      %dma_start3A_2021 = tpu.memref_slice %arg7[%add3A_2011, %dma_start3A_2019, %dma_start3A_2020] : memref<1024x77x512xf32, #tpu.memory_space<hbm>> -> memref<1x76x512xf32, #tpu.memory_space<hbm>>
      %dma_start3A_2022 = tpu.memref_squeeze %dma_start3A_2021 : memref<1x76x512xf32, #tpu.memory_space<hbm>> -> memref<76x512xf32, #tpu.memory_space<hbm>>
      %dma_start3A_2023 = arith.constant 0 : i32
      %dma_start3A_2024 = arith.constant 0 : i32
      %dma_start3A_2025 = tpu.memref_slice %arg14[%dma_start3A_2023, %dma_start3A_2024] : memref<80x512xf32, #tpu.memory_space<vmem>> -> memref<76x512xf32, #tpu.memory_space<vmem>>
      tpu.enqueue_dma source(%dma_start3A_2025 : memref<76x512xf32, #tpu.memory_space<vmem>>) target(%dma_start3A_2022 : memref<76x512xf32, #tpu.memory_space<hbm>>) target_semaphore(%arg18 : memref<!tpu.dma_semaphore, #tpu.memory_space<semaphore_mem>>)
      %mul3A_2026 = arith.constant 2 : i32
      %mul3A_2027 = arith.muli %scan3A_1987, %mul3A_2026 : i32
      %add3A_2028 = arith.constant 1 : i32
      %add3A_2029 = arith.addi %mul3A_2027, %add3A_2028 : i32
      %dma_wait3A_2030 = arith.constant 0 : i32
      %dma_wait3A_2031 = arith.constant 0 : i32
      %dma_wait3A_2032 = tpu.memref_slice %arg2[%dma_wait3A_2030, %dma_wait3A_2031] : memref<16000x512xf32, #tpu.memory_space<hbm>> -> memref<80x512xf32, #tpu.memory_space<hbm>>
      %dma_wait3A_2033 = arith.constant 0 : i32
      %dma_wait3A_2034 = arith.constant 0 : i32
      %dma_wait3A_2035 = tpu.memref_slice %arg2[%dma_wait3A_2033, %dma_wait3A_2034] : memref<16000x512xf32, #tpu.memory_space<hbm>> -> memref<80x512xf32, #tpu.memory_space<hbm>>
      tpu.wait_dma2 semaphore(%arg17 : memref<!tpu.dma_semaphore, #tpu.memory_space<semaphore_mem>>) src(%dma_wait3A_2035 : memref<80x512xf32, #tpu.memory_space<hbm>>) dst(%arg15 : memref<80x512xf32, #tpu.memory_space<vmem>>)
      %add3A_2036 = arith.addi %mul3A_2, %add3A_2029 : i32
      %dma_start3A_2037 = arith.constant 0 : i32
      %dma_start3A_2038 = tpu.memref_slice %arg13[%add3A_2029, %dma_start3A_2037] : memref<32x512xf32, #tpu.memory_space<vmem>> -> memref<1x512xf32, #tpu.memory_space<vmem>>
      %dma_start3A_2039 = arith.constant 0 : i32
      %dma_start3A_2040 = arith.constant 0 : i32
      %dma_start3A_2041 = tpu.memref_slice %arg7[%add3A_2036, %dma_start3A_2039, %dma_start3A_2040] : memref<1024x77x512xf32, #tpu.memory_space<hbm>> -> memref<1x1x512xf32, #tpu.memory_space<hbm>>
      %dma_start3A_2042 = tpu.memref_squeeze %dma_start3A_2041 : memref<1x1x512xf32, #tpu.memory_space<hbm>> -> memref<1x512xf32, #tpu.memory_space<hbm>>
      %dma_start3A_2043 = arith.constant 0 : i32
      %dma_start3A_2044 = arith.constant 0 : i32
      %dma_start3A_2045 = tpu.memref_slice %arg7[%add3A_2036, %dma_start3A_2043, %dma_start3A_2044] : memref<1024x77x512xf32, #tpu.memory_space<hbm>> -> memref<1x1x512xf32, #tpu.memory_space<hbm>>
      %dma_start3A_2046 = tpu.memref_squeeze %dma_start3A_2045 : memref<1x1x512xf32, #tpu.memory_space<hbm>> -> memref<1x512xf32, #tpu.memory_space<hbm>>
      %dma_start3A_2047 = arith.constant 0 : i32
      %dma_start3A_2048 = tpu.memref_slice %arg13[%add3A_2029, %dma_start3A_2047] : memref<32x512xf32, #tpu.memory_space<vmem>> -> memref<1x512xf32, #tpu.memory_space<vmem>>
      tpu.enqueue_dma source(%dma_start3A_2048 : memref<1x512xf32, #tpu.memory_space<vmem>>) target(%dma_start3A_2046 : memref<1x512xf32, #tpu.memory_space<hbm>>) target_semaphore(%arg19 : memref<!tpu.dma_semaphore, #tpu.memory_space<semaphore_mem>>)
      %add3A_2049 = arith.addi %mul3A_2, %add3A_2029 : i32
      %dma_start3A_2050 = arith.constant 0 : i32
      %dma_start3A_2051 = arith.constant 0 : i32
      %dma_start3A_2052 = tpu.memref_slice %arg15[%dma_start3A_2050, %dma_start3A_2051] : memref<80x512xf32, #tpu.memory_space<vmem>> -> memref<76x512xf32, #tpu.memory_space<vmem>>
      %dma_start3A_2053 = arith.constant 1 : i32
      %dma_start3A_2054 = arith.constant 0 : i32
      %dma_start3A_2055 = tpu.memref_slice %arg7[%add3A_2049, %dma_start3A_2053, %dma_start3A_2054] : memref<1024x77x512xf32, #tpu.memory_space<hbm>> -> memref<1x76x512xf32, #tpu.memory_space<hbm>>
      %dma_start3A_2056 = tpu.memref_squeeze %dma_start3A_2055 : memref<1x76x512xf32, #tpu.memory_space<hbm>> -> memref<76x512xf32, #tpu.memory_space<hbm>>
      %dma_start3A_2057 = arith.constant 1 : i32
      %dma_start3A_2058 = arith.constant 0 : i32
      %dma_start3A_2059 = tpu.memref_slice %arg7[%add3A_2049, %dma_start3A_2057, %dma_start3A_2058] : memref<1024x77x512xf32, #tpu.memory_space<hbm>> -> memref<1x76x512xf32, #tpu.memory_space<hbm>>
      %dma_start3A_2060 = tpu.memref_squeeze %dma_start3A_2059 : memref<1x76x512xf32, #tpu.memory_space<hbm>> -> memref<76x512xf32, #tpu.memory_space<hbm>>
      %dma_start3A_2061 = arith.constant 0 : i32
      %dma_start3A_2062 = arith.constant 0 : i32
      %dma_start3A_2063 = tpu.memref_slice %arg15[%dma_start3A_2061, %dma_start3A_2062] : memref<80x512xf32, #tpu.memory_space<vmem>> -> memref<76x512xf32, #tpu.memory_space<vmem>>
      tpu.enqueue_dma source(%dma_start3A_2063 : memref<76x512xf32, #tpu.memory_space<vmem>>) target(%dma_start3A_2060 : memref<76x512xf32, #tpu.memory_space<hbm>>) target_semaphore(%arg19 : memref<!tpu.dma_semaphore, #tpu.memory_space<semaphore_mem>>)
      %mul3A_2064 = arith.constant 2 : i32
      %mul3A_2065 = arith.muli %scan3A_1987, %mul3A_2064 : i32
      %add3A_2066 = arith.constant 0 : i32
      %add3A_2067 = arith.addi %mul3A_2065, %add3A_2066 : i32
      %add3A_2068 = arith.constant 2 : i32
      %add3A_2069 = arith.addi %add3A_2067, %add3A_2068 : i32
      %lt3A = arith.constant 32 : i32
      %lt3A_2070 = arith.cmpi slt, %add3A_2069, %lt3A : i32
      %convert_element_type3A = arith.extui %lt3A_2070 : i1 to i32
      %cond3A = arith.constant 0 : i32
      %cond3A_2071 = arith.cmpi ne, %convert_element_type3A, %cond3A : i32
      scf.if %cond3A_2071 {
        %add3A_2083 = arith.addi %mul3A_2, %add3A_2067 : i32
        %dma_wait3A_2084 = arith.constant 0 : i32
        %dma_wait3A_2085 = arith.constant 0 : i32
        %dma_wait3A_2086 = tpu.memref_slice %arg14[%dma_wait3A_2084, %dma_wait3A_2085] : memref<80x512xf32, #tpu.memory_space<vmem>> -> memref<77x512xf32, #tpu.memory_space<vmem>>
        %dma_wait3A_2087 = arith.constant 0 : i32
        %dma_wait3A_2088 = arith.constant 0 : i32
        %dma_wait3A_2089 = tpu.memref_slice %arg7[%add3A_2083, %dma_wait3A_2087, %dma_wait3A_2088] : memref<1024x77x512xf32, #tpu.memory_space<hbm>> -> memref<1x77x512xf32, #tpu.memory_space<hbm>>
        %dma_wait3A_2090 = tpu.memref_squeeze %dma_wait3A_2089 : memref<1x77x512xf32, #tpu.memory_space<hbm>> -> memref<77x512xf32, #tpu.memory_space<hbm>>
        %dma_wait3A_2091 = arith.constant 0 : i32
        %dma_wait3A_2092 = arith.constant 0 : i32
        %dma_wait3A_2093 = tpu.memref_slice %arg7[%add3A_2083, %dma_wait3A_2091, %dma_wait3A_2092] : memref<1024x77x512xf32, #tpu.memory_space<hbm>> -> memref<1x77x512xf32, #tpu.memory_space<hbm>>
        %dma_wait3A_2094 = tpu.memref_squeeze %dma_wait3A_2093 : memref<1x77x512xf32, #tpu.memory_space<hbm>> -> memref<77x512xf32, #tpu.memory_space<hbm>>
        %dma_wait3A_2095 = arith.constant 0 : i32
        %dma_wait3A_2096 = arith.constant 0 : i32
        %dma_wait3A_2097 = tpu.memref_slice %arg14[%dma_wait3A_2095, %dma_wait3A_2096] : memref<80x512xf32, #tpu.memory_space<vmem>> -> memref<77x512xf32, #tpu.memory_space<vmem>>
        tpu.wait_dma2 semaphore(%arg18 : memref<!tpu.dma_semaphore, #tpu.memory_space<semaphore_mem>>) src(%dma_wait3A_2097 : memref<77x512xf32, #tpu.memory_space<vmem>>) dst(%dma_wait3A_2094 : memref<77x512xf32, #tpu.memory_space<hbm>>)
        %dma_start3A_2098 = arith.constant 0 : i32
        %dma_start3A_2099 = arith.constant 0 : i32
        %dma_start3A_2100 = tpu.memref_slice %arg14[%dma_start3A_2098, %dma_start3A_2099] : memref<80x512xf32, #tpu.memory_space<vmem>> -> memref<16x512xf32, #tpu.memory_space<vmem>>
        %dma_start3A_2101 = arith.constant 0 : i32
        %dma_start3A_2102 = tpu.memref_slice %arg10[%add3A_2069, %dma_start3A_2101] : memref<32x16xi32, #tpu.memory_space<vmem>> -> memref<1x16xi32, #tpu.memory_space<vmem>>
        %dma_start3A_2103 = tpu.memref_squeeze %dma_start3A_2102 : memref<1x16xi32, #tpu.memory_space<vmem>> -> memref<16xi32, #tpu.memory_space<vmem>>
        %dma_start3A_2104 = arith.constant 0 : i32
        %dma_start3A_2105 = arith.constant 0 : i32
        %dma_start3A_2106 = tpu.memref_slice %arg2[%dma_start3A_2104, %dma_start3A_2105] : memref<16000x512xf32, #tpu.memory_space<hbm>> -> memref<16000x512xf32, #tpu.memory_space<hbm>>
        tpu.enqueue_indirect_dma source(%dma_start3A_2106 : memref<16000x512xf32, #tpu.memory_space<hbm>>) target(%dma_start3A_2100 : memref<16x512xf32, #tpu.memory_space<vmem>>) offsets(%dma_start3A_2103 : memref<16xi32, #tpu.memory_space<vmem>>) semaphore(%arg16 : memref<!tpu.dma_semaphore, #tpu.memory_space<semaphore_mem>>)
        %dma_start3A_2107 = arith.constant 16 : i32
        %dma_start3A_2108 = arith.constant 0 : i32
        %dma_start3A_2109 = tpu.memref_slice %arg14[%dma_start3A_2107, %dma_start3A_2108] : memref<80x512xf32, #tpu.memory_space<vmem>> -> memref<64x512xf32, #tpu.memory_space<vmem>>
        %dma_start3A_2110 = arith.constant 0 : i32
        %dma_start3A_2111 = tpu.memref_slice %arg11[%add3A_2069, %dma_start3A_2110] : memref<32x64xi32, #tpu.memory_space<vmem>> -> memref<1x64xi32, #tpu.memory_space<vmem>>
        %dma_start3A_2112 = tpu.memref_squeeze %dma_start3A_2111 : memref<1x64xi32, #tpu.memory_space<vmem>> -> memref<64xi32, #tpu.memory_space<vmem>>
        %dma_start3A_2113 = arith.constant 0 : i32
        %dma_start3A_2114 = arith.constant 0 : i32
        %dma_start3A_2115 = tpu.memref_slice %arg4[%dma_start3A_2113, %dma_start3A_2114] : memref<60000x512xf32, #tpu.memory_space<hbm>> -> memref<60000x512xf32, #tpu.memory_space<hbm>>
        tpu.enqueue_indirect_dma source(%dma_start3A_2115 : memref<60000x512xf32, #tpu.memory_space<hbm>>) target(%dma_start3A_2109 : memref<64x512xf32, #tpu.memory_space<vmem>>) offsets(%dma_start3A_2112 : memref<64xi32, #tpu.memory_space<vmem>>) semaphore(%arg16 : memref<!tpu.dma_semaphore, #tpu.memory_space<semaphore_mem>>)
      } else {
      }
      %mul3A_2072 = arith.constant 2 : i32
      %mul3A_2073 = arith.muli %scan3A_1987, %mul3A_2072 : i32
      %add3A_2074 = arith.constant 1 : i32
      %add3A_2075 = arith.addi %mul3A_2073, %add3A_2074 : i32
      %add3A_2076 = arith.constant 2 : i32
      %add3A_2077 = arith.addi %add3A_2075, %add3A_2076 : i32
      %lt3A_2078 = arith.constant 32 : i32
      %lt3A_2079 = arith.cmpi slt, %add3A_2077, %lt3A_2078 : i32
      %convert_element_type3A_2080 = arith.extui %lt3A_2079 : i1 to i32
      %cond3A_2081 = arith.constant 0 : i32
      %cond3A_2082 = arith.cmpi ne, %convert_element_type3A_2080, %cond3A_2081 : i32
      scf.if %cond3A_2082 {
        %add3A_2083 = arith.addi %mul3A_2, %add3A_2075 : i32
        %dma_wait3A_2084 = arith.constant 0 : i32
        %dma_wait3A_2085 = arith.constant 0 : i32
        %dma_wait3A_2086 = tpu.memref_slice %arg15[%dma_wait3A_2084, %dma_wait3A_2085] : memref<80x512xf32, #tpu.memory_space<vmem>> -> memref<77x512xf32, #tpu.memory_space<vmem>>
        %dma_wait3A_2087 = arith.constant 0 : i32
        %dma_wait3A_2088 = arith.constant 0 : i32
        %dma_wait3A_2089 = tpu.memref_slice %arg7[%add3A_2083, %dma_wait3A_2087, %dma_wait3A_2088] : memref<1024x77x512xf32, #tpu.memory_space<hbm>> -> memref<1x77x512xf32, #tpu.memory_space<hbm>>
        %dma_wait3A_2090 = tpu.memref_squeeze %dma_wait3A_2089 : memref<1x77x512xf32, #tpu.memory_space<hbm>> -> memref<77x512xf32, #tpu.memory_space<hbm>>
        %dma_wait3A_2091 = arith.constant 0 : i32
        %dma_wait3A_2092 = arith.constant 0 : i32
        %dma_wait3A_2093 = tpu.memref_slice %arg7[%add3A_2083, %dma_wait3A_2091, %dma_wait3A_2092] : memref<1024x77x512xf32, #tpu.memory_space<hbm>> -> memref<1x77x512xf32, #tpu.memory_space<hbm>>
        %dma_wait3A_2094 = tpu.memref_squeeze %dma_wait3A_2093 : memref<1x77x512xf32, #tpu.memory_space<hbm>> -> memref<77x512xf32, #tpu.memory_space<hbm>>
        %dma_wait3A_2095 = arith.constant 0 : i32
        %dma_wait3A_2096 = arith.constant 0 : i32
        %dma_wait3A_2097 = tpu.memref_slice %arg15[%dma_wait3A_2095, %dma_wait3A_2096] : memref<80x512xf32, #tpu.memory_space<vmem>> -> memref<77x512xf32, #tpu.memory_space<vmem>>
        tpu.wait_dma2 semaphore(%arg19 : memref<!tpu.dma_semaphore, #tpu.memory_space<semaphore_mem>>) src(%dma_wait3A_2097 : memref<77x512xf32, #tpu.memory_space<vmem>>) dst(%dma_wait3A_2094 : memref<77x512xf32, #tpu.memory_space<hbm>>)
        %dma_start3A_2098 = arith.constant 0 : i32
        %dma_start3A_2099 = arith.constant 0 : i32
        %dma_start3A_2100 = tpu.memref_slice %arg15[%dma_start3A_2098, %dma_start3A_2099] : memref<80x512xf32, #tpu.memory_space<vmem>> -> memref<16x512xf32, #tpu.memory_space<vmem>>
        %dma_start3A_2101 = arith.constant 0 : i32
        %dma_start3A_2102 = tpu.memref_slice %arg10[%add3A_2077, %dma_start3A_2101] : memref<32x16xi32, #tpu.memory_space<vmem>> -> memref<1x16xi32, #tpu.memory_space<vmem>>
        %dma_start3A_2103 = tpu.memref_squeeze %dma_start3A_2102 : memref<1x16xi32, #tpu.memory_space<vmem>> -> memref<16xi32, #tpu.memory_space<vmem>>
        %dma_start3A_2104 = arith.constant 0 : i32
        %dma_start3A_2105 = arith.constant 0 : i32
        %dma_start3A_2106 = tpu.memref_slice %arg2[%dma_start3A_2104, %dma_start3A_2105] : memref<16000x512xf32, #tpu.memory_space<hbm>> -> memref<16000x512xf32, #tpu.memory_space<hbm>>
        tpu.enqueue_indirect_dma source(%dma_start3A_2106 : memref<16000x512xf32, #tpu.memory_space<hbm>>) target(%dma_start3A_2100 : memref<16x512xf32, #tpu.memory_space<vmem>>) offsets(%dma_start3A_2103 : memref<16xi32, #tpu.memory_space<vmem>>) semaphore(%arg17 : memref<!tpu.dma_semaphore, #tpu.memory_space<semaphore_mem>>)
        %dma_start3A_2107 = arith.constant 16 : i32
        %dma_start3A_2108 = arith.constant 0 : i32
        %dma_start3A_2109 = tpu.memref_slice %arg15[%dma_start3A_2107, %dma_start3A_2108] : memref<80x512xf32, #tpu.memory_space<vmem>> -> memref<64x512xf32, #tpu.memory_space<vmem>>
        %dma_start3A_2110 = arith.constant 0 : i32
        %dma_start3A_2111 = tpu.memref_slice %arg11[%add3A_2077, %dma_start3A_2110] : memref<32x64xi32, #tpu.memory_space<vmem>> -> memref<1x64xi32, #tpu.memory_space<vmem>>
        %dma_start3A_2112 = tpu.memref_squeeze %dma_start3A_2111 : memref<1x64xi32, #tpu.memory_space<vmem>> -> memref<64xi32, #tpu.memory_space<vmem>>
        %dma_start3A_2113 = arith.constant 0 : i32
        %dma_start3A_2114 = arith.constant 0 : i32
        %dma_start3A_2115 = tpu.memref_slice %arg4[%dma_start3A_2113, %dma_start3A_2114] : memref<60000x512xf32, #tpu.memory_space<hbm>> -> memref<60000x512xf32, #tpu.memory_space<hbm>>
        tpu.enqueue_indirect_dma source(%dma_start3A_2115 : memref<60000x512xf32, #tpu.memory_space<hbm>>) target(%dma_start3A_2109 : memref<64x512xf32, #tpu.memory_space<vmem>>) offsets(%dma_start3A_2112 : memref<64xi32, #tpu.memory_space<vmem>>) semaphore(%arg17 : memref<!tpu.dma_semaphore, #tpu.memory_space<semaphore_mem>>)
      } else {
      }
    }
    %scan3A_1943 = arith.constant 16 : i32
    %add3A_1944 = arith.constant 30 : i32
    %add3A_1945 = arith.addi %mul3A_2, %add3A_1944 : i32
    %dma_wait3A_1946 = arith.constant 0 : i32
    %dma_wait3A_1947 = arith.constant 0 : i32
    %dma_wait3A_1948 = tpu.memref_slice %arg14[%dma_wait3A_1946, %dma_wait3A_1947] : memref<80x512xf32, #tpu.memory_space<vmem>> -> memref<77x512xf32, #tpu.memory_space<vmem>>
    %dma_wait3A_1949 = arith.constant 0 : i32
    %dma_wait3A_1950 = arith.constant 0 : i32
    %dma_wait3A_1951 = tpu.memref_slice %arg7[%add3A_1945, %dma_wait3A_1949, %dma_wait3A_1950] : memref<1024x77x512xf32, #tpu.memory_space<hbm>> -> memref<1x77x512xf32, #tpu.memory_space<hbm>>
    %dma_wait3A_1952 = tpu.memref_squeeze %dma_wait3A_1951 : memref<1x77x512xf32, #tpu.memory_space<hbm>> -> memref<77x512xf32, #tpu.memory_space<hbm>>
    %dma_wait3A_1953 = arith.constant 0 : i32
    %dma_wait3A_1954 = arith.constant 0 : i32
    %dma_wait3A_1955 = tpu.memref_slice %arg7[%add3A_1945, %dma_wait3A_1953, %dma_wait3A_1954] : memref<1024x77x512xf32, #tpu.memory_space<hbm>> -> memref<1x77x512xf32, #tpu.memory_space<hbm>>
    %dma_wait3A_1956 = tpu.memref_squeeze %dma_wait3A_1955 : memref<1x77x512xf32, #tpu.memory_space<hbm>> -> memref<77x512xf32, #tpu.memory_space<hbm>>
    %dma_wait3A_1957 = arith.constant 0 : i32
    %dma_wait3A_1958 = arith.constant 0 : i32
    %dma_wait3A_1959 = tpu.memref_slice %arg14[%dma_wait3A_1957, %dma_wait3A_1958] : memref<80x512xf32, #tpu.memory_space<vmem>> -> memref<77x512xf32, #tpu.memory_space<vmem>>
    tpu.wait_dma2 semaphore(%arg18 : memref<!tpu.dma_semaphore, #tpu.memory_space<semaphore_mem>>) src(%dma_wait3A_1959 : memref<77x512xf32, #tpu.memory_space<vmem>>) dst(%dma_wait3A_1956 : memref<77x512xf32, #tpu.memory_space<hbm>>)
    %add3A_1960 = arith.constant 31 : i32
    %add3A_1961 = arith.addi %mul3A_2, %add3A_1960 : i32
    %dma_wait3A_1962 = arith.constant 0 : i32
    %dma_wait3A_1963 = arith.constant 0 : i32
    %dma_wait3A_1964 = tpu.memref_slice %arg15[%dma_wait3A_1962, %dma_wait3A_1963] : memref<80x512xf32, #tpu.memory_space<vmem>> -> memref<77x512xf32, #tpu.memory_space<vmem>>
    %dma_wait3A_1965 = arith.constant 0 : i32
    %dma_wait3A_1966 = arith.constant 0 : i32
    %dma_wait3A_1967 = tpu.memref_slice %arg7[%add3A_1961, %dma_wait3A_1965, %dma_wait3A_1966] : memref<1024x77x512xf32, #tpu.memory_space<hbm>> -> memref<1x77x512xf32, #tpu.memory_space<hbm>>
    %dma_wait3A_1968 = tpu.memref_squeeze %dma_wait3A_1967 : memref<1x77x512xf32, #tpu.memory_space<hbm>> -> memref<77x512xf32, #tpu.memory_space<hbm>>
    %dma_wait3A_1969 = arith.constant 0 : i32
    %dma_wait3A_1970 = arith.constant 0 : i32
    %dma_wait3A_1971 = tpu.memref_slice %arg7[%add3A_1961, %dma_wait3A_1969, %dma_wait3A_1970] : memref<1024x77x512xf32, #tpu.memory_space<hbm>> -> memref<1x77x512xf32, #tpu.memory_space<hbm>>
    %dma_wait3A_1972 = tpu.memref_squeeze %dma_wait3A_1971 : memref<1x77x512xf32, #tpu.memory_space<hbm>> -> memref<77x512xf32, #tpu.memory_space<hbm>>
    %dma_wait3A_1973 = arith.constant 0 : i32
    %dma_wait3A_1974 = arith.constant 0 : i32
    %dma_wait3A_1975 = tpu.memref_slice %arg15[%dma_wait3A_1973, %dma_wait3A_1974] : memref<80x512xf32, #tpu.memory_space<vmem>> -> memref<77x512xf32, #tpu.memory_space<vmem>>
    tpu.wait_dma2 semaphore(%arg19 : memref<!tpu.dma_semaphore, #tpu.memory_space<semaphore_mem>>) src(%dma_wait3A_1975 : memref<77x512xf32, #tpu.memory_space<vmem>>) dst(%dma_wait3A_1972 : memref<77x512xf32, #tpu.memory_space<hbm>>)
    %dma_wait3A_1976 = arith.constant 0 : i32
    %dma_wait3A_1977 = arith.constant 0 : i32
    %dma_wait3A_1978 = tpu.memref_slice %arg5[%dma_wait3A_1976, %dma_wait3A_1977] : memref<1000x80xi32, #tpu.memory_space<hbm>> -> memref<1000x80xi32, #tpu.memory_space<hbm>>
    tpu.wait_indirect_dma semaphore(%arg20 : memref<!tpu.dma_semaphore, #tpu.memory_space<semaphore_mem>>) src(%dma_wait3A_1978 : memref<1000x80xi32, #tpu.memory_space<hbm>>) dst(%arg12 : memref<32x80xi32, #tpu.memory_space<vmem>>)
    %dma_start3A_1979 = arith.constant 0 : i32
    %dma_start3A_1980 = tpu.memref_slice %arg8[%mul3A_2, %dma_start3A_1979] : memref<1024x80xi32, #tpu.memory_space<hbm>> -> memref<32x80xi32, #tpu.memory_space<hbm>>
    %dma_start3A_1981 = arith.constant 0 : i32
    %dma_start3A_1982 = tpu.memref_slice %arg8[%mul3A_2, %dma_start3A_1981] : memref<1024x80xi32, #tpu.memory_space<hbm>> -> memref<32x80xi32, #tpu.memory_space<hbm>>
    tpu.enqueue_dma source(%arg12 : memref<32x80xi32, #tpu.memory_space<vmem>>) target(%dma_start3A_1982 : memref<32x80xi32, #tpu.memory_space<hbm>>) target_semaphore(%arg20 : memref<!tpu.dma_semaphore, #tpu.memory_space<semaphore_mem>>)
    %dma_wait3A_1983 = arith.constant 0 : i32
    %dma_wait3A_1984 = tpu.memref_slice %arg8[%mul3A_2, %dma_wait3A_1983] : memref<1024x80xi32, #tpu.memory_space<hbm>> -> memref<32x80xi32, #tpu.memory_space<hbm>>
    %dma_wait3A_1985 = arith.constant 0 : i32
    %dma_wait3A_1986 = tpu.memref_slice %arg8[%mul3A_2, %dma_wait3A_1985] : memref<1024x80xi32, #tpu.memory_space<hbm>> -> memref<32x80xi32, #tpu.memory_space<hbm>>
    tpu.wait_dma2 semaphore(%arg20 : memref<!tpu.dma_semaphore, #tpu.memory_space<semaphore_mem>>) src(%arg12 : memref<32x80xi32, #tpu.memory_space<vmem>>) dst(%dma_wait3A_1986 : memref<32x80xi32, #tpu.memory_space<hbm>>)
    return
  }
}

</mosaic_0001>

<sc_bundles>
// kernel: kernel.3.cloned.1.call-start
scs
__scs_entry_jumppad:
0x0: {  	(pc) =	sbr.rel $0x88, $3  }
0x1: {  	(tag) =	ssettag $0x0;
	lr =	simm.s32 $0x1  }
0x2: {  	[smem:$0x3F9C] =	sst lr;
	_ =	strace $0xD0000000  }
0x3: {  	_ = 	snop  }
0x4: {  	_ = 	snop  }
0x5: {  	_ = 	snop  }
0x6: {  	_ = 	snop  }
0x7: {  	_ = 	snop  }
__scs_overlays_trampoline_lowered:
0x8: {  	[smem:$0x3FAB] =	sst s0  }
0x9: {  	[smem:$0x3FAC] =	sst s1  }
0xa: {  	[smem:$0x3FAD] =	sst s2  }
0xb: {  	[smem:$0x3FAE] =	sst s3  }
0xc: {  	[smem:$0x3FAF] =	sst s4  }
0xd: {  	[smem:$0x3FB0] =	sst s5  }
0xe: {  	[smem:$0x3FB1] =	sst s6  }
0xf: {  	[smem:$0x3FB2] =	sst s7  }
0x10: {  	[smem:$0x3FB3] =	sst s8  }
0x11: {  	[smem:$0x3FB4] =	sst s9;
	s0 =	simm.s32 @!p0 $0x0  }
0x12: {  	s1 =	sld [smem:$0x3F9A];
	s0 =	simm.s32 @p0 $0x1  }
0x13: {  	[smem:$0x3FB5] =	sst s0;
	s0 =	simm.s32 @!p1 $0x0  }
0x14: {  	s2 =	sld [smem:$0x3F99];
	s0 =	simm.s32 @p1 $0x1  }
0x15: {  	[smem:$0x3FB6] =	sst s0;
	s0 =	simm.s32 @!p2 $0x0  }
0x16: {  	s3 =	sld [smem:$0x3FDB];
	s0 =	simm.s32 @p2 $0x1  }
0x17: {  	s4 =	simm.s32 $0x1BF5;
	[smem:$0x3FB8] =	sst s0  }
0x18: {  	s0 =	sld [smem:$0x3F9B];
	_ =	swait.ge [sflag:s4], $0x0  }
0x19: {  	s7 =	sld [smem:$0x3F9C]  }
0x1a: {  	s8 =	sadd.s32 $0xFFFFE003, lr  }
0x1b: {  	s9 =	sadd.s32 $0xFFFFFEF7, lr;
	s5 =	simm.s32 $0xFFFFFFFF;
	p2 =	slt.u32 s8, $0xFFFFF086  }
0x1c: {  	p1 =	slt.u32 s9, $0xF7A;
	s5 =	simm.s32 @!p2 $0x0  }
0x1d: {  	s5 =	simm.s32 @p1 $0x1;
	p0 =	seq.s32 s7, s2  }
0x1e: {  	s7 =	smul.u32 @!p0 $0xF7A, s2;
	p2 =	seq.s32 @!p0 s5, $0x0  }
0x1f: {  	s9 =	smul.u32 $0xF7A, s1;
	s8 =	simm.s32 @!p0 $0x1BF5;
	p2 =	por !p2, p0  }
0x20: {  	[sflag:s8] =	ssyncset.s32 @!p0 $0xFFFFF086;
	s6 =	sadd.s32 @!p0 s3, s7;
	s7 =	simm.s32 @!p0 $0x108  }
0x21: {  	s3 =	sadd.s32 s3, s9;
	s6 =	sadd.s32 @!p0 $0x88, s6;
	s7 =	simm.s32 @p2 $0x1082  }
0x22: {  	[simem:s7], [sflag:s8] =	dma.local @!p0 [hbm:s6], $0xF7A  }
0x23: {  	s9 =	sor.u32 $0xD0000000, s2;
	s6 =	simm.s32 $0x108;
	_ =	swait.ge @!p0 [sflag:s8], $0x0  }
0x24: {  	s3 =	sadd.s32 $0x88, s3;
	s6 =	simm.s32 @!p1 $0x1082;
	[sflag:s4] =	ssyncset.s32 $0xFFFFF086  }
0x25: {  	[simem:s6], [sflag:s4] =	dma.local [hbm:s3], $0xF7A  }
0x26: {  	[smem:$0x3F9C] =	sst s1;
	(tag) =	ssettag s2;
	_ =	strace s9  }
0x27: {  	s1 =	sld [smem:$0x3FAC]  }
0x28: {  	s2 =	sld [smem:$0x3FAD]  }
0x29: {  	s4 =	sld [smem:$0x3FAF]  }
0x2a: {  	p0 =	seq.s32 s5, $0x0;
	s5 =	sld [smem:$0x3FB0]  }
0x2b: {  	s6 =	sld [smem:$0x3FB1]  }
0x2c: {  	s7 =	sld [smem:$0x3FB2]  }
0x2d: {  	s3 =	simm.s32 $0x108;
	s8 =	sld [smem:$0x3FB3]  }
0x2e: {  	s3 =	simm.s32 @!p0 $0x1082;
	s9 =	sld [smem:$0x3FB4]  }
0x2f: {  	lr =	sadd.s32 s0, s3;
	s0 =	sld [smem:$0x3FAB]  }
0x30: {  	s3 =	sld [smem:$0x3FAE]  }
0x31: {  	[smem:$0x3FB7] =	sst s10  }
0x32: {  	s10 =	sld [smem:$0x3FB5];
	_ =	sdelay $0x3  }
0x33: {  	p0 =	seq.s32 s10, $0x1;
	s10 =	sld [smem:$0x3FB7];
	_ =	sdelay $0x3  }
0x34: {  	[smem:$0x3FB7] =	sst s10  }
0x35: {  	s10 =	sld [smem:$0x3FB6];
	_ =	sdelay $0x3  }
0x36: {  	p1 =	seq.s32 s10, $0x1;
	s10 =	sld [smem:$0x3FB7];
	_ =	sdelay $0x3  }
0x37: {  	[smem:$0x3FB7] =	sst s10  }
0x38: {  	s10 =	sld [smem:$0x3FB8]  }
0x39: {  	_ = 	snop;
	(pc) =	sbr.ind lr, $3  }
0x3a: {  	_ = 	snop  }
0x3b: {  	_ = 	snop  }
0x3c: {  	p2 =	seq.s32 s10, $0x1;
	s10 =	sld [smem:$0x3FB7]  }
0x3d: {  	_ =	shalt  }
0x3e: {  	_ =	shalt  }
0x3f: {  	_ =	shalt  }
0x40: {  	_ =	shalt  }
0x41: {  	_ =	shalt  }
0x42: {  	_ =	shalt  }
0x43: {  	_ =	shalt  }
0x44: {  	_ =	shalt  }
0x45: {  	_ =	shalt  }
0x46: {  	_ =	shalt  }
0x47: {  	_ =	shalt  }
0x48: {  	_ =	shalt  }
0x49: {  	_ =	shalt  }
0x4a: {  	_ =	shalt  }
0x4b: {  	_ =	shalt  }
0x4c: {  	_ =	shalt  }
0x4d: {  	_ =	shalt  }
0x4e: {  	_ =	shalt  }
0x4f: {  	_ =	shalt  }
0x50: {  	_ =	shalt  }
0x51: {  	_ =	shalt  }
0x52: {  	_ =	shalt  }
0x53: {  	_ =	shalt  }
0x54: {  	_ =	shalt  }
0x55: {  	_ =	shalt  }
0x56: {  	_ =	shalt  }
0x57: {  	_ =	shalt  }
0x58: {  	_ =	shalt  }
0x59: {  	_ =	shalt  }
0x5a: {  	_ =	shalt  }
0x5b: {  	_ =	shalt  }
0x5c: {  	_ =	shalt  }
0x5d: {  	_ =	shalt  }
0x5e: {  	_ =	shalt  }
0x5f: {  	_ =	shalt  }
0x60: {  	_ =	shalt  }
0x61: {  	_ =	shalt  }
0x62: {  	_ =	shalt  }
0x63: {  	_ =	shalt  }
0x64: {  	_ =	shalt  }
0x65: {  	_ =	shalt  }
0x66: {  	_ =	shalt  }
0x67: {  	_ =	shalt  }
0x68: {  	_ =	shalt  }
0x69: {  	_ =	shalt  }
0x6a: {  	_ =	shalt  }
0x6b: {  	_ =	shalt  }
0x6c: {  	_ =	shalt  }
0x6d: {  	_ =	shalt  }
0x6e: {  	_ =	shalt  }
0x6f: {  	_ =	shalt  }
0x70: {  	_ =	shalt  }
0x71: {  	_ =	shalt  }
0x72: {  	_ =	shalt  }
0x73: {  	_ =	shalt  }
0x74: {  	_ =	shalt  }
0x75: {  	_ =	shalt  }
0x76: {  	_ =	shalt  }
0x77: {  	_ =	shalt  }
0x78: {  	_ =	shalt  }
0x79: {  	_ =	shalt  }
0x7a: {  	_ =	shalt  }
0x7b: {  	_ =	shalt  }
0x7c: {  	_ =	shalt  }
0x7d: {  	_ =	shalt  }
0x7e: {  	_ =	shalt  }
0x7f: {  	_ =	shalt  }
0x80: {  	_ =	shalt  }
0x81: {  	_ =	shalt  }
0x82: {  	_ =	shalt  }
0x83: {  	_ =	shalt  }
0x84: {  	_ =	shalt  }
0x85: {  	_ =	shalt  }
0x86: {  	_ =	shalt  }
0x87: {  	_ =	shalt  }
.Lfunc_end0:
.L_simem_size_0:
called_computation.1_lowered:
.L_overlay_start_0:
0x88: {  	s2 =	sld [smem:$0x3FD9]  }
0x89: {  	s3 =	sld [smem:$0x3FFE];
	_ =	sdelay $0x1  }
0x8a: {  	s1 =	srdreg.scid  }
0x8b: {  	s0 =	sand.u32 $0x1, s1  }
0x8c: {  	s14 =	sshll.u32 s0, $0xA;
	s2 =	sadd.s32 s3, s2  }
0x8d: {  	s2 =	sadd.s32 s2, s14  }
0x8e: {  	[smem:$0x3FC3] =	sst s2  }
0x8f: {  	_ = 	snop  }
0x90: {  	s2 =	sld [smem:$0x3FD0];
	_ =	sdelay $0x1  }
0x91: {  	s15 =	sld [smem:$0x3FC8]  }
0x92: {  	s5 =	simm.s32 $0xA;
	s6 =	simm.s32 $0x10;
	s4 =	sld [smem:$0x3FC5]  }
0x93: {  	[smem:s6], [sflag:s5] =	dma.local [hbm:s2], $0x1  }
0x94: {  	_ =	swait.eq [sflag:s5], $0x1  }
0x95: {  	[sflag:s5] =	ssyncset.done $0x0  }
0x96: {  	s16 =	sld [smem:$0x10];
	[sflag:s5] =	ssyncadd.s32 $0xFFFFFFFF  }
0x97: {  	s17 =	sld [smem:$0x11];
	(tm) =	ssettm $0x1  }
0x98: {  	s18 =	sld [smem:$0x3FFB];
	_ =	sdelay $0x3  }
0x99: {  	_ =	strace s18  }
0x9a: {  	s6 =	sld [smem:$0x3FFC];
	_ =	sdelay $0x3  }
0x9b: {  	_ =	strace s6  }
0x9c: {  	s6 =	sld [smem:$0x3FFD];
	_ =	sdelay $0x3  }
0x9d: {  	_ =	strace s6  }
0x9e: {  	_ =	strace $0x8FFFFFFF  }
0x9f: {  	s19 =	sld [smem:$0x3FDB];
	_ =	sdelay $0x1  }
0xa0: {  	s7 =	simm.s32 $_scs_section_size  }
0xa1: {  	s8 =	simm.s32 $_size__tile_overlayer_lowered;
	s9 =	simm.s32 $_tile_overlayer_lowered  }
0xa2: {  	s22 =	simm.s32 $0x1BFF;
	s21 =	sshll.u32 s9, $0x1;
	s6 =	sadd.s32 s7, s19  }
0xa3: {  	s10 =	simm.s32 $0x0;
	s20 =	sshll.u32 s8, $0x1;
	s8 =	sadd.s32 s21, s6  }
0xa4: {  	[timem:s10], [sflag:s22] =	dma.local [hbm:s8], s20  }
0xa5: {  	_ =	swait.ge [sflag:s22], s20  }
0xa6: {  	s7 =	ssub.s32 $0x0, s20;
	[sflag:s22] =	ssyncset.done $0x0  }
0xa7: {  	[sflag:s22] =	ssyncadd.s32 s7;
	_ =	sdelay $0x1  }
0xa8: {  	s23 =	simm.s32 $0x1B8B  }
0xa9: {  	_ =	swait.ge [sflag:s23], $0x1  }
0xaa: {  	[sflag:s23] =	ssyncset.done $0x0  }
0xab: {  	s25 =	simm.s32 $0x1B8E;
	s24 =	sld [smem:$0x3FFE];
	[sflag:s23] =	ssyncadd.s32 $0xFFFFFFFF  }
0xac: {  	s26 =	simm.s32 $execute0_lowered;
	[smem:$0x3FD2] =	sst s25  }
0xad: {  	s8 =	sshll.u32 s26, $0x1;
	_ =	strace $0x80000046;
	[dreg:$0x1] =	wrdreg $0xFFFFFFFF  }
0xae: {  	s28 =	simm.s32 $_size_execute0_lowered;
	s6 =	sadd.s32 s6, s8;
	[dreg:$0x0] =	wrdreg $0x0  }
0xaf: {  	s8 =	sshll.u32 s28, $0x1;
	[dreg:$0x2] =	wrdreg s6  }
0xb0: {  	[dreg:$0x3] =	wrdreg s8  }
0xb1: {  	[dreg:$0x4] =	wrdreg $0xC0  }
0xb2: {  	_ =	task [dreg:s10], $0x5FFFF  }
0xb3: {  	[dreg:$0x1] =	wrdreg $0xFFFFFFFF  }
0xb4: {  	[dreg:$0x0] =	wrdreg $0x60  }
0xb5: {  	[dreg:$0x2] =	wrdreg s24  }
0xb6: {  	[dreg:$0x3] =	wrdreg s15  }
0xb7: {  	[dreg:$0x4] =	wrdreg s4  }
0xb8: {  	[dreg:$0x5] =	wrdreg s16  }
0xb9: {  	[dreg:$0x6] =	wrdreg s17  }
0xba: {  	[dreg:$0x7] =	wrdreg $0x9  }
0xbb: {  	_ =	task.clear_ibuf [dreg:s10], $0x8FFFF;
	_ =	strace $0x90000046  }
0xbc: {  	s29 =	simm.s32 $0x9;
	_ =	strace $0x80000048  }
0xbd: {  	_ =	swait.ge [sflag:s29], $0x1  }
0xbe: {  	[sflag:s29] =	ssyncadd.s32 $0xFFFFFFFF  }
0xbf: {  	_ =	strace $0x90000048  }
0xc0: {  	_ =	sfence  }
0xc1: {  	s30 =	sld [smem:$0x0];
	_ =	sdelay $0x2  }
0xc2: {  	s31 =	sshll.u32 s1, $0xD;
	s1 =	sshrl.u32 s1, $0x2  }
0xc3: {  	s3 =	sand.u32 $0x4000, s31;
	s1 =	sadd.s32 s1, s30  }
0xc4: {  	s0 =	sor.u32 s3, s0;
	s1 =	sshll.u32 s1, $0x11  }
0xc5: {  	s0 =	sor.u32 s1, s0  }
0xc6: {  	s0 =	sadd.s32 $0x8F2B, s0  }
0xc7: {  	[sflag:s0] =	ssyncadd.remote.s32 $0x1  }
0xc8: {  	_ =	sfence.sel $0xFFFF  }
0xc9: {  	[dreg:$0x0] =	wrdreg $0xFFFFFFFF;
	(pc) =	sbr.abs _section_cstart, $3  }
0xca: {  	[dreg:$0x1] =	wrdreg $0xFFFFFFFF  }
0xcb: {  	_ =	task.clear_ibuf [dreg:s10], $0x2FFFF;
	_ =	strace $0x9FFFFFFF  }
0xcc: {  	(tm) =	ssettm $0x7FFFFFFF  }
0xcd: {  	_ =	shalt  }
tec
execute0_lowered:
.L_overlay_start_1:
0x0: {  	(tag) =	ssettag $0x1  }
0x1: {  	s0 =	rddreg [dreg:$0x0]  }
0x2: {  	s1 =	rddreg [dreg:$0x2]  }
0x3: {  	s2 =	rddreg [dreg:$0x3]  }
0x4: {  	s6 =	rddreg [dreg:$0x4];
	s4 =	srdreg.scid  }
0x5: {  	s3 =	simm.s32 $0x0;
	s13 =	stileid.u32;
	s16 =	simm.s32 $0x7  }
0x6: {  	s17 =	simm.s32 $0x20;
	s28 =	simm.s32 $0x11420;
	s29 =	simm.s32 $0x1  }
0x7: {  	s30 =	simm.s32 $0x2;
	s31 =	simm.s32 $0x3;
	s7 =	sand.u32 $0x1, s4  }
0x8: {  	[smem:$0x7FF] =	sst s3;
	s18 =	sshll.u32 s13, $0x6;
	s20 =	smul.u32 $0x268000, s13  }
0x9: {  	s4 =	sadd.s32 $0x3600, s0;
	s26 =	smul.u32 $0x4D000, s13;
	s5 =	sshll.u32 s7, $0x5  }
0xa: {  	_ =	strace $0x80000047;
	s19 =	ssub.s32 $0x2, s7;
	s22 =	smul.u32 $0x134000, s7  }
0xb: {  	s7 =	smul.u32 $0x26800, s7;
	s8 =	sor.u32 s5, s18;
	s5 =	sadd.s32 $0xFD600, s0  }
0xc: {  	s0 =	sadd.s32 $0xE00, s0;
	s11 =	sshrl.u32 s19, $0x1;
	s9 =	smul.u32 $0xA, s8  }
0xd: {  	s18 =	simm.s32 $0xA20;
	[dreg:$0x6] =	wrdreg s0;
	s10 =	smul.u32 $0x1340, s8  }
0xe: {  	s12 =	sshrl.u32 s8, $0x3;
	s8 =	smul.u32 $0x9A00, s8;
	s0 =	ssub.s32 s19, s11  }
0xf: {  	s19 =	simm.s32 $0x6;
	s1 =	sadd.s32 s1, s12;
	s0 =	smax.u32 s0, $0x1  }
0x10: {  	[dreg:$0x7] =	wrdreg s1;
	s6 =	sadd.s32 s6, s9;
	s21 =	sadd.s32 s2, s10  }
0x11: {  	[dreg:$0x9] =	wrdreg s0;
	s25 =	sshrl.u32 s8, $0x3;
	s1 =	sadd.s32 s22, s20  }
0x12: {  	s20 =	simm.s32 $0x10;
	[dreg:$0x8] =	wrdreg s6;
	s23 =	sadd.s32 $0x24180, s21  }
0x13: {  	v0 =	vimm.s32 $0x33323130;
	s24 =	sadd.s32 $0x241C0, s21;
	s0 =	sadd.s32 s2, s25;
	s1 =	sadd.s32 $0x9C00, s1  }
0x14: {  	v1 =	vimm.s32 $0x37363534;
	v0 =	vunpack.c.0.s8.s32 v0;
	s6 =	sadd.s32 s26, s2;
	s21 =	simm.s32 $0x5420;
	[dreg:$0xa] =	wrdreg s23  }
0x15: {  	vm0 =	vcmask $0xF00;
	v2 =	vimm.s32 $0x3B3A3938;
	v1 =	vunpack.c.0.s8.s32 v1;
	s25 =	simm.s32 $0xF420;
	s26 =	simm.s32 $0x0;
	[dreg:$0xb] =	wrdreg s24  }
0x16: {  	vm14 =	vcmask $0x1F10;
	v4 =	vunpack.c.0.s8.s32 v2;
	v3 =	vnsel vm0, $0x3B, v0;
	s12 =	sadd.s32 $0x254C0, s0;
	s1 =	sshrl.u32 s1, $0x3;
	s13 =	sadd.s32 $0x25500, s0  }
0x17: {  	vm15 =	vcmask $0x2F20;
	v0 =	vlaneseq.u32;
	v3 =	vsel vm14, v1, v3;
	s14 =	sadd.s32 s7, s6;
	s23 =	simm.s32 $0x7420;
	s0 =	simm.s32 $0x40  }
0x18: {  	v1 =	vor.u32 $0x10, v0;
	v2 =	vor.u32 $0x20, v0;
	v3 =	vsel vm15, v4, v3;
	s24 =	simm.s32 $0x5;
	s15 =	sadd.s32 s1, s2;
	s2 =	simm.s32 $0x4  }
.LBB2_1:
0x19: {  	s1 =	rddreg [dreg:$0x7]  }
0x1a: {  	[tilespmem:s3], [sflag:$0x7] =	stream.linear.gather [hbm4b:s1+s3], $0x20, $0x38;
	[tilespmem:$0x19420] =	vst v63  }
0x1b: {  	_ =	swait.ge [sflag:s16], $0x20  }
0x1c: {  	[sflag:s16] =	ssyncset.done $0x0  }
0x1d: {  	s7 =	rddreg [dreg:$0x6];
	[sflag:s16] =	ssyncadd.s32 $0xFFFFFFE0  }
0x1e: {  	[tilespmem:s18], [sflag:$0x5] =	stream.indirect.gather [hbm4b:s7+s17], $0x50, s3, s17, $0xb8;
	[tilespmem:$0x19420] =	vst v63  }
0x1f: {  	s8 =	simm.s32 $0x1420;
	s6 =	rddreg [dreg:$0x1]  }
0x20: {  	[tilespmem:s8], [sflag:$0x6] =	stream.indirect.gather [hbm4b:s6+s17], $0x200, s3, s17, $0xb8;
	[tilespmem:$0x19420] =	vst v63  }
0x21: {  	v4 =	vld [tilespmem:$0x0];
	_ =	sdelay $0x4  }
0x22: {  	v5 =	vshra.s32 v4, $0x1F  }
0x23: {  	v4 =	vand.u32 v5, v4;
	_ =	sdelay $0x4  }
0x24: {  	v5 =	vld.idx.msk [tilespmem:v4+s3+$0x0], $0xffff;
	_ =	sdelay $0x4  }
0x25: {  	v6 =	vshll.u32 v5, $0x4;
	v5 =	vmul.u32 $0x3C, v5  }
0x26: {  	v6 =	vor.u32 v0, v6  }
0x27: {  	v7 =	vadd.s32 $0x1, v4;
	[tilespmem:$0x20] =	vst v6;
	v22 =	vadd.s32 v0, v5  }
0x28: {  	v23 =	vadd.s32 v1, v5;
	[tilespmem:$0x220] =	vst v22  }
0x29: {  	v24 =	vadd.s32 v2, v5;
	[tilespmem:$0x230] =	vst v23  }
0x2a: {  	v5 =	vadd.s32 v3, v5;
	[tilespmem:$0x240] =	vst v24  }
0x2b: {  	[tilespmem:$0x250] =	vst v5  }
0x2c: {  	v5 =	vld.idx.msk [tilespmem:v7+s3+$0x0], $0xffff;
	_ =	sdelay $0x4  }
0x2d: {  	v25 =	vshll.u32 v5, $0x4;
	v5 =	vmul.u32 $0x3C, v5  }
0x2e: {  	v6 =	vor.u32 v0, v25  }
0x2f: {  	v27 =	vadd.s32 $0x2, v4;
	[tilespmem:$0x30] =	vst v6;
	v26 =	vadd.s32 v0, v5  }
0x30: {  	v28 =	vadd.s32 v1, v5;
	[tilespmem:$0x260] =	vst v26  }
0x31: {  	v29 =	vadd.s32 v2, v5;
	[tilespmem:$0x270] =	vst v28  }
0x32: {  	v5 =	vadd.s32 v3, v5;
	[tilespmem:$0x280] =	vst v29  }
0x33: {  	[tilespmem:$0x290] =	vst v5  }
0x34: {  	v5 =	vld.idx.msk [tilespmem:v27+s3+$0x0], $0xffff;
	_ =	sdelay $0x4  }
0x35: {  	v30 =	vshll.u32 v5, $0x4;
	v5 =	vmul.u32 $0x3C, v5  }
0x36: {  	v6 =	vor.u32 v0, v30  }
0x37: {  	v32 =	vadd.s32 $0x3, v4;
	[tilespmem:$0x40] =	vst v6;
	v31 =	vadd.s32 v0, v5  }
0x38: {  	v33 =	vadd.s32 v1, v5;
	[tilespmem:$0x2A0] =	vst v31  }
0x39: {  	v34 =	vadd.s32 v2, v5;
	[tilespmem:$0x2B0] =	vst v33  }
0x3a: {  	v5 =	vadd.s32 v3, v5;
	[tilespmem:$0x2C0] =	vst v34  }
0x3b: {  	[tilespmem:$0x2D0] =	vst v5  }
0x3c: {  	v5 =	vld.idx.msk [tilespmem:v32+s3+$0x0], $0xffff;
	_ =	sdelay $0x4  }
0x3d: {  	v35 =	vshll.u32 v5, $0x4;
	v5 =	vmul.u32 $0x3C, v5  }
0x3e: {  	v6 =	vor.u32 v0, v35  }
0x3f: {  	v37 =	vadd.s32 $0x4, v4;
	[tilespmem:$0x50] =	vst v6;
	v36 =	vadd.s32 v0, v5  }
0x40: {  	v38 =	vadd.s32 v1, v5;
	[tilespmem:$0x2E0] =	vst v36  }
0x41: {  	v39 =	vadd.s32 v2, v5;
	[tilespmem:$0x2F0] =	vst v38  }
0x42: {  	v5 =	vadd.s32 v3, v5;
	[tilespmem:$0x300] =	vst v39  }
0x43: {  	[tilespmem:$0x310] =	vst v5  }
0x44: {  	v5 =	vld.idx.msk [tilespmem:v37+s3+$0x0], $0xffff;
	_ =	sdelay $0x4  }
0x45: {  	v40 =	vshll.u32 v5, $0x4;
	v5 =	vmul.u32 $0x3C, v5  }
0x46: {  	v6 =	vor.u32 v0, v40  }
0x47: {  	v42 =	vadd.s32 $0x5, v4;
	[tilespmem:$0x60] =	vst v6;
	v41 =	vadd.s32 v0, v5  }
0x48: {  	v43 =	vadd.s32 v1, v5;
	[tilespmem:$0x320] =	vst v41  }
0x49: {  	v44 =	vadd.s32 v2, v5;
	[tilespmem:$0x330] =	vst v43  }
0x4a: {  	v5 =	vadd.s32 v3, v5;
	[tilespmem:$0x340] =	vst v44  }
0x4b: {  	[tilespmem:$0x350] =	vst v5  }
0x4c: {  	v5 =	vld.idx.msk [tilespmem:v42+s3+$0x0], $0xffff;
	_ =	sdelay $0x4  }
0x4d: {  	v45 =	vshll.u32 v5, $0x4;
	v5 =	vmul.u32 $0x3C, v5  }
0x4e: {  	v6 =	vor.u32 v0, v45  }
0x4f: {  	v47 =	vadd.s32 $0x6, v4;
	[tilespmem:$0x70] =	vst v6;
	v46 =	vadd.s32 v0, v5  }
0x50: {  	v48 =	vadd.s32 v1, v5;
	[tilespmem:$0x360] =	vst v46  }
0x51: {  	v49 =	vadd.s32 v2, v5;
	[tilespmem:$0x370] =	vst v48  }
0x52: {  	v5 =	vadd.s32 v3, v5;
	[tilespmem:$0x380] =	vst v49  }
0x53: {  	[tilespmem:$0x390] =	vst v5  }
0x54: {  	v5 =	vld.idx.msk [tilespmem:v47+s3+$0x0], $0xffff;
	_ =	sdelay $0x4  }
0x55: {  	v50 =	vshll.u32 v5, $0x4;
	v5 =	vmul.u32 $0x3C, v5  }
0x56: {  	v6 =	vor.u32 v0, v50  }
0x57: {  	v52 =	vadd.s32 $0x7, v4;
	[tilespmem:$0x80] =	vst v6;
	v51 =	vadd.s32 v0, v5  }
0x58: {  	v53 =	vadd.s32 v1, v5;
	[tilespmem:$0x3A0] =	vst v51  }
0x59: {  	v54 =	vadd.s32 v2, v5;
	[tilespmem:$0x3B0] =	vst v53  }
0x5a: {  	v5 =	vadd.s32 v3, v5;
	[tilespmem:$0x3C0] =	vst v54  }
0x5b: {  	[tilespmem:$0x3D0] =	vst v5  }
0x5c: {  	v5 =	vld.idx.msk [tilespmem:v52+s3+$0x0], $0xffff;
	_ =	sdelay $0x4  }
0x5d: {  	v55 =	vshll.u32 v5, $0x4;
	v5 =	vmul.u32 $0x3C, v5  }
0x5e: {  	v6 =	vor.u32 v0, v55  }
0x5f: {  	v57 =	vadd.s32 $0x8, v4;
	[tilespmem:$0x90] =	vst v6;
	v56 =	vadd.s32 v0, v5  }
0x60: {  	v58 =	vadd.s32 v1, v5;
	[tilespmem:$0x3E0] =	vst v56  }
0x61: {  	v59 =	vadd.s32 v2, v5;
	[tilespmem:$0x3F0] =	vst v58  }
0x62: {  	v5 =	vadd.s32 v3, v5;
	[tilespmem:$0x400] =	vst v59  }
0x63: {  	[tilespmem:$0x410] =	vst v5  }
0x64: {  	v5 =	vld.idx.msk [tilespmem:v57+s3+$0x0], $0xffff;
	_ =	sdelay $0x4  }
0x65: {  	v60 =	vshll.u32 v5, $0x4;
	v5 =	vmul.u32 $0x3C, v5  }
0x66: {  	v6 =	vor.u32 v0, v60  }
0x67: {  	v62 =	vadd.s32 $0x9, v4;
	[tilespmem:$0xA0] =	vst v6;
	v61 =	vadd.s32 v0, v5  }
0x68: {  	v63 =	vadd.s32 v1, v5;
	[tilespmem:$0x420] =	vst v61  }
0x69: {  	v9 =	vadd.s32 v2, v5;
	[tilespmem:$0x430] =	vst v63  }
0x6a: {  	v5 =	vadd.s32 v3, v5;
	[tilespmem:$0x440] =	vst v9  }
0x6b: {  	[tilespmem:$0x450] =	vst v5  }
0x6c: {  	v5 =	vld.idx.msk [tilespmem:v62+s3+$0x0], $0xffff;
	_ =	sdelay $0x4  }
0x6d: {  	v10 =	vshll.u32 v5, $0x4;
	v5 =	vmul.u32 $0x3C, v5  }
0x6e: {  	v6 =	vor.u32 v0, v10  }
0x6f: {  	v12 =	vadd.s32 $0xA, v4;
	[tilespmem:$0xB0] =	vst v6;
	v11 =	vadd.s32 v0, v5  }
0x70: {  	v13 =	vadd.s32 v1, v5;
	[tilespmem:$0x460] =	vst v11  }
0x71: {  	v14 =	vadd.s32 v2, v5;
	[tilespmem:$0x470] =	vst v13  }
0x72: {  	v5 =	vadd.s32 v3, v5;
	[tilespmem:$0x480] =	vst v14  }
0x73: {  	[tilespmem:$0x490] =	vst v5  }
0x74: {  	v5 =	vld.idx.msk [tilespmem:v12+s3+$0x0], $0xffff;
	_ =	sdelay $0x4  }
0x75: {  	v15 =	vshll.u32 v5, $0x4;
	v5 =	vmul.u32 $0x3C, v5  }
0x76: {  	v6 =	vor.u32 v0, v15  }
0x77: {  	v17 =	vadd.s32 $0xB, v4;
	[tilespmem:$0xC0] =	vst v6;
	v16 =	vadd.s32 v0, v5  }
0x78: {  	v18 =	vadd.s32 v1, v5;
	[tilespmem:$0x4A0] =	vst v16  }
0x79: {  	v19 =	vadd.s32 v2, v5;
	[tilespmem:$0x4B0] =	vst v18  }
0x7a: {  	v5 =	vadd.s32 v3, v5;
	[tilespmem:$0x4C0] =	vst v19  }
0x7b: {  	[tilespmem:$0x4D0] =	vst v5  }
0x7c: {  	v5 =	vld.idx.msk [tilespmem:v17+s3+$0x0], $0xffff;
	_ =	sdelay $0x4  }
0x7d: {  	v20 =	vshll.u32 v5, $0x4;
	v5 =	vmul.u32 $0x3C, v5  }
0x7e: {  	v6 =	vor.u32 v0, v20  }
0x7f: {  	v22 =	vadd.s32 $0xC, v4;
	[tilespmem:$0xD0] =	vst v6;
	v21 =	vadd.s32 v0, v5  }
0x80: {  	v23 =	vadd.s32 v1, v5;
	[tilespmem:$0x4E0] =	vst v21  }
0x81: {  	v24 =	vadd.s32 v2, v5;
	[tilespmem:$0x4F0] =	vst v23  }
0x82: {  	v5 =	vadd.s32 v3, v5;
	[tilespmem:$0x500] =	vst v24  }
0x83: {  	[tilespmem:$0x510] =	vst v5  }
0x84: {  	v5 =	vld.idx.msk [tilespmem:v22+s3+$0x0], $0xffff;
	_ =	sdelay $0x4  }
0x85: {  	v25 =	vshll.u32 v5, $0x4;
	v5 =	vmul.u32 $0x3C, v5  }
0x86: {  	v6 =	vor.u32 v0, v25  }
0x87: {  	v27 =	vadd.s32 $0xD, v4;
	[tilespmem:$0xE0] =	vst v6;
	v26 =	vadd.s32 v0, v5  }
0x88: {  	v28 =	vadd.s32 v1, v5;
	[tilespmem:$0x520] =	vst v26  }
0x89: {  	v29 =	vadd.s32 v2, v5;
	[tilespmem:$0x530] =	vst v28  }
0x8a: {  	v5 =	vadd.s32 v3, v5;
	[tilespmem:$0x540] =	vst v29  }
0x8b: {  	[tilespmem:$0x550] =	vst v5  }
0x8c: {  	v5 =	vld.idx.msk [tilespmem:v27+s3+$0x0], $0xffff;
	_ =	sdelay $0x4  }
0x8d: {  	v30 =	vshll.u32 v5, $0x4;
	v5 =	vmul.u32 $0x3C, v5  }
0x8e: {  	v6 =	vor.u32 v0, v30  }
0x8f: {  	v32 =	vadd.s32 $0xE, v4;
	[tilespmem:$0xF0] =	vst v6;
	v31 =	vadd.s32 v0, v5  }
0x90: {  	v33 =	vadd.s32 v1, v5;
	[tilespmem:$0x560] =	vst v31  }
0x91: {  	v34 =	vadd.s32 v2, v5;
	[tilespmem:$0x570] =	vst v33  }
0x92: {  	v5 =	vadd.s32 v3, v5;
	[tilespmem:$0x580] =	vst v34  }
0x93: {  	[tilespmem:$0x590] =	vst v5  }
0x94: {  	v5 =	vld.idx.msk [tilespmem:v32+s3+$0x0], $0xffff;
	_ =	sdelay $0x4  }
0x95: {  	v35 =	vshll.u32 v5, $0x4;
	v5 =	vmul.u32 $0x3C, v5  }
0x96: {  	v6 =	vor.u32 v0, v35  }
0x97: {  	v37 =	vadd.s32 $0xF, v4;
	[tilespmem:$0x100] =	vst v6;
	v36 =	vadd.s32 v0, v5  }
0x98: {  	v38 =	vadd.s32 v1, v5;
	[tilespmem:$0x5A0] =	vst v36  }
0x99: {  	v39 =	vadd.s32 v2, v5;
	[tilespmem:$0x5B0] =	vst v38  }
0x9a: {  	v5 =	vadd.s32 v3, v5;
	[tilespmem:$0x5C0] =	vst v39  }
0x9b: {  	[tilespmem:$0x5D0] =	vst v5  }
0x9c: {  	v5 =	vld.idx.msk [tilespmem:v37+s3+$0x0], $0xffff;
	_ =	sdelay $0x4  }
0x9d: {  	v40 =	vshll.u32 v5, $0x4;
	v5 =	vmul.u32 $0x3C, v5  }
0x9e: {  	v6 =	vor.u32 v0, v40  }
0x9f: {  	v42 =	vadd.s32 $0x10, v4;
	[tilespmem:$0x110] =	vst v6;
	v41 =	vadd.s32 v0, v5  }
0xa0: {  	v43 =	vadd.s32 v1, v5;
	[tilespmem:$0x5E0] =	vst v41  }
0xa1: {  	v44 =	vadd.s32 v2, v5;
	[tilespmem:$0x5F0] =	vst v43  }
0xa2: {  	v5 =	vadd.s32 v3, v5;
	[tilespmem:$0x600] =	vst v44  }
0xa3: {  	[tilespmem:$0x610] =	vst v5  }
0xa4: {  	v5 =	vld.idx.msk [tilespmem:v42+s3+$0x0], $0xffff;
	_ =	sdelay $0x4  }
0xa5: {  	v45 =	vshll.u32 v5, $0x4;
	v5 =	vmul.u32 $0x3C, v5  }
0xa6: {  	v6 =	vor.u32 v0, v45  }
0xa7: {  	v47 =	vadd.s32 $0x11, v4;
	[tilespmem:$0x120] =	vst v6;
	v46 =	vadd.s32 v0, v5  }
0xa8: {  	v48 =	vadd.s32 v1, v5;
	[tilespmem:$0x620] =	vst v46  }
0xa9: {  	v49 =	vadd.s32 v2, v5;
	[tilespmem:$0x630] =	vst v48  }
0xaa: {  	v5 =	vadd.s32 v3, v5;
	[tilespmem:$0x640] =	vst v49  }
0xab: {  	[tilespmem:$0x650] =	vst v5  }
0xac: {  	v5 =	vld.idx.msk [tilespmem:v47+s3+$0x0], $0xffff;
	_ =	sdelay $0x4  }
0xad: {  	v50 =	vshll.u32 v5, $0x4;
	v5 =	vmul.u32 $0x3C, v5  }
0xae: {  	v6 =	vor.u32 v0, v50  }
0xaf: {  	v52 =	vadd.s32 $0x12, v4;
	[tilespmem:$0x130] =	vst v6;
	v51 =	vadd.s32 v0, v5  }
0xb0: {  	v53 =	vadd.s32 v1, v5;
	[tilespmem:$0x660] =	vst v51  }
0xb1: {  	v54 =	vadd.s32 v2, v5;
	[tilespmem:$0x670] =	vst v53  }
0xb2: {  	v5 =	vadd.s32 v3, v5;
	[tilespmem:$0x680] =	vst v54  }
0xb3: {  	[tilespmem:$0x690] =	vst v5  }
0xb4: {  	v5 =	vld.idx.msk [tilespmem:v52+s3+$0x0], $0xffff;
	_ =	sdelay $0x4  }
0xb5: {  	v55 =	vshll.u32 v5, $0x4;
	v5 =	vmul.u32 $0x3C, v5  }
0xb6: {  	v6 =	vor.u32 v0, v55  }
0xb7: {  	v57 =	vadd.s32 $0x13, v4;
	[tilespmem:$0x140] =	vst v6;
	v56 =	vadd.s32 v0, v5  }
0xb8: {  	v58 =	vadd.s32 v1, v5;
	[tilespmem:$0x6A0] =	vst v56  }
0xb9: {  	v59 =	vadd.s32 v2, v5;
	[tilespmem:$0x6B0] =	vst v58  }
0xba: {  	v5 =	vadd.s32 v3, v5;
	[tilespmem:$0x6C0] =	vst v59  }
0xbb: {  	[tilespmem:$0x6D0] =	vst v5  }
0xbc: {  	v5 =	vld.idx.msk [tilespmem:v57+s3+$0x0], $0xffff;
	_ =	sdelay $0x4  }
0xbd: {  	v60 =	vshll.u32 v5, $0x4;
	v5 =	vmul.u32 $0x3C, v5  }
0xbe: {  	v6 =	vor.u32 v0, v60  }
0xbf: {  	v62 =	vadd.s32 $0x14, v4;
	[tilespmem:$0x150] =	vst v6;
	v61 =	vadd.s32 v0, v5  }
0xc0: {  	v63 =	vadd.s32 v1, v5;
	[tilespmem:$0x6E0] =	vst v61  }
0xc1: {  	v9 =	vadd.s32 v2, v5;
	[tilespmem:$0x6F0] =	vst v63  }
0xc2: {  	v5 =	vadd.s32 v3, v5;
	[tilespmem:$0x700] =	vst v9  }
0xc3: {  	[tilespmem:$0x710] =	vst v5  }
0xc4: {  	v5 =	vld.idx.msk [tilespmem:v62+s3+$0x0], $0xffff;
	_ =	sdelay $0x4  }
0xc5: {  	v10 =	vshll.u32 v5, $0x4;
	v5 =	vmul.u32 $0x3C, v5  }
0xc6: {  	v6 =	vor.u32 v0, v10  }
0xc7: {  	v12 =	vadd.s32 $0x15, v4;
	[tilespmem:$0x160] =	vst v6;
	v11 =	vadd.s32 v0, v5  }
0xc8: {  	v13 =	vadd.s32 v1, v5;
	[tilespmem:$0x720] =	vst v11  }
0xc9: {  	v14 =	vadd.s32 v2, v5;
	[tilespmem:$0x730] =	vst v13  }
0xca: {  	v5 =	vadd.s32 v3, v5;
	[tilespmem:$0x740] =	vst v14  }
0xcb: {  	[tilespmem:$0x750] =	vst v5  }
0xcc: {  	v5 =	vld.idx.msk [tilespmem:v12+s3+$0x0], $0xffff;
	_ =	sdelay $0x4  }
0xcd: {  	v15 =	vshll.u32 v5, $0x4;
	v5 =	vmul.u32 $0x3C, v5  }
0xce: {  	v6 =	vor.u32 v0, v15  }
0xcf: {  	v17 =	vadd.s32 $0x16, v4;
	[tilespmem:$0x170] =	vst v6;
	v16 =	vadd.s32 v0, v5  }
0xd0: {  	v18 =	vadd.s32 v1, v5;
	[tilespmem:$0x760] =	vst v16  }
0xd1: {  	v19 =	vadd.s32 v2, v5;
	[tilespmem:$0x770] =	vst v18  }
0xd2: {  	v5 =	vadd.s32 v3, v5;
	[tilespmem:$0x780] =	vst v19  }
0xd3: {  	[tilespmem:$0x790] =	vst v5  }
0xd4: {  	v5 =	vld.idx.msk [tilespmem:v17+s3+$0x0], $0xffff;
	_ =	sdelay $0x4  }
0xd5: {  	v20 =	vshll.u32 v5, $0x4;
	v5 =	vmul.u32 $0x3C, v5  }
0xd6: {  	v6 =	vor.u32 v0, v20  }
0xd7: {  	v22 =	vadd.s32 $0x17, v4;
	[tilespmem:$0x180] =	vst v6;
	v21 =	vadd.s32 v0, v5  }
0xd8: {  	v23 =	vadd.s32 v1, v5;
	[tilespmem:$0x7A0] =	vst v21  }
0xd9: {  	v24 =	vadd.s32 v2, v5;
	[tilespmem:$0x7B0] =	vst v23  }
0xda: {  	v5 =	vadd.s32 v3, v5;
	[tilespmem:$0x7C0] =	vst v24  }
0xdb: {  	[tilespmem:$0x7D0] =	vst v5  }
0xdc: {  	v5 =	vld.idx.msk [tilespmem:v22+s3+$0x0], $0xffff;
	_ =	sdelay $0x4  }
0xdd: {  	v25 =	vshll.u32 v5, $0x4;
	v5 =	vmul.u32 $0x3C, v5  }
0xde: {  	v6 =	vor.u32 v0, v25  }
0xdf: {  	v27 =	vadd.s32 $0x18, v4;
	[tilespmem:$0x190] =	vst v6;
	v26 =	vadd.s32 v0, v5  }
0xe0: {  	v28 =	vadd.s32 v1, v5;
	[tilespmem:$0x7E0] =	vst v26  }
0xe1: {  	v29 =	vadd.s32 v2, v5;
	[tilespmem:$0x7F0] =	vst v28  }
0xe2: {  	v5 =	vadd.s32 v3, v5;
	[tilespmem:$0x800] =	vst v29  }
0xe3: {  	[tilespmem:$0x810] =	vst v5  }
0xe4: {  	v5 =	vld.idx.msk [tilespmem:v27+s3+$0x0], $0xffff;
	_ =	sdelay $0x4  }
0xe5: {  	v30 =	vshll.u32 v5, $0x4;
	v5 =	vmul.u32 $0x3C, v5  }
0xe6: {  	v6 =	vor.u32 v0, v30  }
0xe7: {  	v32 =	vadd.s32 $0x19, v4;
	[tilespmem:$0x1A0] =	vst v6;
	v31 =	vadd.s32 v0, v5  }
0xe8: {  	v33 =	vadd.s32 v1, v5;
	[tilespmem:$0x820] =	vst v31  }
0xe9: {  	v34 =	vadd.s32 v2, v5;
	[tilespmem:$0x830] =	vst v33  }
0xea: {  	v5 =	vadd.s32 v3, v5;
	[tilespmem:$0x840] =	vst v34  }
0xeb: {  	[tilespmem:$0x850] =	vst v5  }
0xec: {  	v5 =	vld.idx.msk [tilespmem:v32+s3+$0x0], $0xffff;
	_ =	sdelay $0x4  }
0xed: {  	v35 =	vshll.u32 v5, $0x4;
	v5 =	vmul.u32 $0x3C, v5  }
0xee: {  	v6 =	vor.u32 v0, v35  }
0xef: {  	v37 =	vadd.s32 $0x1A, v4;
	[tilespmem:$0x1B0] =	vst v6;
	v36 =	vadd.s32 v0, v5  }
0xf0: {  	v38 =	vadd.s32 v1, v5;
	[tilespmem:$0x860] =	vst v36  }
0xf1: {  	v39 =	vadd.s32 v2, v5;
	[tilespmem:$0x870] =	vst v38  }
0xf2: {  	v5 =	vadd.s32 v3, v5;
	[tilespmem:$0x880] =	vst v39  }
0xf3: {  	[tilespmem:$0x890] =	vst v5  }
0xf4: {  	v5 =	vld.idx.msk [tilespmem:v37+s3+$0x0], $0xffff;
	_ =	sdelay $0x4  }
0xf5: {  	v40 =	vshll.u32 v5, $0x4;
	v5 =	vmul.u32 $0x3C, v5  }
0xf6: {  	v6 =	vor.u32 v0, v40  }
0xf7: {  	v42 =	vadd.s32 $0x1B, v4;
	[tilespmem:$0x1C0] =	vst v6;
	v41 =	vadd.s32 v0, v5  }
0xf8: {  	v43 =	vadd.s32 v1, v5;
	[tilespmem:$0x8A0] =	vst v41  }
0xf9: {  	v44 =	vadd.s32 v2, v5;
	[tilespmem:$0x8B0] =	vst v43  }
0xfa: {  	v5 =	vadd.s32 v3, v5;
	[tilespmem:$0x8C0] =	vst v44  }
0xfb: {  	[tilespmem:$0x8D0] =	vst v5  }
0xfc: {  	v5 =	vld.idx.msk [tilespmem:v42+s3+$0x0], $0xffff;
	_ =	sdelay $0x4  }
0xfd: {  	v45 =	vshll.u32 v5, $0x4;
	v5 =	vmul.u32 $0x3C, v5  }
0xfe: {  	v6 =	vor.u32 v0, v45  }
0xff: {  	v47 =	vadd.s32 $0x1C, v4;
	[tilespmem:$0x1D0] =	vst v6;
	v46 =	vadd.s32 v0, v5  }
0x100: {  	v48 =	vadd.s32 v1, v5;
	[tilespmem:$0x8E0] =	vst v46  }
0x101: {  	v49 =	vadd.s32 v2, v5;
	[tilespmem:$0x8F0] =	vst v48  }
0x102: {  	v5 =	vadd.s32 v3, v5;
	[tilespmem:$0x900] =	vst v49  }
0x103: {  	[tilespmem:$0x910] =	vst v5  }
0x104: {  	v5 =	vld.idx.msk [tilespmem:v47+s3+$0x0], $0xffff;
	_ =	sdelay $0x4  }
0x105: {  	v50 =	vshll.u32 v5, $0x4;
	v5 =	vmul.u32 $0x3C, v5  }
0x106: {  	v6 =	vor.u32 v0, v50  }
0x107: {  	v52 =	vadd.s32 $0x1D, v4;
	[tilespmem:$0x1E0] =	vst v6;
	v51 =	vadd.s32 v0, v5  }
0x108: {  	v53 =	vadd.s32 v1, v5;
	[tilespmem:$0x920] =	vst v51  }
0x109: {  	v54 =	vadd.s32 v2, v5;
	[tilespmem:$0x930] =	vst v53  }
0x10a: {  	v5 =	vadd.s32 v3, v5;
	[tilespmem:$0x940] =	vst v54  }
0x10b: {  	[tilespmem:$0x950] =	vst v5  }
0x10c: {  	v5 =	vld.idx.msk [tilespmem:v52+s3+$0x0], $0xffff;
	_ =	sdelay $0x4  }
0x10d: {  	v55 =	vshll.u32 v5, $0x4;
	v5 =	vmul.u32 $0x3C, v5  }
0x10e: {  	v6 =	vor.u32 v0, v55  }
0x10f: {  	v57 =	vadd.s32 $0x1E, v4;
	[tilespmem:$0x1F0] =	vst v6;
	v56 =	vadd.s32 v0, v5  }
0x110: {  	v58 =	vadd.s32 v1, v5;
	[tilespmem:$0x960] =	vst v56  }
0x111: {  	v59 =	vadd.s32 v2, v5;
	[tilespmem:$0x970] =	vst v58  }
0x112: {  	v5 =	vadd.s32 v3, v5;
	[tilespmem:$0x980] =	vst v59  }
0x113: {  	[tilespmem:$0x990] =	vst v5  }
0x114: {  	v5 =	vld.idx.msk [tilespmem:v57+s3+$0x0], $0xffff;
	_ =	sdelay $0x4  }
0x115: {  	v60 =	vshll.u32 v5, $0x4;
	v5 =	vmul.u32 $0x3C, v5  }
0x116: {  	v6 =	vor.u32 v0, v60  }
0x117: {  	v4 =	vadd.s32 $0x1F, v4;
	[tilespmem:$0x200] =	vst v6;
	v61 =	vadd.s32 v0, v5  }
0x118: {  	v62 =	vadd.s32 v1, v5;
	[tilespmem:$0x9A0] =	vst v61  }
0x119: {  	v63 =	vadd.s32 v2, v5;
	[tilespmem:$0x9B0] =	vst v62  }
0x11a: {  	v5 =	vadd.s32 v3, v5;
	[tilespmem:$0x9C0] =	vst v63  }
0x11b: {  	[tilespmem:$0x9D0] =	vst v5  }
0x11c: {  	v4 =	vld.idx.msk [tilespmem:v4+s3+$0x0], $0xffff;
	_ =	sdelay $0x4  }
0x11d: {  	v5 =	vshll.u32 v4, $0x4;
	v4 =	vmul.u32 $0x3C, v4  }
0x11e: {  	v5 =	vor.u32 v0, v5  }
0x11f: {  	[tilespmem:$0x210] =	vst v5;
	v5 =	vadd.s32 v0, v4  }
0x120: {  	[tilespmem:$0x9E0] =	vst v5;
	v5 =	vadd.s32 v1, v4  }
0x121: {  	[tilespmem:$0x9F0] =	vst v5;
	v5 =	vadd.s32 v2, v4  }
0x122: {  	v4 =	vadd.s32 v3, v4;
	[tilespmem:$0xA00] =	vst v5  }
0x123: {  	[tilespmem:$0xA10] =	vst v4  }
0x124: {  	_ =	swait.ge [sflag:s19], $0x4000  }
0x125: {  	[sflag:s19] =	ssyncset.done $0x0  }
0x126: {  	[sflag:s19] =	ssyncadd.s32 $0xFFFFC000  }
0x127: {  	[tilespmem:s21], [sflag:$0x1] =	stream.indirect.gather [hbm4b:s4+s20], $0x200, s17, s20, $0xb8;
	[tilespmem:$0x19420] =	vst v63  }
0x128: {  	s9 =	simm.s32 $0x220  }
0x129: {  	[tilespmem:s23], [sflag:$0x1] =	stream.indirect.gather [hbm4b:s5+s0], $0x200, s9, s0, $0xb8;
	[tilespmem:$0x19420] =	vst v63  }
0x12a: {  	s10 =	simm.s32 $0x30  }
0x12b: {  	[tilespmem:s25], [sflag:$0x2] =	stream.indirect.gather [hbm4b:s4+s20], $0x200, s10, s20, $0xb8;
	[tilespmem:$0x19420] =	vst v63  }
0x12c: {  	s11 =	simm.s32 $0x260  }
0x12d: {  	[tilespmem:s28], [sflag:$0x2] =	stream.indirect.gather [hbm4b:s5+s0], $0x200, s11, s0, $0xb8;
	[tilespmem:$0x19420] =	vst v63  }
0x12e: {  	_ =	swait.ge [sflag:s29], $0xA000  }
0x12f: {  	[sflag:s29] =	ssyncset.done $0x0  }
0x130: {  	s22 =	sadd.s32 $0x0, s14;
	[sflag:s29] =	ssyncadd.s32 $0xFFFF6000  }
0x131: {  	[hbm4b:s22+s3] =	stream.linear.scatter [tilespmem:s8], [sflag:$0x3], $0x200, $0x38;
	[tilespmem:$0x19420] =	vst v63  }
0x132: {  	s7 =	sadd.s32 $0x40, s22  }
0x133: {  	[hbm4b:s7+s3] =	stream.linear.scatter [tilespmem:s21], [sflag:$0x3], $0x9800, $0x38;
	[tilespmem:$0x19420] =	vst v63  }
0x134: {  	_ =	swait.ge [sflag:s30], $0xA000  }
0x135: {  	[sflag:s30] =	ssyncset.done $0x0  }
0x136: {  	s9 =	simm.s32 $0x1620;
	s8 =	sadd.s32 $0x1340, s22;
	[sflag:s30] =	ssyncadd.s32 $0xFFFF6000  }
0x137: {  	[hbm4b:s8+s3] =	stream.linear.scatter [tilespmem:s9], [sflag:$0x4], $0x200, $0x38;
	[tilespmem:$0x19420] =	vst v63  }
0x138: {  	s10 =	sadd.s32 $0x0, s15  }
0x139: {  	[hbm4b:s10+s3] =	stream.linear.scatter [tilespmem:s25], [sflag:$0x4], $0x9800, $0x38;
	[tilespmem:$0x19420] =	vst v63  }
0x13a: {  	_ =	swait.ge [sflag:s31], $0x9A00  }
0x13b: {  	[sflag:s31] =	ssyncset.done $0x0  }
0x13c: {  	[sflag:s31] =	ssyncadd.s32 $0xFFFF6600  }
0x13d: {  	[tilespmem:s21], [sflag:$0x1] =	stream.indirect.gather [hbm4b:s4+s20], $0x200, s0, s20, $0xb8;
	[tilespmem:$0x19420] =	vst v63  }
0x13e: {  	s11 =	simm.s32 $0x2A0  }
0x13f: {  	[tilespmem:s23], [sflag:$0x1] =	stream.indirect.gather [hbm4b:s5+s0], $0x200, s11, s0, $0xb8;
	[tilespmem:$0x19420] =	vst v63  }
0x140: {  	_ =	swait.ge [sflag:s2], $0x9A00  }
0x141: {  	s1 =	simm.s32 $0x2680;
	[sflag:s2] =	ssyncset.done $0x0  }
0x142: {  	s6 =	simm.s32 $0x1820;
	s22 =	simm.s32 $0x50;
	[sflag:s2] =	ssyncadd.s32 $0xFFFF6600  }
0x143: {  	[tilespmem:s25], [sflag:$0x2] =	stream.indirect.gather [hbm4b:s4+s20], $0x200, s22, s20, $0xb8;
	[tilespmem:$0x19420] =	vst v63  }
0x144: {  	s7 =	simm.s32 $0x60;
	s8 =	simm.s32 $0x2E0;
	s22 =	simm.s32 $0x320  }
.LBB2_2:
0x145: {  	[tilespmem:s28], [sflag:$0x2] =	stream.indirect.gather [hbm4b:s5+s0], $0x200, s8, s0, $0xb8;
	[tilespmem:$0x19420] =	vst v63  }
0x146: {  	s8 =	smov.u32 s1;
	s9 =	smov.u32 s22  }
0x147: {  	p0 =	sne.s32 s1, $0x21B00;
	s1 =	sadd.s32 $0x2680, s1;
	_ =	swait.ge [sflag:s29], $0xA000  }
0x148: {  	[sflag:s29] =	ssyncset.done $0x0  }
0x149: {  	s10 =	sadd.s32 s8, s14;
	[sflag:s29] =	ssyncadd.s32 $0xFFFF6000  }
0x14a: {  	[hbm4b:s10+s3] =	stream.linear.scatter [tilespmem:s6], [sflag:$0x3], $0x200, $0x38;
	[tilespmem:$0x19420] =	vst v63  }
0x14b: {  	s11 =	sadd.s32 $0x40, s10  }
0x14c: {  	[hbm4b:s11+s3] =	stream.linear.scatter [tilespmem:s21], [sflag:$0x3], $0x9800, $0x38;
	[tilespmem:$0x19420] =	vst v63  }
0x14d: {  	_ =	swait.ge [sflag:s30], $0xA000  }
0x14e: {  	[sflag:s30] =	ssyncset.done $0x0  }
0x14f: {  	s10 =	sadd.s32 $0x1340, s10;
	s11 =	sadd.s32 $0x200, s6;
	[sflag:s30] =	ssyncadd.s32 $0xFFFF6000  }
0x150: {  	[hbm4b:s10+s3] =	stream.linear.scatter [tilespmem:s11], [sflag:$0x4], $0x200, $0x38;
	[tilespmem:$0x19420] =	vst v63  }
0x151: {  	s8 =	sadd.s32 s8, s15  }
0x152: {  	[hbm4b:s8+s3] =	stream.linear.scatter [tilespmem:s25], [sflag:$0x4], $0x9800, $0x38;
	[tilespmem:$0x19420] =	vst v63  }
0x153: {  	_ =	swait.ge [sflag:s31], $0x9A00  }
0x154: {  	[sflag:s31] =	ssyncset.done $0x0  }
0x155: {  	[sflag:s31] =	ssyncadd.s32 $0xFFFF6600  }
0x156: {  	[tilespmem:s21], [sflag:$0x1] =	stream.indirect.gather [hbm4b:s4+s20], $0x200, s7, s20, $0xb8;
	[tilespmem:$0x19420] =	vst v63  }
0x157: {  	_ = 	snop  }
0x158: {  	[tilespmem:s23], [sflag:$0x1] =	stream.indirect.gather [hbm4b:s5+s0], $0x200, s22, s0, $0xb8;
	[tilespmem:$0x19420] =	vst v63  }
.Ltmp0:
0x159: {  	_ =	swait.ge [sflag:s2], $0x9A00;
	(pc) =	sbr.rel @p0 .LBB2_2-.Ltmp0, $4  }
0x15a: {  	[sflag:s2] =	ssyncset.done $0x0  }
0x15b: {  	s8 =	sadd.s32 $0x10, s7;
	s22 =	sadd.s32 $0x80, s22;
	[sflag:s2] =	ssyncadd.s32 $0xFFFF6600  }
0x15c: {  	[tilespmem:s25], [sflag:$0x2] =	stream.indirect.gather [hbm4b:s4+s20], $0x200, s8, s20, $0xb8;
	[tilespmem:$0x19420] =	vst v63  }
0x15d: {  	s6 =	sadd.s32 $0x400, s6;
	s7 =	sadd.s32 $0x20, s7;
	s8 =	sadd.s32 $0x40, s9  }
0x15e: {  	[tilespmem:s28], [sflag:$0x2] =	stream.indirect.gather [hbm4b:s5+s0], $0x200, s8, s0, $0xb8;
	[tilespmem:$0x19420] =	vst v63  }
0x15f: {  	_ =	swait.ge [sflag:s29], $0xA000  }
0x160: {  	[sflag:s29] =	ssyncset.done $0x0  }
0x161: {  	s6 =	simm.s32 $0x5020;
	s1 =	rddreg [dreg:$0xa];
	[sflag:s29] =	ssyncadd.s32 $0xFFFF6000  }
0x162: {  	[hbm4b:s1+s3] =	stream.linear.scatter [tilespmem:s6], [sflag:$0x3], $0x200, $0x38;
	[tilespmem:$0x19420] =	vst v63  }
0x163: {  	s9 =	rddreg [dreg:$0xb]  }
0x164: {  	[hbm4b:s9+s3] =	stream.linear.scatter [tilespmem:s21], [sflag:$0x3], $0x9800, $0x38;
	[tilespmem:$0x19420] =	vst v63  }
0x165: {  	_ =	swait.ge [sflag:s30], $0xA000  }
0x166: {  	[sflag:s30] =	ssyncset.done $0x0  }
0x167: {  	s10 =	simm.s32 $0x5220;
	[sflag:s30] =	ssyncadd.s32 $0xFFFF6000  }
0x168: {  	[hbm4b:s12+s3] =	stream.linear.scatter [tilespmem:s10], [sflag:$0x4], $0x200, $0x38;
	[tilespmem:$0x19420] =	vst v63  }
0x169: {  	_ = 	snop  }
0x16a: {  	[hbm4b:s13+s3] =	stream.linear.scatter [tilespmem:s25], [sflag:$0x4], $0x9800, $0x38;
	[tilespmem:$0x19420] =	vst v63  }
0x16b: {  	_ =	swait.ge [sflag:s31], $0x9A00  }
0x16c: {  	[sflag:s31] =	ssyncset.done $0x0  }
0x16d: {  	[sflag:s31] =	ssyncadd.s32 $0xFFFF6600  }
0x16e: {  	_ =	swait.ge [sflag:s2], $0x9A00  }
0x16f: {  	[sflag:s2] =	ssyncset.done $0x0  }
0x170: {  	[sflag:s2] =	ssyncadd.s32 $0xFFFF6600  }
0x171: {  	_ =	swait.ge [sflag:s24], $0xA00  }
0x172: {  	[sflag:s24] =	ssyncset.done $0x0  }
0x173: {  	s11 =	rddreg [dreg:$0x8];
	[sflag:s24] =	ssyncadd.s32 $0xFFFFF600  }
0x174: {  	[hbm4b:s11+s3] =	stream.linear.scatter [tilespmem:s18], [sflag:$0x5], $0xA00, $0x38;
	[tilespmem:$0x19420] =	vst v63  }
0x175: {  	_ =	swait.ge [sflag:s24], $0xA00  }
0x176: {  	s26 =	sadd.s32 $0x1, s26;
	s22 =	rddreg [dreg:$0x9]  }
0x177: {  	p0 =	sne.s32 s26, s22  }
.Ltmp1:
0x178: {  	_ = 	snop;
	(pc) =	sbr.rel @p0 .LBB2_1-.Ltmp1, $3  }
0x179: {  	_ =	sdelay $0x1  }
0x17a: {  	[sflag:s24] =	ssyncset.done $0x0  }
0x17b: {  	[sflag:s24] =	ssyncadd.s32 $0xFFFFF600  }
0x17c: {  	_ =	sfence.sel $0x180000  }
0x17d: {  	[bflag:$0x0] =	sbarrier.arrive $0xFFFF  }
0x17e: {  	_ =	strace $0x90000047  }
0x17f: {  	s0 =	stileid.u32;
	[bflag:$0x2] =	sbarrier.arrive $0xFFFF  }
0x180: {  	p0 =	sne.s32 s0, $0x0;
	s0 =	rddreg [dreg:$0x5]  }
0x181: {  	s0 =	sadd.s32 @!p0 $0x100000, s0  }
0x182: {  	[sflag:s0] =	ssyncadd.tile.s32 @!p0 $0x1;
	_ =	shalt  }
.Lfunc_end2:
_tile_overlayer_lowered:
.L_overlay_start_2:
0x183: {  	(tag) =	ssettag $0x2  }
0x184: {  	s0 =	rddreg [dreg:$0x0];
	s2 =	stileid.u32  }
0x185: {  	s1 =	rddreg [dreg:$0x1];
	p0 =	sne.s32 s2, $0x0  }
0x186: {  	s3 =	rddreg [dreg:$0x2];
	[bflag:$0x3] =	sbarrier.arrive $0xFFFF;
	s2 =	simm.s32 @!p0 $0x1C07  }
0x187: {  	[timem:s3], [sflag:s2] =	dma.local @!p0 [hbm:s0], s1  }
0x188: {  	s0 =	simm.s32 @!p0 $0x7  }
0x189: {  	_ =	swait.ge @!p0 [sflag:s0], s1  }
0x18a: {  	s1 =	ssub.s32 @!p0 $0x0, s1;
	[sflag:s0] =	ssyncset.done @!p0 $0x0  }
0x18b: {  	[sflag:s0] =	ssyncadd.s32 @!p0 s1  }
0x18c: {  	[bflag:$0x3] =	sbarrier.arrive $0xFFFF  }
0x18d: {  	_ =	shalt  }

// kernel: sparse-core-data-format-call.cloned.1.call-start
scs
called_computation_lowered:
.L_overlay_start_0:
0x0: {  	s2 =	sld [smem:$0x3FD9]  }
0x1: {  	s3 =	sld [smem:$0x3FFE];
	_ =	sdelay $0x1  }
0x2: {  	s1 =	srdreg.scid  }
0x3: {  	s0 =	sand.u32 $0x1, s1  }
0x4: {  	s15 =	sshll.u32 s0, $0xA;
	s2 =	sadd.s32 s3, s2  }
0x5: {  	s2 =	sadd.s32 s2, s15  }
0x6: {  	[smem:$0x3FC3] =	sst s2  }
0x7: {  	_ = 	snop  }
0x8: {  	s2 =	sld [smem:$0x3FD0];
	_ =	sdelay $0x2  }
0x9: {  	s16 =	simm.s32 $0xA;
	s4 =	simm.s32 $0x10  }
0xa: {  	[smem:s4], [sflag:s16] =	dma.local [hbm:s2], $0x1  }
0xb: {  	_ =	swait.eq [sflag:s16], $0x1  }
0xc: {  	[sflag:s16] =	ssyncset.done $0x0  }
0xd: {  	[sflag:s16] =	ssyncadd.s32 $0xFFFFFFFF  }
0xe: {  	s17 =	sld [smem:$0x10];
	(tm) =	ssettm $0x1  }
0xf: {  	s18 =	sld [smem:$0x3FFB];
	_ =	sdelay $0x3  }
0x10: {  	_ =	strace s18  }
0x11: {  	s3 =	sld [smem:$0x3FFC];
	_ =	sdelay $0x3  }
0x12: {  	_ =	strace s3  }
0x13: {  	s3 =	sld [smem:$0x3FFD];
	_ =	sdelay $0x3  }
0x14: {  	_ =	strace s3  }
0x15: {  	_ =	strace $0x8FFFFFFF  }
0x16: {  	s19 =	sld [smem:$0x3FDB];
	_ =	sdelay $0x1  }
0x17: {  	s20 =	simm.s32 $_scs_section_size  }
0x18: {  	s5 =	simm.s32 $_size__tile_overlayer_lowered;
	s6 =	simm.s32 $_tile_overlayer_lowered  }
0x19: {  	s23 =	simm.s32 $0x1BFF;
	s22 =	sshll.u32 s6, $0x1;
	s3 =	sadd.s32 s20, s19  }
0x1a: {  	s7 =	simm.s32 $0x0;
	s21 =	sshll.u32 s5, $0x1;
	s5 =	sadd.s32 s22, s3  }
0x1b: {  	[timem:s7], [sflag:s23] =	dma.local [hbm:s5], s21  }
0x1c: {  	_ =	swait.ge [sflag:s23], s21  }
0x1d: {  	s4 =	ssub.s32 $0x0, s21;
	[sflag:s23] =	ssyncset.done $0x0  }
0x1e: {  	[sflag:s23] =	ssyncadd.s32 s4;
	_ =	sdelay $0x1  }
0x1f: {  	s24 =	simm.s32 $0x1B8B  }
0x20: {  	_ =	swait.ge [sflag:s24], $0x1  }
0x21: {  	[sflag:s24] =	ssyncset.done $0x0  }
0x22: {  	s26 =	simm.s32 $0x1B8E;
	s25 =	sld [smem:$0x3FFE];
	[sflag:s24] =	ssyncadd.s32 $0xFFFFFFFF  }
0x23: {  	s27 =	simm.s32 $execute0_lowered;
	[smem:$0x3FD2] =	sst s26  }
0x24: {  	s5 =	sshll.u32 s27, $0x1;
	_ =	strace $0x80000049;
	[dreg:$0x1] =	wrdreg $0xFFFFFFFF  }
0x25: {  	s28 =	simm.s32 $_size_execute0_lowered;
	s3 =	sadd.s32 s3, s5;
	[dreg:$0x0] =	wrdreg $0x0  }
0x26: {  	s5 =	sshll.u32 s28, $0x1;
	[dreg:$0x2] =	wrdreg s3  }
0x27: {  	[dreg:$0x3] =	wrdreg s5  }
0x28: {  	[dreg:$0x4] =	wrdreg $0xC0  }
0x29: {  	_ =	task [dreg:s7], $0x5FFFF  }
0x2a: {  	[dreg:$0x1] =	wrdreg $0xFFFFFFFF  }
0x2b: {  	[dreg:$0x0] =	wrdreg $0x60  }
0x2c: {  	[dreg:$0x2] =	wrdreg s25  }
0x2d: {  	[dreg:$0x3] =	wrdreg s17  }
0x2e: {  	[dreg:$0x4] =	wrdreg $0x9  }
0x2f: {  	_ =	task.clear_ibuf [dreg:s7], $0x5FFFF;
	_ =	strace $0x90000049  }
0x30: {  	s29 =	simm.s32 $0x9;
	_ =	strace $0x8000004B  }
0x31: {  	_ =	swait.ge [sflag:s29], $0x1  }
0x32: {  	[sflag:s29] =	ssyncadd.s32 $0xFFFFFFFF  }
0x33: {  	_ =	strace $0x9000004B  }
0x34: {  	_ =	sfence  }
0x35: {  	s30 =	sld [smem:$0x0];
	_ =	sdelay $0x2  }
0x36: {  	s31 =	sshll.u32 s1, $0xD;
	s1 =	sshrl.u32 s1, $0x2  }
0x37: {  	s3 =	sand.u32 $0x4000, s31;
	s1 =	sadd.s32 s1, s30  }
0x38: {  	s0 =	sor.u32 s3, s0;
	s1 =	sshll.u32 s1, $0x11  }
0x39: {  	s0 =	sor.u32 s1, s0  }
0x3a: {  	s0 =	sadd.s32 $0x8F2B, s0  }
0x3b: {  	[sflag:s0] =	ssyncadd.remote.s32 $0x1  }
0x3c: {  	_ =	sfence.sel $0xFFFF  }
0x3d: {  	[dreg:$0x0] =	wrdreg $0xFFFFFFFF;
	(pc) =	sbr.abs _section_cstart, $3  }
0x3e: {  	[dreg:$0x1] =	wrdreg $0xFFFFFFFF  }
0x3f: {  	_ =	task.clear_ibuf [dreg:s7], $0x2FFFF;
	_ =	strace $0x9FFFFFFF  }
0x40: {  	(tm) =	ssettm $0x7FFFFFFF  }
0x41: {  	_ =	shalt  }
tec
execute0_lowered:
.L_overlay_start_1:
0x0: {  	(tag) =	ssettag $0x1  }
0x1: {  	s0 =	srdreg.scid  }
0x2: {  	s1 =	sshll.u32 s0, $0x4  }
0x3: {  	s8 =	rddreg [dreg:$0x0];
	s0 =	stileid.u32;
	s1 =	sand.u32 $0x10, s1  }
0x4: {  	s3 =	rddreg [dreg:$0x1];
	s29 =	sshll.u32 s0, $0x7;
	s7 =	sor.u32 s0, s1  }
0x5: {  	s30 =	simm.s32 $0x2;
	s1 =	sand.u32 $0x380, s29;
	s2 =	sshll.u32 s7, $0x4  }
0x6: {  	s18 =	simm.s32 $0x0;
	s4 =	ssub.s32 $0x400, s1;
	s2 =	sand.u32 $0x180, s2  }
0x7: {  	s11 =	simm.s32 $0x1000;
	s5 =	sand.u32 $0x380, s4;
	s6 =	ssub.s32 $0x200, s2  }
0x8: {  	p0 =	sne.s32 s5, $0x0;
	s5 =	simm.s32 $0x1;
	s9 =	sand.u32 $0x180, s6  }
0x9: {  	s5 =	simm.s32 @!p0 $0x0;
	p0 =	sne.s32 s9, $0x0;
	s9 =	simm.s32 $0x1  }
0xa: {  	s10 =	sshrl.u32 s4, $0xA;
	s6 =	sshrl.u32 s6, $0x9;
	s9 =	simm.s32 @!p0 $0x0  }
0xb: {  	s12 =	simm.s32 $0x0;
	s10 =	sadd.s32 s5, s10;
	s6 =	sadd.s32 s9, s6  }
0xc: {  	s16 =	simm.s32 $0x0;
	s17 =	simm.s32 $0x0;
	s6 =	smul.u32 s6, s10  }
.Ltmp0:
0xd: {  	s13 =	simm.s32 $0x0;
	s15 =	simm.s32 $0x0;
	(pc) =	sbr.rel .LBB1_1-.Ltmp0, $4  }
0xe: {  	s31 =	sshll.u32 s7, $0x7;
	s7 =	sadd.s32 $0xE00, s8;
	s4 =	rddreg [dreg:$0x2]  }
0xf: {  	_ =	strace $0x8000004A;
	s5 =	simm.s32 $0x1;
	s6 =	smul.u32 $0x4D, s6  }
0x10: {  	s14 =	smov.u32 s1;
	s8 =	sand.u32 $0xC00, s31;
	[sflag:s5] =	ssyncpa.u1 $0x0  }
0x11: {  	[sflag:s30] =	ssyncpa.u1 $0x0;
	s10 =	simm.s32 $0x400;
	s9 =	sadd.s32 $0x1, s6  }
.LBB1_4:
0x12: {  	_ =	sdelay $0x3  }
0x13: {  	[tilespmem:v0+s21+$0xFFFFFFD0 ss:$0x1] =	vst.idx.msk $0xffff, v6  }
0x14: {  	v56 =	vld.idx.msk [tilespmem:v1+s20+$0x0 ss:$0x1], $0xffff;
	[tilespmem:v0+s21+$0xFFFFFFE0 ss:$0x1] =	vst.idx.msk $0xffff, v4  }
0x15: {  	v57 =	vld.idx.msk [tilespmem:v1+s20+$0xFFFFFF90 ss:$0x1], $0xffff;
	[tilespmem:v0+s21+$0xFFFFFFF0 ss:$0x1] =	vst.idx.msk $0xffff, v2  }
0x16: {  	v58 =	vld.idx.msk [tilespmem:v1+s20+$0xFFFFFFA0 ss:$0x1], $0xffff;
	[tilespmem:v0+s21+$0x0 ss:$0x1] =	vst.idx.msk $0xffff, v3  }
0x17: {  	v59 =	vld.idx.msk [tilespmem:v1+s20+$0xFFFFFFB0 ss:$0x1], $0xffff;
	[tilespmem:v0+s21+$0x10 ss:$0x1] =	vst.idx.msk $0xffff, v5  }
0x18: {  	v60 =	vld.idx.msk [tilespmem:v1+s20+$0xFFFFFFC0 ss:$0x1], $0xffff;
	[tilespmem:v0+s21+$0x20 ss:$0x1] =	vst.idx.msk $0xffff, v7  }
0x19: {  	v61 =	vld.idx.msk [tilespmem:v1+s20+$0xFFFFFFD0 ss:$0x1], $0xffff;
	[tilespmem:v0+s20+$0x30 ss:$0x1] =	vst.idx.msk $0xffff, v56  }
0x1a: {  	v62 =	vld.idx.msk [tilespmem:v1+s20+$0xFFFFFFE0 ss:$0x1], $0xffff;
	s29 =	sshll.u32 s17, $0x9;
	[tilespmem:v0+s20+$0xFFFFFFC0 ss:$0x1] =	vst.idx.msk $0xffff, v57  }
0x1b: {  	v63 =	vld.idx.msk [tilespmem:v1+s20+$0xFFFFFFF0 ss:$0x1], $0xffff;
	s18 =	sshll.u32 s18, $0x3;
	s22 =	sshll.u32 s17, $0x7;
	s21 =	sand.u32 $0x7F000, s29;
	[tilespmem:v0+s20+$0xFFFFFFD0 ss:$0x1] =	vst.idx.msk $0xffff, v58  }
0x1c: {  	s30 =	sand.u32 $0x200, s22;
	s18 =	sor.u32 s21, s18;
	[tilespmem:v0+s20+$0xFFFFFFE0 ss:$0x1] =	vst.idx.msk $0xffff, v59  }
0x1d: {  	s16 =	sshll.u32 s16, $0x10;
	s31 =	sshll.u32 s17, $0x4;
	s18 =	sor.u32 s30, s18;
	[tilespmem:v0+s20+$0xFFFFFFF0 ss:$0x1] =	vst.idx.msk $0xffff, v60  }
0x1e: {  	s17 =	sand.u32 $0x30, s31;
	s16 =	sadd.s32 s3, s16;
	s18 =	sshrl.u32 s18, $0x3;
	[tilespmem:v0+s20+$0x0 ss:$0x1] =	vst.idx.msk $0xffff, v61  }
0x1f: {  	s16 =	sadd.s32 s17, s16;
	[tilespmem:v0+s20+$0x10 ss:$0x1] =	vst.idx.msk $0xffff, v62;
	s18 =	sand.u32 $0xFFC0, s18  }
0x20: {  	[tilespmem:v0+s20+$0x20 ss:$0x1] =	vst.idx.msk $0xffff, v63;
	s16 =	sadd.s32 s18, s16  }
0x21: {  	[hbm4b:s16+s10] =	stream.strided.scatter [tilespmem:s19], [sflag:$0x2], $0x4000, s11, s10, $0x38;
	[tilespmem:$0x10000] =	vst v63  }
.LBB1_5:
0x22: {  	s19 =	sadd.s32 $0x1, s13  }
0x23: {  	s16 =	sadd.s32 $0x400, s14;
	s20 =	smov.u32 s14;
	p1 =	sgt.s32 s19, $0x4C  }
0x24: {  	s20 =	smov.u32 @p1 s16  }
0x25: {  	s19 =	simm.s32 @p1 $0x0;
	p1 =	sgt.s32 s20, $0x3FF  }
0x26: {  	s20 =	smov.u32 @p1 s1;
	p1 =	sne.s32 s15, s9  }
.Ltmp1:
0x27: {  	p0 =	slt.u32 s15, $0x2;
	(pc) =	sbr.rel @!p1 .LBB1_6-.Ltmp1, $4  }
0x28: {  	s17 =	smov.u32 s14;
	s18 =	simm.s32 @!p0 $0x2  }
0x29: {  	s12 =	sadd.s32 $0x4000, s12;
	_ =	swait.ge @!p0 [sflag:s18], $0x4000;
	s16 =	smov.u32 s13  }
0x2a: {  	[sflag:s18] =	ssyncset.done @!p0 $0x0;
	s13 =	smov.u32 s19;
	s15 =	sadd.s32 $0x1, s15  }
0x2b: {  	[sflag:s18] =	ssyncadd.s32 @!p0 $0xFFFFC000;
	s18 =	smov.u32 s2;
	s14 =	smov.u32 s20  }
.LBB1_1:
0x2c: {  	p0 =	sge.u32 s15, s6  }
0x2d: {  	s19 =	sshll.u32 @!p0 s13, $0x9  }
0x2e: {  	s20 =	sshll.u32 @!p0 s13, $0x7;
	s19 =	sand.u32 @!p0 $0xFFFFF000, s19  }
0x2f: {  	s20 =	sand.u32 @!p0 $0x200, s20;
	s19 =	sor.u32 @!p0 s8, s19  }
0x30: {  	s19 =	sor.u32 @!p0 s20, s19  }
0x31: {  	s19 =	sshrl.u32 @!p0 s19, $0x9  }
0x32: {  	s20 =	smulhi.u32 @!p0 $0x3333334, s19;
	_ =	sdelay $0x1  }
0x33: {  	s20 =	smul.u32 @!p0 $0x50, s20  }
0x34: {  	s31 =	sadd.s32 $0xFFFFFFFF, s15;
	s21 =	smul.u32 @!p0 $0x1400, s14  }
0x35: {  	s22 =	sxor.u32 @!p0 $0xFFFFFFFF, s15;
	s19 =	ssub.s32 @!p0 s19, s20;
	s20 =	sshll.u32 @!p0 s13, $0x4  }
0x36: {  	s22 =	sshll.u32 @!p0 s22, $0xE;
	s21 =	sadd.s32 @!p0 s7, s21;
	s20 =	sand.u32 @!p0 $0x30, s20  }
0x37: {  	s22 =	sand.u32 @!p0 $0x4000, s22;
	s19 =	sshll.u32 @!p0 s19, $0x6;
	s20 =	sadd.s32 @!p0 s20, s21  }
0x38: {  	s21 =	simm.s32 @!p0 $0xA000;
	s19 =	sadd.s32 @!p0 s19, s20;
	s20 =	simm.s32 @!p0 $0x80  }
0x39: {  	[tilespmem:s22], [sflag:$0x1] =	stream.strided.gather @!p0 [hbm4b:s19+s20], $0x4000, s21, s20, $0x38;
	[tilespmem:$0x10000] =	vst v63  }
0x3a: {  	p0 =	sge.u32 s31, s6  }
.Ltmp2:
0x3b: {  	_ = 	snop;
	(pc) =	sbr.rel @p0 .LBB1_5-.Ltmp2, $1  }
0x3c: {  	_ =	sdelay $0x3  }
0x3d: {  	s19 =	sand.u32 $0x4000, s12  }
0x3e: {  	s20 =	sor.u32 $0x70, s19  }
0x3f: {  	v1 =	vmov s20;
	_ =	sdelay $0x1  }
0x40: {  	_ =	swait.ge [sflag:s5], $0x4000  }
0x41: {  	[sflag:s5] =	ssyncset.done $0x0  }
0x42: {  	s21 =	simm.s32 $0x0;
	[sflag:s5] =	ssyncadd.s32 $0xFFFFC000  }
0x43: {  	s19 =	sor.u32 $0x8040, s19;
	v7 =	vld.idx.msk [tilespmem:v1+s21+$0x0 ss:$0x1], $0xffff  }
0x44: {  	v0 =	vmov s19;
	v8 =	vld.idx.msk [tilespmem:v1+s21+$0xFFFFFF90 ss:$0x1], $0xffff  }
0x45: {  	v6 =	vld.idx.msk [tilespmem:v1+s21+$0xFFFFFFA0 ss:$0x1], $0xffff  }
0x46: {  	v4 =	vld.idx.msk [tilespmem:v1+s21+$0xFFFFFFB0 ss:$0x1], $0xffff  }
0x47: {  	v2 =	vld.idx.msk [tilespmem:v1+s21+$0xFFFFFFC0 ss:$0x1], $0xffff  }
0x48: {  	s31 =	sshll.u32 s15, $0xE;
	v3 =	vld.idx.msk [tilespmem:v1+s21+$0xFFFFFFD0 ss:$0x1], $0xffff  }
0x49: {  	s19 =	sand.u32 $0x4000, s31;
	v5 =	vld.idx.msk [tilespmem:v1+s21+$0xFFFFFFE0 ss:$0x1], $0xffff;
	[tilespmem:v0+s21+$0x30 ss:$0x1] =	vst.idx.msk $0xffff, v7  }
0x4a: {  	s22 =	simm.s32 $0x400;
	s20 =	simm.s32 $0x80;
	s19 =	sor.u32 $0x8000, s19;
	[tilespmem:v0+s21+$0xFFFFFFC0 ss:$0x1] =	vst.idx.msk $0xffff, v8;
	v7 =	vld.idx.msk [tilespmem:v1+s21+$0xFFFFFFF0 ss:$0x1], $0xffff  }
.LBB1_3:
0x4b: {  	p0 =	sne.s32 s22, $0xFE00;
	v8 =	vld.idx.msk [tilespmem:v1+s20+$0x0 ss:$0x1], $0xffff;
	[tilespmem:v0+s21+$0xFFFFFFD0 ss:$0x1] =	vst.idx.msk $0xffff, v6  }
0x4c: {  	v9 =	vld.idx.msk [tilespmem:v1+s20+$0xFFFFFF90 ss:$0x1], $0xffff;
	[tilespmem:v0+s21+$0xFFFFFFE0 ss:$0x1] =	vst.idx.msk $0xffff, v4  }
0x4d: {  	v6 =	vld.idx.msk [tilespmem:v1+s20+$0xFFFFFFA0 ss:$0x1], $0xffff;
	[tilespmem:v0+s21+$0xFFFFFFF0 ss:$0x1] =	vst.idx.msk $0xffff, v2  }
.Ltmp3:
0x4e: {  	v4 =	vld.idx.msk [tilespmem:v1+s20+$0xFFFFFFB0 ss:$0x1], $0xffff;
	[tilespmem:v0+s21+$0x0 ss:$0x1] =	vst.idx.msk $0xffff, v3;
	(pc) =	sbr.rel @p0 .LBB1_3-.Ltmp3, $4  }
0x4f: {  	v2 =	vld.idx.msk [tilespmem:v1+s20+$0xFFFFFFC0 ss:$0x1], $0xffff;
	[tilespmem:v0+s21+$0x10 ss:$0x1] =	vst.idx.msk $0xffff, v5  }
0x50: {  	v3 =	vld.idx.msk [tilespmem:v1+s20+$0xFFFFFFD0 ss:$0x1], $0xffff;
	[tilespmem:v0+s21+$0x20 ss:$0x1] =	vst.idx.msk $0xffff, v7;
	s21 =	smov.u32 s20  }
0x51: {  	v5 =	vld.idx.msk [tilespmem:v1+s21+$0xFFFFFFE0 ss:$0x1], $0xffff;
	[tilespmem:v0+s21+$0x30 ss:$0x1] =	vst.idx.msk $0xffff, v8  }
0x52: {  	s20 =	sshra.s32 s22, $0x2;
	s22 =	sadd.s32 $0x200, s22;
	[tilespmem:v0+s21+$0xFFFFFFC0 ss:$0x1] =	vst.idx.msk $0xffff, v9;
	v7 =	vld.idx.msk [tilespmem:v1+s21+$0xFFFFFFF0 ss:$0x1], $0xffff  }
.Ltmp4:
0x53: {  	_ = 	snop;
	(pc) =	sbr.rel .LBB1_4-.Ltmp4, $1  }
0x54: {  	_ =	sdelay $0x3  }
.LBB1_6:
0x55: {  	_ =	sfence.sel $0x180000  }
0x56: {  	s1 =	simm.s32 $0x1;
	[bflag:$0x0] =	sbarrier.arrive $0xFFFF  }
0x57: {  	s31 =	simm.s32 $0x2;
	[sflag:s1] =	ssyncpa.u1 $0x1  }
0x58: {  	[sflag:s31] =	ssyncpa.u1 $0x1  }
0x59: {  	p0 =	sne.s32 s0, $0x0;
	_ =	strace $0x9000004A  }
0x5a: {  	s0 =	sadd.s32 @!p0 $0x100000, s4;
	[bflag:$0x2] =	sbarrier.arrive $0xFFFF  }
0x5b: {  	[sflag:s0] =	ssyncadd.tile.s32 @!p0 $0x1;
	_ =	shalt  }
.Lfunc_end1:
_tile_overlayer_lowered:
.L_overlay_start_2:
0x5c: {  	(tag) =	ssettag $0x2  }
0x5d: {  	s0 =	rddreg [dreg:$0x0];
	s2 =	stileid.u32  }
0x5e: {  	s1 =	rddreg [dreg:$0x1];
	p0 =	sne.s32 s2, $0x0  }
0x5f: {  	s3 =	rddreg [dreg:$0x2];
	[bflag:$0x3] =	sbarrier.arrive $0xFFFF;
	s2 =	simm.s32 @!p0 $0x1C01  }
0x60: {  	[timem:s3], [sflag:s2] =	dma.local @!p0 [hbm:s0], s1  }
0x61: {  	s0 =	simm.s32 @!p0 $0x1  }
0x62: {  	_ =	swait.ge @!p0 [sflag:s0], s1  }
0x63: {  	s1 =	ssub.s32 @!p0 $0x0, s1;
	[sflag:s0] =	ssyncset.done @!p0 $0x0  }
0x64: {  	[sflag:s0] =	ssyncadd.s32 @!p0 s1  }
0x65: {  	[bflag:$0x3] =	sbarrier.arrive $0xFFFF  }
0x66: {  	_ =	shalt  }

</sc_bundles>
